<compile_context>
chip_gen: v7x
topology: tpu7x:2x2x1
jax: 0.10.2.dev20260603
libtpu: 0.0.44.dev20260713+nightly
codegen_flags: <defaults>
</compile_context>

<pallas_src>
import functools

import jax
import jax.numpy as jnp
from jax import lax
from jax.experimental import pallas as pl
from jax.experimental.pallas import tpu as pltpu
from jax.experimental.pallas import tpu_sc as plsc

N = 10000
E = 320000
HID = 128
OUT = 128

NC = 2
NS = 16
NW = NC * NS
EPW = E // NW
CHUNK = 125
NCHUNK = EPW // CHUNK
RPT = N // NS
LANES = 16


def _scal_body(src_x_ref, dst_x_ref, W_as_ref, b_as_ref, W_ad_ref, b_ad_ref,
               W_a_ref, b_a_ref, s_src_ref, s_dst_ref):
  w_lo = W_a_ref[0:HID, :]
  w_hi = W_a_ref[HID:2 * HID, :]
  v_s = jnp.dot(W_as_ref[...], w_hi, preferred_element_type=jnp.float32)
  v_d = jnp.dot(W_ad_ref[...], w_lo, preferred_element_type=jnp.float32)
  c = (jnp.dot(b_as_ref[...].reshape(1, HID), w_hi,
               preferred_element_type=jnp.float32)
       + jnp.dot(b_ad_ref[...].reshape(1, HID), w_lo,
                 preferred_element_type=jnp.float32)
       + b_a_ref[...].reshape(1, 1))
  s_src_ref[...] = jnp.dot(src_x_ref[...], v_s,
                           preferred_element_type=jnp.float32)
  s_dst_ref[...] = jnp.dot(dst_x_ref[...], v_d,
                           preferred_element_type=jnp.float32) + c


_scal = pl.pallas_call(
    _scal_body,
    out_shape=[
        jax.ShapeDtypeStruct((N, 1), jnp.float32),
        jax.ShapeDtypeStruct((N, 1), jnp.float32),
    ],
)


def _hid_body(src_x_ref, dst_x_ref, W_src_ref, b_src_ref, W_dst_ref,
              b_dst_ref, hid_src_ref, hid_dst_ref):
  def bn(h):
    mu = jnp.mean(h, axis=0, keepdims=True)
    d = h - mu
    var = jnp.mean(d * d, axis=0, keepdims=True)
    return d / jnp.sqrt(var + 1e-5)

  hid_src_ref[...] = bn(
      jnp.dot(src_x_ref[...], W_src_ref[...],
              preferred_element_type=jnp.float32) + b_src_ref[...])
  hid_dst_ref[...] = bn(
      jnp.dot(dst_x_ref[...], W_dst_ref[...],
              preferred_element_type=jnp.float32) + b_dst_ref[...])


_hid = pl.pallas_call(
    _hid_body,
    out_shape=[
        jax.ShapeDtypeStruct((N, HID), jnp.float32),
        jax.ShapeDtypeStruct((N, HID), jnp.float32),
    ],
)


def _exw_body(s_src_hbm, s_dst_hbm, eidx_hbm, ex_out_hbm, den_out_hbm,
              s_src_v, s_dst_v, sidx_v, didx_v, ex_v, den_v, lsem):
  c = lax.axis_index("c")
  s = lax.axis_index("s")
  wid = s * NC + c
  cp1 = pltpu.async_copy(s_src_hbm, s_src_v, lsem)
  cp2 = pltpu.async_copy(s_dst_hbm, s_dst_v, lsem)
  cp3 = pltpu.async_copy(eidx_hbm.at[0, wid], sidx_v, lsem)
  cp4 = pltpu.async_copy(eidx_hbm.at[1, wid], didx_v, lsem)

  def zstep(k, carry):
    den_v[pl.ds(k * LANES, LANES)] = jnp.zeros((LANES,), jnp.float32)
    return carry

  lax.fori_loop(0, N // LANES, zstep, 0)
  cp1.wait()
  cp2.wait()
  cp3.wait()
  cp4.wait()

  def step(k, carry):
    si = sidx_v[pl.ds(k * LANES, LANES)]
    di = didx_v[pl.ds(k * LANES, LANES)]
    a = plsc.load_gather(s_src_v, [si]) + plsc.load_gather(s_dst_v, [di])
    e2a = jnp.exp(a + a)
    ta = 1.0 - 2.0 / (e2a + 1.0)
    ex = jnp.exp(ta)
    ex_v[pl.ds(k * LANES, LANES)] = ex
    plsc.addupdate_scatter(den_v, [di], ex)
    return carry

  lax.fori_loop(0, EPW // LANES, step, 0)
  pltpu.sync_copy(ex_v, ex_out_hbm.at[wid])
  pltpu.sync_copy(den_v, den_out_hbm.at[wid])


@functools.cache
def _exw():
  return functools.partial(
      pl.kernel,
      out_type=[
          jax.ShapeDtypeStruct((NW, EPW), jnp.float32),
          jax.ShapeDtypeStruct((NW, N), jnp.float32),
      ],
      mesh=plsc.VectorSubcoreMesh(core_axis_name="c", subcore_axis_name="s"),
      scratch_types=[
          pltpu.VMEM((N,), jnp.float32),
          pltpu.VMEM((N,), jnp.float32),
          pltpu.VMEM((EPW,), jnp.int32),
          pltpu.VMEM((EPW,), jnp.int32),
          pltpu.VMEM((EPW,), jnp.float32),
          pltpu.VMEM((N,), jnp.float32),
          pltpu.SemaphoreType.DMA,
      ],
      compiler_params=pltpu.CompilerParams(use_tc_tiling_on_sc=False,
                                           needs_layout_passes=False),
  )(_exw_body)


def _agg_body(eidx_hbm, ex_hbm, hid_hbm, u_out_hbm, sd_v, ex4_v, rows_v,
              u_sh, isem0, isem1, isem2, isem3, gsem0, gsem1, ssem0, ssem1):
  c = lax.axis_index("c")
  s = lax.axis_index("s")
  wid = s * NC + c
  isems = (isem0, isem1, isem2, isem3)
  gsems = (gsem0, gsem1)
  ssems = (ssem0, ssem1)

  def zero_row(e, carry2):
    for j in range(HID // LANES):
      rows_v[0, e, pl.ds(j * LANES, LANES)] = jnp.zeros((LANES,), jnp.float32)
    return carry2

  lax.fori_loop(0, CHUNK, zero_row, 0)
  for k in range(RPT // CHUNK):
    pltpu.sync_copy(rows_v.at[0], u_sh.at[pl.ds(s * RPT + k * CHUNK, CHUNK)])
  rem = RPT % CHUNK
  if rem:
    pltpu.sync_copy(rows_v.at[0, pl.ds(0, rem)],
                    u_sh.at[pl.ds(s * RPT + (RPT // CHUNK) * CHUNK, rem)])
  plsc.subcore_barrier()

  def idx_start(t, slot):
    pltpu.async_copy(eidx_hbm.at[0, wid, t], sd_v.at[slot, 0], isems[slot])
    pltpu.async_copy(eidx_hbm.at[1, wid, t], sd_v.at[slot, 1], isems[slot])
    pltpu.async_copy(ex_hbm.at[wid, t], ex4_v.at[slot], isems[slot])

  def idx_wait(t, slot):
    pltpu.make_async_copy(eidx_hbm.at[0, wid, t], sd_v.at[slot, 0],
                          isems[slot]).wait()
    pltpu.make_async_copy(eidx_hbm.at[1, wid, t], sd_v.at[slot, 1],
                          isems[slot]).wait()
    pltpu.make_async_copy(ex_hbm.at[wid, t], ex4_v.at[slot],
                          isems[slot]).wait()

  def gather_start(t, slot, rslot):
    pltpu.async_copy(hid_hbm.at[sd_v.at[slot, 0]], rows_v.at[rslot],
                     gsems[rslot])

  def gather_wait(t, slot, rslot):
    pltpu.make_async_copy(hid_hbm.at[sd_v.at[slot, 0]], rows_v.at[rslot],
                          gsems[rslot]).wait()

  def scatter_start(t, slot, rslot):
    pltpu.async_copy(rows_v.at[rslot], u_sh.at[sd_v.at[slot, 1]],
                     ssems[rslot], add=True)

  def scatter_wait(t, slot, rslot):
    pltpu.make_async_copy(rows_v.at[rslot], u_sh.at[sd_v.at[slot, 1]],
                          ssems[rslot]).wait()

  idx_start(0, 0)
  idx_start(1, 1)
  idx_wait(0, 0)
  gather_start(0, 0, 0)

  def body(i, carry):
    for p in range(4):
      t = i * 4 + p
      r = p % 2
      gather_wait(t, p, r)

      @pl.when(t + 1 < NCHUNK)
      def _():
        idx_wait(t + 1, (p + 1) % 4)

      @pl.when(t >= 1)
      def _():
        scatter_wait(t - 1, (p + 3) % 4, 1 - r)

      @pl.when(t + 1 < NCHUNK)
      def _():
        gather_start(t + 1, (p + 1) % 4, 1 - r)

      @pl.when(t + 2 < NCHUNK)
      def _():
        idx_start(t + 2, (p + 2) % 4)

      def _scale(e, carry3):
        exs = plsc.load_gather(
            ex4_v, [jnp.full((LANES,), p, jnp.int32),
                    jnp.broadcast_to(e, (LANES,)).astype(jnp.int32)])
        for j in range(HID // LANES):
          rows_v[r, e, pl.ds(j * LANES, LANES)] = (
              rows_v[r, e, pl.ds(j * LANES, LANES)] * exs)
        return carry3

      lax.fori_loop(0, CHUNK, _scale, 0)
      scatter_start(t, p, r)
    return carry

  lax.fori_loop(0, NCHUNK // 4, body, 0)
  scatter_wait(NCHUNK - 1, (NCHUNK - 1) % 4, (NCHUNK - 1) % 2)
  plsc.subcore_barrier()
  for k in range(RPT // CHUNK):
    pltpu.sync_copy(u_sh.at[pl.ds(s * RPT + k * CHUNK, CHUNK)],
                    u_out_hbm.at[c, pl.ds(s * RPT + k * CHUNK, CHUNK)])
  if rem:
    off = (RPT // CHUNK) * CHUNK
    pltpu.sync_copy(u_sh.at[pl.ds(s * RPT + off, rem)],
                    u_out_hbm.at[c, pl.ds(s * RPT + off, rem)])


@functools.cache
def _agg():
  return functools.partial(
      pl.kernel,
      out_type=jax.ShapeDtypeStruct((NC, N, HID), jnp.float32),
      mesh=plsc.VectorSubcoreMesh(core_axis_name="c", subcore_axis_name="s"),
      scratch_types=[
          pltpu.VMEM((4, 2, CHUNK), jnp.int32),
          pltpu.VMEM((4, CHUNK), jnp.float32),
          pltpu.VMEM((2, CHUNK, HID), jnp.float32),
          pltpu.VMEM_SHARED((N, HID), jnp.float32),
          pltpu.SemaphoreType.DMA,
          pltpu.SemaphoreType.DMA,
          pltpu.SemaphoreType.DMA,
          pltpu.SemaphoreType.DMA,
          pltpu.SemaphoreType.DMA,
          pltpu.SemaphoreType.DMA,
          pltpu.SemaphoreType.DMA,
          pltpu.SemaphoreType.DMA,
      ],
      compiler_params=pltpu.CompilerParams(use_tc_tiling_on_sc=False,
                                           needs_layout_passes=False),
  )(_agg_body)


def _post_body(u_ref, den_ref, hid_dst_ref, W_o_ref, b_o_ref, skip_ref,
               out_ref):
  u = u_ref[0] + u_ref[1]
  den = jnp.sum(den_ref[...], axis=0)
  t = u / den[:, None]
  alpha = 1.0 / (1.0 + jnp.exp(-skip_ref[...].reshape(1, 1)))
  trans = alpha * t + (1.0 - alpha) * hid_dst_ref[...]
  out_ref[...] = jnp.dot(trans, W_o_ref[...],
                         preferred_element_type=jnp.float32) + b_o_ref[...]


_post = pl.pallas_call(
    _post_body,
    out_shape=jax.ShapeDtypeStruct((N, OUT), jnp.float32),
)


def kernel(src_x, dst_x, W_src, b_src, W_dst, b_dst, W_as, b_as, W_ad, b_ad,
           W_a, b_a, W_o, b_o, skip, edge_index):
  s_src, s_dst = _scal(src_x, dst_x, W_as, b_as, W_ad, b_ad, W_a, b_a)
  hid_src, hid_dst = _hid(src_x, dst_x, W_src, b_src, W_dst, b_dst)
  eidx = edge_index.reshape(2, NW, EPW)
  ex, den = _exw()(s_src.reshape(N), s_dst.reshape(N), eidx)
  u = _agg()(edge_index.reshape(2, NW, NCHUNK, CHUNK),
             ex.reshape(NW, NCHUNK, CHUNK), hid_src)
  return _post(u, den, hid_dst, W_o, b_o, skip)

# --- scband reference (transcript-rebuilt; emitter-appended) ---
"""Pipeline reference for scband-node-level-attention-block-81097572483637 (READ-ONLY COPY).

The authoritative reference and input builder live on the scoring server;
editing this copy changes nothing except your own understanding.
"""

import jax, jax.numpy as jnp
import numpy as np

N_SRC = 10000
N_DST = 10000
E = 320000
SRC_DIM = 128
DST_DIM = 128
HID = 128
OUT = 128


def _linear_params(k, fan_in, fan_out):
    bound = 1.0 / np.sqrt(fan_in)
    k1, k2 = jax.random.split(k)
    W = jax.random.uniform(k1, (fan_in, fan_out), minval=-bound, maxval=bound, dtype=jnp.float32)
    b = jax.random.uniform(k2, (fan_out,), minval=-bound, maxval=bound, dtype=jnp.float32)
    return W, b


def setup_inputs(seed: int = 0) -> dict:
    key = jax.random.key(seed)
    ks = jax.random.split(key, 9)
    src_x = jax.random.normal(ks[0], (N_SRC, SRC_DIM), dtype=jnp.float32)
    dst_x = jax.random.normal(ks[1], (N_DST, DST_DIM), dtype=jnp.float32)
    edge_index = jax.random.randint(ks[2], (2, E), 0, N_SRC, dtype=jnp.int32)
    W_src, b_src = _linear_params(ks[3], SRC_DIM, HID)
    W_dst, b_dst = _linear_params(ks[4], DST_DIM, HID)
    W_as, b_as = _linear_params(ks[5], SRC_DIM, HID)
    W_ad, b_ad = _linear_params(ks[6], DST_DIM, HID)
    W_a, b_a = _linear_params(ks[7], 2 * HID, 1)
    W_o, b_o = _linear_params(ks[8], HID, OUT)
    skip = jnp.zeros((1,), dtype=jnp.float32)
    return {
        'src_x': src_x, 'dst_x': dst_x,
        'W_src': W_src, 'b_src': b_src,
        'W_dst': W_dst, 'b_dst': b_dst,
        'W_as': W_as, 'b_as': b_as,
        'W_ad': W_ad, 'b_ad': b_ad,
        'W_a': W_a, 'b_a': b_a,
        'W_o': W_o, 'b_o': b_o,
        'skip': skip,
        'edge_index': edge_index,
    }


def _batchnorm(h, eps=1e-5):
    # BatchNorm1d in training mode with gamma=1, beta=0 (fresh init)
    mu = jnp.mean(h, axis=0, keepdims=True)
    var = jnp.mean((h - mu) ** 2, axis=0, keepdims=True)
    return (h - mu) / jnp.sqrt(var + eps)


def reference(src_x, dst_x, W_src, b_src, W_dst, b_dst, W_as, b_as, W_ad, b_ad, W_a, b_a, W_o, b_o, skip, edge_index):
    src = edge_index[0]
    dst = edge_index[1]
    # node transforms
    hid_src = _batchnorm(src_x @ W_src + b_src)
    hid_dst = _batchnorm(dst_x @ W_dst + b_dst)
    att_src = src_x @ W_as + b_as
    att_dst = dst_x @ W_ad + b_ad
    # edge attention: Attention(cat(dst_att, src_att))
    e_feat = jnp.concatenate([att_dst[dst], att_src[src]], axis=1)
    a = jnp.squeeze(e_feat @ W_a + b_a, axis=-1)  # [E]
    ta = jnp.tanh(a)
    # per-dst-node softmax over incoming edges (mailbox softmax)
    m = jax.ops.segment_max(ta, dst, num_segments=N_DST)
    ex = jnp.exp(ta - m[dst])
    denom = jax.ops.segment_sum(ex, dst, num_segments=N_DST)
    att = ex / denom[dst]
    # weighted sum of messages v = hid_src[src]
    t = jax.ops.segment_sum(att[:, None] * hid_src[src], dst, num_segments=N_DST)
    alpha = jax.nn.sigmoid(skip)
    trans_out = alpha * t + (1.0 - alpha) * hid_dst
    out = trans_out @ W_o + b_o
    return out

if __name__ == "__main__":
    import jax
    _d = setup_inputs()
    print(jax.jit(kernel)(*tuple(_d.values())))

</pallas_src>

<mosaic_0001>
#map = affine_map<(d0, d1) -> (0)>
#map1 = affine_map<(d0, d1) -> (0, 0, 0)>
#map2 = affine_map<(d0, d1) -> (0, 0)>
module attributes {stable_mosaic.version = 14 : i64} {
  func.func @_exw_body(%arg0: i32, %arg1: i32, %arg2: memref<10000xf32, #tpu.memory_space<hbm>>, %arg3: memref<10000xf32, #tpu.memory_space<hbm>>, %arg4: memref<2x32x10000xi32, #tpu.memory_space<hbm>>, %arg5: memref<32x10000xf32, #tpu.memory_space<hbm>>, %arg6: memref<32x10000xf32, #tpu.memory_space<hbm>>, %arg7: memref<10000xf32, #tpu.memory_space<vmem>>, %arg8: memref<10000xf32, #tpu.memory_space<vmem>>, %arg9: memref<10000xi32, #tpu.memory_space<vmem>>, %arg10: memref<10000xi32, #tpu.memory_space<vmem>>, %arg11: memref<10000xf32, #tpu.memory_space<vmem>>, %arg12: memref<10000xf32, #tpu.memory_space<vmem>>, %arg13: memref<!tpu.dma_semaphore, #tpu.memory_space<semaphore_mem>>) attributes {dimension_semantics = [#tpu.dimension_semantics<core_parallel>, #tpu.dimension_semantics<subcore_parallel>], iteration_bounds = array<i64: 2, 16>, scalar_prefetch = 0 : i64, scratch_operands = 7 : i64, tpu.core_type = #tpu.core_type<sc_vector_subcore>, window_params = [{transform_indices = #map}, {transform_indices = #map}, {transform_indices = #map1}, {transform_indices = #map2}, {transform_indices = #map2}]} {
    %mul3A = arith.constant 2 : i32
    %mul3A_0 = arith.muli %arg1, %mul3A : i32
    %add3A = arith.addi %mul3A_0, %arg0 : i32
    tpu.enqueue_dma source(%arg2 : memref<10000xf32, #tpu.memory_space<hbm>>) target(%arg7 : memref<10000xf32, #tpu.memory_space<vmem>>) target_semaphore(%arg13 : memref<!tpu.dma_semaphore, #tpu.memory_space<semaphore_mem>>)
    tpu.enqueue_dma source(%arg3 : memref<10000xf32, #tpu.memory_space<hbm>>) target(%arg8 : memref<10000xf32, #tpu.memory_space<vmem>>) target_semaphore(%arg13 : memref<!tpu.dma_semaphore, #tpu.memory_space<semaphore_mem>>)
    %dma_start3A = arith.constant 0 : i32
    %dma_start3A_1 = arith.constant 0 : i32
    %dma_start3A_2 = tpu.memref_slice %arg4[%dma_start3A, %add3A, %dma_start3A_1] : memref<2x32x10000xi32, #tpu.memory_space<hbm>> -> memref<1x1x10000xi32, #tpu.memory_space<hbm>>
    %dma_start3A_3 = tpu.memref_squeeze %dma_start3A_2 : memref<1x1x10000xi32, #tpu.memory_space<hbm>> -> memref<10000xi32, #tpu.memory_space<hbm>>
    %dma_start3A_4 = arith.constant 0 : i32
    %dma_start3A_5 = tpu.memref_slice %arg4[%dma_start3A, %add3A, %dma_start3A_4] : memref<2x32x10000xi32, #tpu.memory_space<hbm>> -> memref<1x1x10000xi32, #tpu.memory_space<hbm>>
    %dma_start3A_6 = tpu.memref_squeeze %dma_start3A_5 : memref<1x1x10000xi32, #tpu.memory_space<hbm>> -> memref<10000xi32, #tpu.memory_space<hbm>>
    tpu.enqueue_dma source(%dma_start3A_6 : memref<10000xi32, #tpu.memory_space<hbm>>) target(%arg9 : memref<10000xi32, #tpu.memory_space<vmem>>) target_semaphore(%arg13 : memref<!tpu.dma_semaphore, #tpu.memory_space<semaphore_mem>>)
    %dma_start3A_7 = arith.constant 1 : i32
    %dma_start3A_8 = arith.constant 0 : i32
    %dma_start3A_9 = tpu.memref_slice %arg4[%dma_start3A_7, %add3A, %dma_start3A_8] : memref<2x32x10000xi32, #tpu.memory_space<hbm>> -> memref<1x1x10000xi32, #tpu.memory_space<hbm>>
    %dma_start3A_10 = tpu.memref_squeeze %dma_start3A_9 : memref<1x1x10000xi32, #tpu.memory_space<hbm>> -> memref<10000xi32, #tpu.memory_space<hbm>>
    %dma_start3A_11 = arith.constant 0 : i32
    %dma_start3A_12 = tpu.memref_slice %arg4[%dma_start3A_7, %add3A, %dma_start3A_11] : memref<2x32x10000xi32, #tpu.memory_space<hbm>> -> memref<1x1x10000xi32, #tpu.memory_space<hbm>>
    %dma_start3A_13 = tpu.memref_squeeze %dma_start3A_12 : memref<1x1x10000xi32, #tpu.memory_space<hbm>> -> memref<10000xi32, #tpu.memory_space<hbm>>
    tpu.enqueue_dma source(%dma_start3A_13 : memref<10000xi32, #tpu.memory_space<hbm>>) target(%arg10 : memref<10000xi32, #tpu.memory_space<vmem>>) target_semaphore(%arg13 : memref<!tpu.dma_semaphore, #tpu.memory_space<semaphore_mem>>)
    %scan3A = arith.constant 0 : i32
    %scan3A_14 = arith.constant 0 : i32
    %scan3A_15 = arith.constant 625 : i32
    %scan3A_16 = arith.addi %scan3A_14, %scan3A_15 : i32
    %scan3A_17 = arith.constant 1 : i32
    scf.for %scan3A_38 = %scan3A_14 to %scan3A_16 step %scan3A_17  : i32 {
      %broadcast_in_dim3A = arith.constant 0.000000e+00 : f32
      %broadcast_in_dim3A_39 = vector.broadcast %broadcast_in_dim3A : f32 to vector<16xf32>
      %mul3A_40 = arith.constant 16 : i32
      %mul3A_41 = arith.muli %scan3A_38, %mul3A_40 : i32
      %swap3A = arith.index_cast %mul3A_41 : i32 to index
      %swap3A_42 = tpu.vector_load %arg12[%swap3A] {strides = array<i32>} : memref<10000xf32, #tpu.memory_space<vmem>>, vector<16xf32>,
      tpu.vector_store %arg12[%swap3A], %broadcast_in_dim3A_39 {strides = array<i32>} : memref<10000xf32, #tpu.memory_space<vmem>>, vector<16xf32>,
    }
    %scan3A_18 = arith.constant 625 : i32
    tpu.wait_dma2 semaphore(%arg13 : memref<!tpu.dma_semaphore, #tpu.memory_space<semaphore_mem>>) src(%arg2 : memref<10000xf32, #tpu.memory_space<hbm>>) dst(%arg7 : memref<10000xf32, #tpu.memory_space<vmem>>)
    tpu.wait_dma2 semaphore(%arg13 : memref<!tpu.dma_semaphore, #tpu.memory_space<semaphore_mem>>) src(%arg3 : memref<10000xf32, #tpu.memory_space<hbm>>) dst(%arg8 : memref<10000xf32, #tpu.memory_space<vmem>>)
    %dma_wait3A = arith.constant 0 : i32
    %dma_wait3A_19 = arith.constant 0 : i32
    %dma_wait3A_20 = tpu.memref_slice %arg4[%dma_wait3A, %add3A, %dma_wait3A_19] : memref<2x32x10000xi32, #tpu.memory_space<hbm>> -> memref<1x1x10000xi32, #tpu.memory_space<hbm>>
    %dma_wait3A_21 = tpu.memref_squeeze %dma_wait3A_20 : memref<1x1x10000xi32, #tpu.memory_space<hbm>> -> memref<10000xi32, #tpu.memory_space<hbm>>
    %dma_wait3A_22 = arith.constant 0 : i32
    %dma_wait3A_23 = tpu.memref_slice %arg4[%dma_wait3A, %add3A, %dma_wait3A_22] : memref<2x32x10000xi32, #tpu.memory_space<hbm>> -> memref<1x1x10000xi32, #tpu.memory_space<hbm>>
    %dma_wait3A_24 = tpu.memref_squeeze %dma_wait3A_23 : memref<1x1x10000xi32, #tpu.memory_space<hbm>> -> memref<10000xi32, #tpu.memory_space<hbm>>
    tpu.wait_dma2 semaphore(%arg13 : memref<!tpu.dma_semaphore, #tpu.memory_space<semaphore_mem>>) src(%dma_wait3A_24 : memref<10000xi32, #tpu.memory_space<hbm>>) dst(%arg9 : memref<10000xi32, #tpu.memory_space<vmem>>)
    %dma_wait3A_25 = arith.constant 1 : i32
    %dma_wait3A_26 = arith.constant 0 : i32
    %dma_wait3A_27 = tpu.memref_slice %arg4[%dma_wait3A_25, %add3A, %dma_wait3A_26] : memref<2x32x10000xi32, #tpu.memory_space<hbm>> -> memref<1x1x10000xi32, #tpu.memory_space<hbm>>
    %dma_wait3A_28 = tpu.memref_squeeze %dma_wait3A_27 : memref<1x1x10000xi32, #tpu.memory_space<hbm>> -> memref<10000xi32, #tpu.memory_space<hbm>>
    %dma_wait3A_29 = arith.constant 0 : i32
    %dma_wait3A_30 = tpu.memref_slice %arg4[%dma_wait3A_25, %add3A, %dma_wait3A_29] : memref<2x32x10000xi32, #tpu.memory_space<hbm>> -> memref<1x1x10000xi32, #tpu.memory_space<hbm>>
    %dma_wait3A_31 = tpu.memref_squeeze %dma_wait3A_30 : memref<1x1x10000xi32, #tpu.memory_space<hbm>> -> memref<10000xi32, #tpu.memory_space<hbm>>
    tpu.wait_dma2 semaphore(%arg13 : memref<!tpu.dma_semaphore, #tpu.memory_space<semaphore_mem>>) src(%dma_wait3A_31 : memref<10000xi32, #tpu.memory_space<hbm>>) dst(%arg10 : memref<10000xi32, #tpu.memory_space<vmem>>)
    %scan3A_32 = arith.constant 0 : i32
    %scan3A_33 = arith.constant 0 : i32
    %scan3A_34 = arith.constant 625 : i32
    %scan3A_35 = arith.addi %scan3A_33, %scan3A_34 : i32
    %scan3A_36 = arith.constant 1 : i32
    scf.for %scan3A_38 = %scan3A_33 to %scan3A_35 step %scan3A_36  : i32 {
      %mul3A_39 = arith.constant 16 : i32
      %mul3A_40 = arith.muli %scan3A_38, %mul3A_39 : i32
      %get3A = arith.index_cast %mul3A_40 : i32 to index
      %get3A_41 = tpu.vector_load %arg9[%get3A] {strides = array<i32>} : memref<10000xi32, #tpu.memory_space<vmem>>, vector<16xi32>,
      %mul3A_42 = arith.constant 16 : i32
      %mul3A_43 = arith.muli %scan3A_38, %mul3A_42 : i32
      %get3A_44 = arith.index_cast %mul3A_43 : i32 to index
      %get3A_45 = tpu.vector_load %arg10[%get3A_44] {strides = array<i32>} : memref<10000xi32, #tpu.memory_space<vmem>>, vector<16xi32>,
      %gather3A = tpu.vector_load_idx %arg7[%get3A_41] : memref<10000xf32, #tpu.memory_space<vmem>>[vector<16xi32>], vector<16xf32>,
      %gather3A_46 = tpu.vector_load_idx %arg8[%get3A_45] : memref<10000xf32, #tpu.memory_space<vmem>>[vector<16xi32>], vector<16xf32>,
      %add3A_47 = arith.addf %gather3A, %gather3A_46 : vector<16xf32>
      %add3A_48 = arith.addf %add3A_47, %add3A_47 : vector<16xf32>
      %exp3A = math.exp %add3A_48 : vector<16xf32>
      %add3A_49 = arith.constant 1.000000e+00 : f32
      %add3A_50 = vector.broadcast %add3A_49 : f32 to vector<16xf32>
      %add3A_51 = arith.addf %exp3A, %add3A_50 : vector<16xf32>
      %div3A = arith.constant 2.000000e+00 : f32
      %div3A_52 = vector.broadcast %div3A : f32 to vector<16xf32>
      %div3A_53 = arith.divf %div3A_52, %add3A_51 : vector<16xf32>
      %sub3A = arith.constant 1.000000e+00 : f32
      %sub3A_54 = vector.broadcast %sub3A : f32 to vector<16xf32>
      %sub3A_55 = arith.subf %sub3A_54, %div3A_53 : vector<16xf32>
      %exp3A_56 = math.exp %sub3A_55 : vector<16xf32>
      %mul3A_57 = arith.constant 16 : i32
      %mul3A_58 = arith.muli %scan3A_38, %mul3A_57 : i32
      %swap3A = arith.index_cast %mul3A_58 : i32 to index
      %swap3A_59 = tpu.vector_load %arg11[%swap3A] {strides = array<i32>} : memref<10000xf32, #tpu.memory_space<vmem>>, vector<16xf32>,
      tpu.vector_store %arg11[%swap3A], %exp3A_56 {strides = array<i32>} : memref<10000xf32, #tpu.memory_space<vmem>>, vector<16xf32>,
      tpu.vector_store_idx %arg12[%get3A_45], %exp3A_56 {add = true} : memref<10000xf32, #tpu.memory_space<vmem>>[vector<16xi32>], vector<16xf32>,
    }
    %scan3A_37 = arith.constant 625 : i32
    "tpu.region"() ({
      %run_scoped3A = tpu.sem_alloc : memref<!tpu.dma_semaphore, #tpu.memory_space<semaphore_mem>>
      %dma_start3A_38 = arith.constant 0 : i32
      %dma_start3A_39 = tpu.memref_slice %arg5[%add3A, %dma_start3A_38] : memref<32x10000xf32, #tpu.memory_space<hbm>> -> memref<1x10000xf32, #tpu.memory_space<hbm>>
      %dma_start3A_40 = tpu.memref_squeeze %dma_start3A_39 : memref<1x10000xf32, #tpu.memory_space<hbm>> -> memref<10000xf32, #tpu.memory_space<hbm>>
      %dma_start3A_41 = arith.constant 0 : i32
      %dma_start3A_42 = tpu.memref_slice %arg5[%add3A, %dma_start3A_41] : memref<32x10000xf32, #tpu.memory_space<hbm>> -> memref<1x10000xf32, #tpu.memory_space<hbm>>
      %dma_start3A_43 = tpu.memref_squeeze %dma_start3A_42 : memref<1x10000xf32, #tpu.memory_space<hbm>> -> memref<10000xf32, #tpu.memory_space<hbm>>
      tpu.enqueue_dma source(%arg11 : memref<10000xf32, #tpu.memory_space<vmem>>) target(%dma_start3A_43 : memref<10000xf32, #tpu.memory_space<hbm>>) target_semaphore(%run_scoped3A : memref<!tpu.dma_semaphore, #tpu.memory_space<semaphore_mem>>)
      %dma_wait3A_44 = arith.constant 0 : i32
      %dma_wait3A_45 = tpu.memref_slice %arg5[%add3A, %dma_wait3A_44] : memref<32x10000xf32, #tpu.memory_space<hbm>> -> memref<1x10000xf32, #tpu.memory_space<hbm>>
      %dma_wait3A_46 = tpu.memref_squeeze %dma_wait3A_45 : memref<1x10000xf32, #tpu.memory_space<hbm>> -> memref<10000xf32, #tpu.memory_space<hbm>>
      %dma_wait3A_47 = arith.constant 0 : i32
      %dma_wait3A_48 = tpu.memref_slice %arg5[%add3A, %dma_wait3A_47] : memref<32x10000xf32, #tpu.memory_space<hbm>> -> memref<1x10000xf32, #tpu.memory_space<hbm>>
      %dma_wait3A_49 = tpu.memref_squeeze %dma_wait3A_48 : memref<1x10000xf32, #tpu.memory_space<hbm>> -> memref<10000xf32, #tpu.memory_space<hbm>>
      tpu.wait_dma2 semaphore(%run_scoped3A : memref<!tpu.dma_semaphore, #tpu.memory_space<semaphore_mem>>) src(%arg11 : memref<10000xf32, #tpu.memory_space<vmem>>) dst(%dma_wait3A_49 : memref<10000xf32, #tpu.memory_space<hbm>>)
      tpu.yield
    }) : () -> ()
    "tpu.region"() ({
      %run_scoped3A = tpu.sem_alloc : memref<!tpu.dma_semaphore, #tpu.memory_space<semaphore_mem>>
      %dma_start3A_38 = arith.constant 0 : i32
      %dma_start3A_39 = tpu.memref_slice %arg6[%add3A, %dma_start3A_38] : memref<32x10000xf32, #tpu.memory_space<hbm>> -> memref<1x10000xf32, #tpu.memory_space<hbm>>
      %dma_start3A_40 = tpu.memref_squeeze %dma_start3A_39 : memref<1x10000xf32, #tpu.memory_space<hbm>> -> memref<10000xf32, #tpu.memory_space<hbm>>
      %dma_start3A_41 = arith.constant 0 : i32
      %dma_start3A_42 = tpu.memref_slice %arg6[%add3A, %dma_start3A_41] : memref<32x10000xf32, #tpu.memory_space<hbm>> -> memref<1x10000xf32, #tpu.memory_space<hbm>>
      %dma_start3A_43 = tpu.memref_squeeze %dma_start3A_42 : memref<1x10000xf32, #tpu.memory_space<hbm>> -> memref<10000xf32, #tpu.memory_space<hbm>>
      tpu.enqueue_dma source(%arg12 : memref<10000xf32, #tpu.memory_space<vmem>>) target(%dma_start3A_43 : memref<10000xf32, #tpu.memory_space<hbm>>) target_semaphore(%run_scoped3A : memref<!tpu.dma_semaphore, #tpu.memory_space<semaphore_mem>>)
      %dma_wait3A_44 = arith.constant 0 : i32
      %dma_wait3A_45 = tpu.memref_slice %arg6[%add3A, %dma_wait3A_44] : memref<32x10000xf32, #tpu.memory_space<hbm>> -> memref<1x10000xf32, #tpu.memory_space<hbm>>
      %dma_wait3A_46 = tpu.memref_squeeze %dma_wait3A_45 : memref<1x10000xf32, #tpu.memory_space<hbm>> -> memref<10000xf32, #tpu.memory_space<hbm>>
      %dma_wait3A_47 = arith.constant 0 : i32
      %dma_wait3A_48 = tpu.memref_slice %arg6[%add3A, %dma_wait3A_47] : memref<32x10000xf32, #tpu.memory_space<hbm>> -> memref<1x10000xf32, #tpu.memory_space<hbm>>
      %dma_wait3A_49 = tpu.memref_squeeze %dma_wait3A_48 : memref<1x10000xf32, #tpu.memory_space<hbm>> -> memref<10000xf32, #tpu.memory_space<hbm>>
      tpu.wait_dma2 semaphore(%run_scoped3A : memref<!tpu.dma_semaphore, #tpu.memory_space<semaphore_mem>>) src(%arg12 : memref<10000xf32, #tpu.memory_space<vmem>>) dst(%dma_wait3A_49 : memref<10000xf32, #tpu.memory_space<hbm>>)
      tpu.yield
    }) : () -> ()
    return
  }
}

#map = affine_map<(d0, d1) -> (0, 0, 0, 0)>
#map1 = affine_map<(d0, d1) -> (0, 0, 0)>
#map2 = affine_map<(d0, d1) -> (0, 0)>
module attributes {stable_mosaic.version = 14 : i64} {
  func.func @_agg_body(%arg0: i32, %arg1: i32, %arg2: memref<2x32x80x125xi32, #tpu.memory_space<hbm>>, %arg3: memref<32x80x125xf32, #tpu.memory_space<hbm>>, %arg4: memref<10000x128xf32, #tpu.memory_space<hbm>>, %arg5: memref<2x10000x128xf32, #tpu.memory_space<hbm>>, %arg6: memref<4x2x125xi32, #tpu.memory_space<vmem>>, %arg7: memref<4x125xf32, #tpu.memory_space<vmem>>, %arg8: memref<2x125x128xf32, #tpu.memory_space<vmem>>, %arg9: memref<10000x128xf32, #tpu.memory_space<vmem_shared>>, %arg10: memref<!tpu.dma_semaphore, #tpu.memory_space<semaphore_mem>>, %arg11: memref<!tpu.dma_semaphore, #tpu.memory_space<semaphore_mem>>, %arg12: memref<!tpu.dma_semaphore, #tpu.memory_space<semaphore_mem>>, %arg13: memref<!tpu.dma_semaphore, #tpu.memory_space<semaphore_mem>>, %arg14: memref<!tpu.dma_semaphore, #tpu.memory_space<semaphore_mem>>, %arg15: memref<!tpu.dma_semaphore, #tpu.memory_space<semaphore_mem>>, %arg16: memref<!tpu.dma_semaphore, #tpu.memory_space<semaphore_mem>>, %arg17: memref<!tpu.dma_semaphore, #tpu.memory_space<semaphore_mem>>) attributes {dimension_semantics = [#tpu.dimension_semantics<core_parallel>, #tpu.dimension_semantics<subcore_parallel>], iteration_bounds = array<i64: 2, 16>, scalar_prefetch = 0 : i64, scratch_operands = 12 : i64, tpu.core_type = #tpu.core_type<sc_vector_subcore>, window_params = [{transform_indices = #map}, {transform_indices = #map1}, {transform_indices = #map2}, {transform_indices = #map1}]} {
    %mul3A = arith.constant 2 : i32
    %mul3A_0 = arith.muli %arg1, %mul3A : i32
    %add3A = arith.addi %mul3A_0, %arg0 : i32
    %scan3A = arith.constant 0 : i32
    %scan3A_1 = arith.constant 0 : i32
    %scan3A_2 = arith.constant 125 : i32
    %scan3A_3 = arith.addi %scan3A_1, %scan3A_2 : i32
    %scan3A_4 = arith.constant 1 : i32
    scf.for %scan3A_239 = %scan3A_1 to %scan3A_3 step %scan3A_4  : i32 {
      %broadcast_in_dim3A = arith.constant 0.000000e+00 : f32
      %broadcast_in_dim3A_240 = vector.broadcast %broadcast_in_dim3A : f32 to vector<16xf32>
      %swap3A = arith.constant 0 : i32
      %swap3A_241 = arith.index_cast %swap3A : i32 to index
      %swap3A_242 = arith.index_cast %scan3A_239 : i32 to index
      %swap3A_243 = arith.constant 0 : index
      %swap3A_244 = tpu.vector_load %arg8[%swap3A_241, %swap3A_242, %swap3A_243] {strides = array<i32>} : memref<2x125x128xf32, #tpu.memory_space<vmem>>, vector<16xf32>,
      tpu.vector_store %arg8[%swap3A_241, %swap3A_242, %swap3A_243], %broadcast_in_dim3A_240 {strides = array<i32>} : memref<2x125x128xf32, #tpu.memory_space<vmem>>, vector<16xf32>,
      %broadcast_in_dim3A_245 = arith.constant 0.000000e+00 : f32
      %broadcast_in_dim3A_246 = vector.broadcast %broadcast_in_dim3A_245 : f32 to vector<16xf32>
      %swap3A_247 = arith.constant 0 : i32
      %swap3A_248 = arith.index_cast %swap3A_247 : i32 to index
      %swap3A_249 = arith.index_cast %scan3A_239 : i32 to index
      %swap3A_250 = arith.constant 16 : index
      %swap3A_251 = tpu.vector_load %arg8[%swap3A_248, %swap3A_249, %swap3A_250] {strides = array<i32>} : memref<2x125x128xf32, #tpu.memory_space<vmem>>, vector<16xf32>,
      tpu.vector_store %arg8[%swap3A_248, %swap3A_249, %swap3A_250], %broadcast_in_dim3A_246 {strides = array<i32>} : memref<2x125x128xf32, #tpu.memory_space<vmem>>, vector<16xf32>,
      %broadcast_in_dim3A_252 = arith.constant 0.000000e+00 : f32
      %broadcast_in_dim3A_253 = vector.broadcast %broadcast_in_dim3A_252 : f32 to vector<16xf32>
      %swap3A_254 = arith.constant 0 : i32
      %swap3A_255 = arith.index_cast %swap3A_254 : i32 to index
      %swap3A_256 = arith.index_cast %scan3A_239 : i32 to index
      %swap3A_257 = arith.constant 32 : index
      %swap3A_258 = tpu.vector_load %arg8[%swap3A_255, %swap3A_256, %swap3A_257] {strides = array<i32>} : memref<2x125x128xf32, #tpu.memory_space<vmem>>, vector<16xf32>,
      tpu.vector_store %arg8[%swap3A_255, %swap3A_256, %swap3A_257], %broadcast_in_dim3A_253 {strides = array<i32>} : memref<2x125x128xf32, #tpu.memory_space<vmem>>, vector<16xf32>,
      %broadcast_in_dim3A_259 = arith.constant 0.000000e+00 : f32
      %broadcast_in_dim3A_260 = vector.broadcast %broadcast_in_dim3A_259 : f32 to vector<16xf32>
      %swap3A_261 = arith.constant 0 : i32
      %swap3A_262 = arith.index_cast %swap3A_261 : i32 to index
      %swap3A_263 = arith.index_cast %scan3A_239 : i32 to index
      %swap3A_264 = arith.constant 48 : index
      %swap3A_265 = tpu.vector_load %arg8[%swap3A_262, %swap3A_263, %swap3A_264] {strides = array<i32>} : memref<2x125x128xf32, #tpu.memory_space<vmem>>, vector<16xf32>,
      tpu.vector_store %arg8[%swap3A_262, %swap3A_263, %swap3A_264], %broadcast_in_dim3A_260 {strides = array<i32>} : memref<2x125x128xf32, #tpu.memory_space<vmem>>, vector<16xf32>,
      %broadcast_in_dim3A_266 = arith.constant 0.000000e+00 : f32
      %broadcast_in_dim3A_267 = vector.broadcast %broadcast_in_dim3A_266 : f32 to vector<16xf32>
      %swap3A_268 = arith.constant 0 : i32
      %swap3A_269 = arith.index_cast %swap3A_268 : i32 to index
      %swap3A_270 = arith.index_cast %scan3A_239 : i32 to index
      %swap3A_271 = arith.constant 64 : index
      %swap3A_272 = tpu.vector_load %arg8[%swap3A_269, %swap3A_270, %swap3A_271] {strides = array<i32>} : memref<2x125x128xf32, #tpu.memory_space<vmem>>, vector<16xf32>,
      tpu.vector_store %arg8[%swap3A_269, %swap3A_270, %swap3A_271], %broadcast_in_dim3A_267 {strides = array<i32>} : memref<2x125x128xf32, #tpu.memory_space<vmem>>, vector<16xf32>,
      %broadcast_in_dim3A_273 = arith.constant 0.000000e+00 : f32
      %broadcast_in_dim3A_274 = vector.broadcast %broadcast_in_dim3A_273 : f32 to vector<16xf32>
      %swap3A_275 = arith.constant 0 : i32
      %swap3A_276 = arith.index_cast %swap3A_275 : i32 to index
      %swap3A_277 = arith.index_cast %scan3A_239 : i32 to index
      %swap3A_278 = arith.constant 80 : index
      %swap3A_279 = tpu.vector_load %arg8[%swap3A_276, %swap3A_277, %swap3A_278] {strides = array<i32>} : memref<2x125x128xf32, #tpu.memory_space<vmem>>, vector<16xf32>,
      tpu.vector_store %arg8[%swap3A_276, %swap3A_277, %swap3A_278], %broadcast_in_dim3A_274 {strides = array<i32>} : memref<2x125x128xf32, #tpu.memory_space<vmem>>, vector<16xf32>,
      %broadcast_in_dim3A_280 = arith.constant 0.000000e+00 : f32
      %broadcast_in_dim3A_281 = vector.broadcast %broadcast_in_dim3A_280 : f32 to vector<16xf32>
      %swap3A_282 = arith.constant 0 : i32
      %swap3A_283 = arith.index_cast %swap3A_282 : i32 to index
      %swap3A_284 = arith.index_cast %scan3A_239 : i32 to index
      %swap3A_285 = arith.constant 96 : index
      %swap3A_286 = tpu.vector_load %arg8[%swap3A_283, %swap3A_284, %swap3A_285] {strides = array<i32>} : memref<2x125x128xf32, #tpu.memory_space<vmem>>, vector<16xf32>,
      tpu.vector_store %arg8[%swap3A_283, %swap3A_284, %swap3A_285], %broadcast_in_dim3A_281 {strides = array<i32>} : memref<2x125x128xf32, #tpu.memory_space<vmem>>, vector<16xf32>,
      %broadcast_in_dim3A_287 = arith.constant 0.000000e+00 : f32
      %broadcast_in_dim3A_288 = vector.broadcast %broadcast_in_dim3A_287 : f32 to vector<16xf32>
      %swap3A_289 = arith.constant 0 : i32
      %swap3A_290 = arith.index_cast %swap3A_289 : i32 to index
      %swap3A_291 = arith.index_cast %scan3A_239 : i32 to index
      %swap3A_292 = arith.constant 112 : index
      %swap3A_293 = tpu.vector_load %arg8[%swap3A_290, %swap3A_291, %swap3A_292] {strides = array<i32>} : memref<2x125x128xf32, #tpu.memory_space<vmem>>, vector<16xf32>,
      tpu.vector_store %arg8[%swap3A_290, %swap3A_291, %swap3A_292], %broadcast_in_dim3A_288 {strides = array<i32>} : memref<2x125x128xf32, #tpu.memory_space<vmem>>, vector<16xf32>,
    }
    %scan3A_5 = arith.constant 125 : i32
    %mul3A_6 = arith.constant 625 : i32
    %mul3A_7 = arith.muli %arg1, %mul3A_6 : i32
    %add3A_8 = arith.constant 0 : i32
    %add3A_9 = arith.addi %mul3A_7, %add3A_8 : i32
    %run_scoped3A = arith.constant 0 : i32
    "tpu.region"() ({
      %run_scoped3A_239 = tpu.sem_alloc : memref<!tpu.dma_semaphore, #tpu.memory_space<semaphore_mem>>
      %dma_start3A_240 = arith.constant 0 : i32
      %dma_start3A_241 = arith.constant 0 : i32
      %dma_start3A_242 = tpu.memref_slice %arg8[%run_scoped3A, %dma_start3A_240, %dma_start3A_241] : memref<2x125x128xf32, #tpu.memory_space<vmem>> -> memref<1x125x128xf32, #tpu.memory_space<vmem>>
      %dma_start3A_243 = tpu.memref_squeeze %dma_start3A_242 : memref<1x125x128xf32, #tpu.memory_space<vmem>> -> memref<125x128xf32, #tpu.memory_space<vmem>>
      %dma_start3A_244 = arith.constant 0 : i32
      %dma_start3A_245 = tpu.memref_slice %arg9[%add3A_9, %dma_start3A_244] : memref<10000x128xf32, #tpu.memory_space<vmem_shared>> -> memref<125x128xf32, #tpu.memory_space<vmem_shared>>
      %dma_start3A_246 = arith.constant 0 : i32
      %dma_start3A_247 = tpu.memref_slice %arg9[%add3A_9, %dma_start3A_246] : memref<10000x128xf32, #tpu.memory_space<vmem_shared>> -> memref<125x128xf32, #tpu.memory_space<vmem_shared>>
      %dma_start3A_248 = arith.constant 0 : i32
      %dma_start3A_249 = arith.constant 0 : i32
      %dma_start3A_250 = tpu.memref_slice %arg8[%run_scoped3A, %dma_start3A_248, %dma_start3A_249] : memref<2x125x128xf32, #tpu.memory_space<vmem>> -> memref<1x125x128xf32, #tpu.memory_space<vmem>>
      %dma_start3A_251 = tpu.memref_squeeze %dma_start3A_250 : memref<1x125x128xf32, #tpu.memory_space<vmem>> -> memref<125x128xf32, #tpu.memory_space<vmem>>
      tpu.enqueue_dma source(%dma_start3A_251 : memref<125x128xf32, #tpu.memory_space<vmem>>) target(%dma_start3A_247 : memref<125x128xf32, #tpu.memory_space<vmem_shared>>) target_semaphore(%run_scoped3A_239 : memref<!tpu.dma_semaphore, #tpu.memory_space<semaphore_mem>>)
      %dma_wait3A_252 = arith.constant 0 : i32
      %dma_wait3A_253 = arith.constant 0 : i32
      %dma_wait3A_254 = tpu.memref_slice %arg8[%run_scoped3A, %dma_wait3A_252, %dma_wait3A_253] : memref<2x125x128xf32, #tpu.memory_space<vmem>> -> memref<1x125x128xf32, #tpu.memory_space<vmem>>
      %dma_wait3A_255 = tpu.memref_squeeze %dma_wait3A_254 : memref<1x125x128xf32, #tpu.memory_space<vmem>> -> memref<125x128xf32, #tpu.memory_space<vmem>>
      %dma_wait3A_256 = arith.constant 0 : i32
      %dma_wait3A_257 = tpu.memref_slice %arg9[%add3A_9, %dma_wait3A_256] : memref<10000x128xf32, #tpu.memory_space<vmem_shared>> -> memref<125x128xf32, #tpu.memory_space<vmem_shared>>
      %dma_wait3A_258 = arith.constant 0 : i32
      %dma_wait3A_259 = tpu.memref_slice %arg9[%add3A_9, %dma_wait3A_258] : memref<10000x128xf32, #tpu.memory_space<vmem_shared>> -> memref<125x128xf32, #tpu.memory_space<vmem_shared>>
      %dma_wait3A_260 = arith.constant 0 : i32
      %dma_wait3A_261 = arith.constant 0 : i32
      %dma_wait3A_262 = tpu.memref_slice %arg8[%run_scoped3A, %dma_wait3A_260, %dma_wait3A_261] : memref<2x125x128xf32, #tpu.memory_space<vmem>> -> memref<1x125x128xf32, #tpu.memory_space<vmem>>
      %dma_wait3A_263 = tpu.memref_squeeze %dma_wait3A_262 : memref<1x125x128xf32, #tpu.memory_space<vmem>> -> memref<125x128xf32, #tpu.memory_space<vmem>>
      tpu.wait_dma2 semaphore(%run_scoped3A_239 : memref<!tpu.dma_semaphore, #tpu.memory_space<semaphore_mem>>) src(%dma_wait3A_263 : memref<125x128xf32, #tpu.memory_space<vmem>>) dst(%dma_wait3A_259 : memref<125x128xf32, #tpu.memory_space<vmem_shared>>)
      tpu.yield
    }) : () -> ()
    %mul3A_10 = arith.constant 625 : i32
    %mul3A_11 = arith.muli %arg1, %mul3A_10 : i32
    %add3A_12 = arith.constant 125 : i32
    %add3A_13 = arith.addi %mul3A_11, %add3A_12 : i32
    %run_scoped3A_14 = arith.constant 0 : i32
    "tpu.region"() ({
      %run_scoped3A_239 = tpu.sem_alloc : memref<!tpu.dma_semaphore, #tpu.memory_space<semaphore_mem>>
      %dma_start3A_240 = arith.constant 0 : i32
      %dma_start3A_241 = arith.constant 0 : i32
      %dma_start3A_242 = tpu.memref_slice %arg8[%run_scoped3A_14, %dma_start3A_240, %dma_start3A_241] : memref<2x125x128xf32, #tpu.memory_space<vmem>> -> memref<1x125x128xf32, #tpu.memory_space<vmem>>
      %dma_start3A_243 = tpu.memref_squeeze %dma_start3A_242 : memref<1x125x128xf32, #tpu.memory_space<vmem>> -> memref<125x128xf32, #tpu.memory_space<vmem>>
      %dma_start3A_244 = arith.constant 0 : i32
      %dma_start3A_245 = tpu.memref_slice %arg9[%add3A_13, %dma_start3A_244] : memref<10000x128xf32, #tpu.memory_space<vmem_shared>> -> memref<125x128xf32, #tpu.memory_space<vmem_shared>>
      %dma_start3A_246 = arith.constant 0 : i32
      %dma_start3A_247 = tpu.memref_slice %arg9[%add3A_13, %dma_start3A_246] : memref<10000x128xf32, #tpu.memory_space<vmem_shared>> -> memref<125x128xf32, #tpu.memory_space<vmem_shared>>
      %dma_start3A_248 = arith.constant 0 : i32
      %dma_start3A_249 = arith.constant 0 : i32
      %dma_start3A_250 = tpu.memref_slice %arg8[%run_scoped3A_14, %dma_start3A_248, %dma_start3A_249] : memref<2x125x128xf32, #tpu.memory_space<vmem>> -> memref<1x125x128xf32, #tpu.memory_space<vmem>>
      %dma_start3A_251 = tpu.memref_squeeze %dma_start3A_250 : memref<1x125x128xf32, #tpu.memory_space<vmem>> -> memref<125x128xf32, #tpu.memory_space<vmem>>
      tpu.enqueue_dma source(%dma_start3A_251 : memref<125x128xf32, #tpu.memory_space<vmem>>) target(%dma_start3A_247 : memref<125x128xf32, #tpu.memory_space<vmem_shared>>) target_semaphore(%run_scoped3A_239 : memref<!tpu.dma_semaphore, #tpu.memory_space<semaphore_mem>>)
      %dma_wait3A_252 = arith.constant 0 : i32
      %dma_wait3A_253 = arith.constant 0 : i32
      %dma_wait3A_254 = tpu.memref_slice %arg8[%run_scoped3A_14, %dma_wait3A_252, %dma_wait3A_253] : memref<2x125x128xf32, #tpu.memory_space<vmem>> -> memref<1x125x128xf32, #tpu.memory_space<vmem>>
      %dma_wait3A_255 = tpu.memref_squeeze %dma_wait3A_254 : memref<1x125x128xf32, #tpu.memory_space<vmem>> -> memref<125x128xf32, #tpu.memory_space<vmem>>
      %dma_wait3A_256 = arith.constant 0 : i32
      %dma_wait3A_257 = tpu.memref_slice %arg9[%add3A_13, %dma_wait3A_256] : memref<10000x128xf32, #tpu.memory_space<vmem_shared>> -> memref<125x128xf32, #tpu.memory_space<vmem_shared>>
      %dma_wait3A_258 = arith.constant 0 : i32
      %dma_wait3A_259 = tpu.memref_slice %arg9[%add3A_13, %dma_wait3A_258] : memref<10000x128xf32, #tpu.memory_space<vmem_shared>> -> memref<125x128xf32, #tpu.memory_space<vmem_shared>>
      %dma_wait3A_260 = arith.constant 0 : i32
      %dma_wait3A_261 = arith.constant 0 : i32
      %dma_wait3A_262 = tpu.memref_slice %arg8[%run_scoped3A_14, %dma_wait3A_260, %dma_wait3A_261] : memref<2x125x128xf32, #tpu.memory_space<vmem>> -> memref<1x125x128xf32, #tpu.memory_space<vmem>>
      %dma_wait3A_263 = tpu.memref_squeeze %dma_wait3A_262 : memref<1x125x128xf32, #tpu.memory_space<vmem>> -> memref<125x128xf32, #tpu.memory_space<vmem>>
      tpu.wait_dma2 semaphore(%run_scoped3A_239 : memref<!tpu.dma_semaphore, #tpu.memory_space<semaphore_mem>>) src(%dma_wait3A_263 : memref<125x128xf32, #tpu.memory_space<vmem>>) dst(%dma_wait3A_259 : memref<125x128xf32, #tpu.memory_space<vmem_shared>>)
      tpu.yield
    }) : () -> ()
    %mul3A_15 = arith.constant 625 : i32
    %mul3A_16 = arith.muli %arg1, %mul3A_15 : i32
    %add3A_17 = arith.constant 250 : i32
    %add3A_18 = arith.addi %mul3A_16, %add3A_17 : i32
    %run_scoped3A_19 = arith.constant 0 : i32
    "tpu.region"() ({
      %run_scoped3A_239 = tpu.sem_alloc : memref<!tpu.dma_semaphore, #tpu.memory_space<semaphore_mem>>
      %dma_start3A_240 = arith.constant 0 : i32
      %dma_start3A_241 = arith.constant 0 : i32
      %dma_start3A_242 = tpu.memref_slice %arg8[%run_scoped3A_19, %dma_start3A_240, %dma_start3A_241] : memref<2x125x128xf32, #tpu.memory_space<vmem>> -> memref<1x125x128xf32, #tpu.memory_space<vmem>>
      %dma_start3A_243 = tpu.memref_squeeze %dma_start3A_242 : memref<1x125x128xf32, #tpu.memory_space<vmem>> -> memref<125x128xf32, #tpu.memory_space<vmem>>
      %dma_start3A_244 = arith.constant 0 : i32
      %dma_start3A_245 = tpu.memref_slice %arg9[%add3A_18, %dma_start3A_244] : memref<10000x128xf32, #tpu.memory_space<vmem_shared>> -> memref<125x128xf32, #tpu.memory_space<vmem_shared>>
      %dma_start3A_246 = arith.constant 0 : i32
      %dma_start3A_247 = tpu.memref_slice %arg9[%add3A_18, %dma_start3A_246] : memref<10000x128xf32, #tpu.memory_space<vmem_shared>> -> memref<125x128xf32, #tpu.memory_space<vmem_shared>>
      %dma_start3A_248 = arith.constant 0 : i32
      %dma_start3A_249 = arith.constant 0 : i32
      %dma_start3A_250 = tpu.memref_slice %arg8[%run_scoped3A_19, %dma_start3A_248, %dma_start3A_249] : memref<2x125x128xf32, #tpu.memory_space<vmem>> -> memref<1x125x128xf32, #tpu.memory_space<vmem>>
      %dma_start3A_251 = tpu.memref_squeeze %dma_start3A_250 : memref<1x125x128xf32, #tpu.memory_space<vmem>> -> memref<125x128xf32, #tpu.memory_space<vmem>>
      tpu.enqueue_dma source(%dma_start3A_251 : memref<125x128xf32, #tpu.memory_space<vmem>>) target(%dma_start3A_247 : memref<125x128xf32, #tpu.memory_space<vmem_shared>>) target_semaphore(%run_scoped3A_239 : memref<!tpu.dma_semaphore, #tpu.memory_space<semaphore_mem>>)
      %dma_wait3A_252 = arith.constant 0 : i32
      %dma_wait3A_253 = arith.constant 0 : i32
      %dma_wait3A_254 = tpu.memref_slice %arg8[%run_scoped3A_19, %dma_wait3A_252, %dma_wait3A_253] : memref<2x125x128xf32, #tpu.memory_space<vmem>> -> memref<1x125x128xf32, #tpu.memory_space<vmem>>
      %dma_wait3A_255 = tpu.memref_squeeze %dma_wait3A_254 : memref<1x125x128xf32, #tpu.memory_space<vmem>> -> memref<125x128xf32, #tpu.memory_space<vmem>>
      %dma_wait3A_256 = arith.constant 0 : i32
      %dma_wait3A_257 = tpu.memref_slice %arg9[%add3A_18, %dma_wait3A_256] : memref<10000x128xf32, #tpu.memory_space<vmem_shared>> -> memref<125x128xf32, #tpu.memory_space<vmem_shared>>
      %dma_wait3A_258 = arith.constant 0 : i32
      %dma_wait3A_259 = tpu.memref_slice %arg9[%add3A_18, %dma_wait3A_258] : memref<10000x128xf32, #tpu.memory_space<vmem_shared>> -> memref<125x128xf32, #tpu.memory_space<vmem_shared>>
      %dma_wait3A_260 = arith.constant 0 : i32
      %dma_wait3A_261 = arith.constant 0 : i32
      %dma_wait3A_262 = tpu.memref_slice %arg8[%run_scoped3A_19, %dma_wait3A_260, %dma_wait3A_261] : memref<2x125x128xf32, #tpu.memory_space<vmem>> -> memref<1x125x128xf32, #tpu.memory_space<vmem>>
      %dma_wait3A_263 = tpu.memref_squeeze %dma_wait3A_262 : memref<1x125x128xf32, #tpu.memory_space<vmem>> -> memref<125x128xf32, #tpu.memory_space<vmem>>
      tpu.wait_dma2 semaphore(%run_scoped3A_239 : memref<!tpu.dma_semaphore, #tpu.memory_space<semaphore_mem>>) src(%dma_wait3A_263 : memref<125x128xf32, #tpu.memory_space<vmem>>) dst(%dma_wait3A_259 : memref<125x128xf32, #tpu.memory_space<vmem_shared>>)
      tpu.yield
    }) : () -> ()
    %mul3A_20 = arith.constant 625 : i32
    %mul3A_21 = arith.muli %arg1, %mul3A_20 : i32
    %add3A_22 = arith.constant 375 : i32
    %add3A_23 = arith.addi %mul3A_21, %add3A_22 : i32
    %run_scoped3A_24 = arith.constant 0 : i32
    "tpu.region"() ({
      %run_scoped3A_239 = tpu.sem_alloc : memref<!tpu.dma_semaphore, #tpu.memory_space<semaphore_mem>>
      %dma_start3A_240 = arith.constant 0 : i32
      %dma_start3A_241 = arith.constant 0 : i32
      %dma_start3A_242 = tpu.memref_slice %arg8[%run_scoped3A_24, %dma_start3A_240, %dma_start3A_241] : memref<2x125x128xf32, #tpu.memory_space<vmem>> -> memref<1x125x128xf32, #tpu.memory_space<vmem>>
      %dma_start3A_243 = tpu.memref_squeeze %dma_start3A_242 : memref<1x125x128xf32, #tpu.memory_space<vmem>> -> memref<125x128xf32, #tpu.memory_space<vmem>>
      %dma_start3A_244 = arith.constant 0 : i32
      %dma_start3A_245 = tpu.memref_slice %arg9[%add3A_23, %dma_start3A_244] : memref<10000x128xf32, #tpu.memory_space<vmem_shared>> -> memref<125x128xf32, #tpu.memory_space<vmem_shared>>
      %dma_start3A_246 = arith.constant 0 : i32
      %dma_start3A_247 = tpu.memref_slice %arg9[%add3A_23, %dma_start3A_246] : memref<10000x128xf32, #tpu.memory_space<vmem_shared>> -> memref<125x128xf32, #tpu.memory_space<vmem_shared>>
      %dma_start3A_248 = arith.constant 0 : i32
      %dma_start3A_249 = arith.constant 0 : i32
      %dma_start3A_250 = tpu.memref_slice %arg8[%run_scoped3A_24, %dma_start3A_248, %dma_start3A_249] : memref<2x125x128xf32, #tpu.memory_space<vmem>> -> memref<1x125x128xf32, #tpu.memory_space<vmem>>
      %dma_start3A_251 = tpu.memref_squeeze %dma_start3A_250 : memref<1x125x128xf32, #tpu.memory_space<vmem>> -> memref<125x128xf32, #tpu.memory_space<vmem>>
      tpu.enqueue_dma source(%dma_start3A_251 : memref<125x128xf32, #tpu.memory_space<vmem>>) target(%dma_start3A_247 : memref<125x128xf32, #tpu.memory_space<vmem_shared>>) target_semaphore(%run_scoped3A_239 : memref<!tpu.dma_semaphore, #tpu.memory_space<semaphore_mem>>)
      %dma_wait3A_252 = arith.constant 0 : i32
      %dma_wait3A_253 = arith.constant 0 : i32
      %dma_wait3A_254 = tpu.memref_slice %arg8[%run_scoped3A_24, %dma_wait3A_252, %dma_wait3A_253] : memref<2x125x128xf32, #tpu.memory_space<vmem>> -> memref<1x125x128xf32, #tpu.memory_space<vmem>>
      %dma_wait3A_255 = tpu.memref_squeeze %dma_wait3A_254 : memref<1x125x128xf32, #tpu.memory_space<vmem>> -> memref<125x128xf32, #tpu.memory_space<vmem>>
      %dma_wait3A_256 = arith.constant 0 : i32
      %dma_wait3A_257 = tpu.memref_slice %arg9[%add3A_23, %dma_wait3A_256] : memref<10000x128xf32, #tpu.memory_space<vmem_shared>> -> memref<125x128xf32, #tpu.memory_space<vmem_shared>>
      %dma_wait3A_258 = arith.constant 0 : i32
      %dma_wait3A_259 = tpu.memref_slice %arg9[%add3A_23, %dma_wait3A_258] : memref<10000x128xf32, #tpu.memory_space<vmem_shared>> -> memref<125x128xf32, #tpu.memory_space<vmem_shared>>
      %dma_wait3A_260 = arith.constant 0 : i32
      %dma_wait3A_261 = arith.constant 0 : i32
      %dma_wait3A_262 = tpu.memref_slice %arg8[%run_scoped3A_24, %dma_wait3A_260, %dma_wait3A_261] : memref<2x125x128xf32, #tpu.memory_space<vmem>> -> memref<1x125x128xf32, #tpu.memory_space<vmem>>
      %dma_wait3A_263 = tpu.memref_squeeze %dma_wait3A_262 : memref<1x125x128xf32, #tpu.memory_space<vmem>> -> memref<125x128xf32, #tpu.memory_space<vmem>>
      tpu.wait_dma2 semaphore(%run_scoped3A_239 : memref<!tpu.dma_semaphore, #tpu.memory_space<semaphore_mem>>) src(%dma_wait3A_263 : memref<125x128xf32, #tpu.memory_space<vmem>>) dst(%dma_wait3A_259 : memref<125x128xf32, #tpu.memory_space<vmem_shared>>)
      tpu.yield
    }) : () -> ()
    %mul3A_25 = arith.constant 625 : i32
    %mul3A_26 = arith.muli %arg1, %mul3A_25 : i32
    %add3A_27 = arith.constant 500 : i32
    %add3A_28 = arith.addi %mul3A_26, %add3A_27 : i32
    %run_scoped3A_29 = arith.constant 0 : i32
    "tpu.region"() ({
      %run_scoped3A_239 = tpu.sem_alloc : memref<!tpu.dma_semaphore, #tpu.memory_space<semaphore_mem>>
      %dma_start3A_240 = arith.constant 0 : i32
      %dma_start3A_241 = arith.constant 0 : i32
      %dma_start3A_242 = tpu.memref_slice %arg8[%run_scoped3A_29, %dma_start3A_240, %dma_start3A_241] : memref<2x125x128xf32, #tpu.memory_space<vmem>> -> memref<1x125x128xf32, #tpu.memory_space<vmem>>
      %dma_start3A_243 = tpu.memref_squeeze %dma_start3A_242 : memref<1x125x128xf32, #tpu.memory_space<vmem>> -> memref<125x128xf32, #tpu.memory_space<vmem>>
      %dma_start3A_244 = arith.constant 0 : i32
      %dma_start3A_245 = tpu.memref_slice %arg9[%add3A_28, %dma_start3A_244] : memref<10000x128xf32, #tpu.memory_space<vmem_shared>> -> memref<125x128xf32, #tpu.memory_space<vmem_shared>>
      %dma_start3A_246 = arith.constant 0 : i32
      %dma_start3A_247 = tpu.memref_slice %arg9[%add3A_28, %dma_start3A_246] : memref<10000x128xf32, #tpu.memory_space<vmem_shared>> -> memref<125x128xf32, #tpu.memory_space<vmem_shared>>
      %dma_start3A_248 = arith.constant 0 : i32
      %dma_start3A_249 = arith.constant 0 : i32
      %dma_start3A_250 = tpu.memref_slice %arg8[%run_scoped3A_29, %dma_start3A_248, %dma_start3A_249] : memref<2x125x128xf32, #tpu.memory_space<vmem>> -> memref<1x125x128xf32, #tpu.memory_space<vmem>>
      %dma_start3A_251 = tpu.memref_squeeze %dma_start3A_250 : memref<1x125x128xf32, #tpu.memory_space<vmem>> -> memref<125x128xf32, #tpu.memory_space<vmem>>
      tpu.enqueue_dma source(%dma_start3A_251 : memref<125x128xf32, #tpu.memory_space<vmem>>) target(%dma_start3A_247 : memref<125x128xf32, #tpu.memory_space<vmem_shared>>) target_semaphore(%run_scoped3A_239 : memref<!tpu.dma_semaphore, #tpu.memory_space<semaphore_mem>>)
      %dma_wait3A_252 = arith.constant 0 : i32
      %dma_wait3A_253 = arith.constant 0 : i32
      %dma_wait3A_254 = tpu.memref_slice %arg8[%run_scoped3A_29, %dma_wait3A_252, %dma_wait3A_253] : memref<2x125x128xf32, #tpu.memory_space<vmem>> -> memref<1x125x128xf32, #tpu.memory_space<vmem>>
      %dma_wait3A_255 = tpu.memref_squeeze %dma_wait3A_254 : memref<1x125x128xf32, #tpu.memory_space<vmem>> -> memref<125x128xf32, #tpu.memory_space<vmem>>
      %dma_wait3A_256 = arith.constant 0 : i32
      %dma_wait3A_257 = tpu.memref_slice %arg9[%add3A_28, %dma_wait3A_256] : memref<10000x128xf32, #tpu.memory_space<vmem_shared>> -> memref<125x128xf32, #tpu.memory_space<vmem_shared>>
      %dma_wait3A_258 = arith.constant 0 : i32
      %dma_wait3A_259 = tpu.memref_slice %arg9[%add3A_28, %dma_wait3A_258] : memref<10000x128xf32, #tpu.memory_space<vmem_shared>> -> memref<125x128xf32, #tpu.memory_space<vmem_shared>>
      %dma_wait3A_260 = arith.constant 0 : i32
      %dma_wait3A_261 = arith.constant 0 : i32
      %dma_wait3A_262 = tpu.memref_slice %arg8[%run_scoped3A_29, %dma_wait3A_260, %dma_wait3A_261] : memref<2x125x128xf32, #tpu.memory_space<vmem>> -> memref<1x125x128xf32, #tpu.memory_space<vmem>>
      %dma_wait3A_263 = tpu.memref_squeeze %dma_wait3A_262 : memref<1x125x128xf32, #tpu.memory_space<vmem>> -> memref<125x128xf32, #tpu.memory_space<vmem>>
      tpu.wait_dma2 semaphore(%run_scoped3A_239 : memref<!tpu.dma_semaphore, #tpu.memory_space<semaphore_mem>>) src(%dma_wait3A_263 : memref<125x128xf32, #tpu.memory_space<vmem>>) dst(%dma_wait3A_259 : memref<125x128xf32, #tpu.memory_space<vmem_shared>>)
      tpu.yield
    }) : () -> ()
    %barrier3A = arith.constant 0 : index
    tpu.barrier barrier_id(%barrier3A)
    %dma_start3A = arith.constant 0 : i32
    %dma_start3A_30 = arith.constant 0 : i32
    %dma_start3A_31 = arith.constant 0 : i32
    %dma_start3A_32 = arith.constant 0 : i32
    %dma_start3A_33 = arith.constant 0 : i32
    %dma_start3A_34 = tpu.memref_slice %arg6[%dma_start3A_31, %dma_start3A_32, %dma_start3A_33] : memref<4x2x125xi32, #tpu.memory_space<vmem>> -> memref<1x1x125xi32, #tpu.memory_space<vmem>>
    %dma_start3A_35 = tpu.memref_squeeze %dma_start3A_34 : memref<1x1x125xi32, #tpu.memory_space<vmem>> -> memref<125xi32, #tpu.memory_space<vmem>>
    %dma_start3A_36 = arith.constant 0 : i32
    %dma_start3A_37 = tpu.memref_slice %arg2[%dma_start3A, %add3A, %dma_start3A_30, %dma_start3A_36] : memref<2x32x80x125xi32, #tpu.memory_space<hbm>> -> memref<1x1x1x125xi32, #tpu.memory_space<hbm>>
    %dma_start3A_38 = tpu.memref_squeeze %dma_start3A_37 : memref<1x1x1x125xi32, #tpu.memory_space<hbm>> -> memref<125xi32, #tpu.memory_space<hbm>>
    %dma_start3A_39 = arith.constant 0 : i32
    %dma_start3A_40 = tpu.memref_slice %arg6[%dma_start3A_31, %dma_start3A_32, %dma_start3A_39] : memref<4x2x125xi32, #tpu.memory_space<vmem>> -> memref<1x1x125xi32, #tpu.memory_space<vmem>>
    %dma_start3A_41 = tpu.memref_squeeze %dma_start3A_40 : memref<1x1x125xi32, #tpu.memory_space<vmem>> -> memref<125xi32, #tpu.memory_space<vmem>>
    %dma_start3A_42 = arith.constant 0 : i32
    %dma_start3A_43 = tpu.memref_slice %arg2[%dma_start3A, %add3A, %dma_start3A_30, %dma_start3A_42] : memref<2x32x80x125xi32, #tpu.memory_space<hbm>> -> memref<1x1x1x125xi32, #tpu.memory_space<hbm>>
    %dma_start3A_44 = tpu.memref_squeeze %dma_start3A_43 : memref<1x1x1x125xi32, #tpu.memory_space<hbm>> -> memref<125xi32, #tpu.memory_space<hbm>>
    tpu.enqueue_dma source(%dma_start3A_44 : memref<125xi32, #tpu.memory_space<hbm>>) target(%dma_start3A_41 : memref<125xi32, #tpu.memory_space<vmem>>) target_semaphore(%arg10 : memref<!tpu.dma_semaphore, #tpu.memory_space<semaphore_mem>>)
    %dma_start3A_45 = arith.constant 1 : i32
    %dma_start3A_46 = arith.constant 0 : i32
    %dma_start3A_47 = arith.constant 0 : i32
    %dma_start3A_48 = arith.constant 1 : i32
    %dma_start3A_49 = arith.constant 0 : i32
    %dma_start3A_50 = tpu.memref_slice %arg6[%dma_start3A_47, %dma_start3A_48, %dma_start3A_49] : memref<4x2x125xi32, #tpu.memory_space<vmem>> -> memref<1x1x125xi32, #tpu.memory_space<vmem>>
    %dma_start3A_51 = tpu.memref_squeeze %dma_start3A_50 : memref<1x1x125xi32, #tpu.memory_space<vmem>> -> memref<125xi32, #tpu.memory_space<vmem>>
    %dma_start3A_52 = arith.constant 0 : i32
    %dma_start3A_53 = tpu.memref_slice %arg2[%dma_start3A_45, %add3A, %dma_start3A_46, %dma_start3A_52] : memref<2x32x80x125xi32, #tpu.memory_space<hbm>> -> memref<1x1x1x125xi32, #tpu.memory_space<hbm>>
    %dma_start3A_54 = tpu.memref_squeeze %dma_start3A_53 : memref<1x1x1x125xi32, #tpu.memory_space<hbm>> -> memref<125xi32, #tpu.memory_space<hbm>>
    %dma_start3A_55 = arith.constant 0 : i32
    %dma_start3A_56 = tpu.memref_slice %arg6[%dma_start3A_47, %dma_start3A_48, %dma_start3A_55] : memref<4x2x125xi32, #tpu.memory_space<vmem>> -> memref<1x1x125xi32, #tpu.memory_space<vmem>>
    %dma_start3A_57 = tpu.memref_squeeze %dma_start3A_56 : memref<1x1x125xi32, #tpu.memory_space<vmem>> -> memref<125xi32, #tpu.memory_space<vmem>>
    %dma_start3A_58 = arith.constant 0 : i32
    %dma_start3A_59 = tpu.memref_slice %arg2[%dma_start3A_45, %add3A, %dma_start3A_46, %dma_start3A_58] : memref<2x32x80x125xi32, #tpu.memory_space<hbm>> -> memref<1x1x1x125xi32, #tpu.memory_space<hbm>>
    %dma_start3A_60 = tpu.memref_squeeze %dma_start3A_59 : memref<1x1x1x125xi32, #tpu.memory_space<hbm>> -> memref<125xi32, #tpu.memory_space<hbm>>
    tpu.enqueue_dma source(%dma_start3A_60 : memref<125xi32, #tpu.memory_space<hbm>>) target(%dma_start3A_57 : memref<125xi32, #tpu.memory_space<vmem>>) target_semaphore(%arg10 : memref<!tpu.dma_semaphore, #tpu.memory_space<semaphore_mem>>)
    %dma_start3A_61 = arith.constant 0 : i32
    %dma_start3A_62 = arith.constant 0 : i32
    %dma_start3A_63 = arith.constant 0 : i32
    %dma_start3A_64 = tpu.memref_slice %arg7[%dma_start3A_62, %dma_start3A_63] : memref<4x125xf32, #tpu.memory_space<vmem>> -> memref<1x125xf32, #tpu.memory_space<vmem>>
    %dma_start3A_65 = tpu.memref_squeeze %dma_start3A_64 : memref<1x125xf32, #tpu.memory_space<vmem>> -> memref<125xf32, #tpu.memory_space<vmem>>
    %dma_start3A_66 = arith.constant 0 : i32
    %dma_start3A_67 = tpu.memref_slice %arg3[%add3A, %dma_start3A_61, %dma_start3A_66] : memref<32x80x125xf32, #tpu.memory_space<hbm>> -> memref<1x1x125xf32, #tpu.memory_space<hbm>>
    %dma_start3A_68 = tpu.memref_squeeze %dma_start3A_67 : memref<1x1x125xf32, #tpu.memory_space<hbm>> -> memref<125xf32, #tpu.memory_space<hbm>>
    %dma_start3A_69 = arith.constant 0 : i32
    %dma_start3A_70 = tpu.memref_slice %arg7[%dma_start3A_62, %dma_start3A_69] : memref<4x125xf32, #tpu.memory_space<vmem>> -> memref<1x125xf32, #tpu.memory_space<vmem>>
    %dma_start3A_71 = tpu.memref_squeeze %dma_start3A_70 : memref<1x125xf32, #tpu.memory_space<vmem>> -> memref<125xf32, #tpu.memory_space<vmem>>
    %dma_start3A_72 = arith.constant 0 : i32
    %dma_start3A_73 = tpu.memref_slice %arg3[%add3A, %dma_start3A_61, %dma_start3A_72] : memref<32x80x125xf32, #tpu.memory_space<hbm>> -> memref<1x1x125xf32, #tpu.memory_space<hbm>>
    %dma_start3A_74 = tpu.memref_squeeze %dma_start3A_73 : memref<1x1x125xf32, #tpu.memory_space<hbm>> -> memref<125xf32, #tpu.memory_space<hbm>>
    tpu.enqueue_dma source(%dma_start3A_74 : memref<125xf32, #tpu.memory_space<hbm>>) target(%dma_start3A_71 : memref<125xf32, #tpu.memory_space<vmem>>) target_semaphore(%arg10 : memref<!tpu.dma_semaphore, #tpu.memory_space<semaphore_mem>>)
    %dma_start3A_75 = arith.constant 0 : i32
    %dma_start3A_76 = arith.constant 1 : i32
    %dma_start3A_77 = arith.constant 1 : i32
    %dma_start3A_78 = arith.constant 0 : i32
    %dma_start3A_79 = arith.constant 0 : i32
    %dma_start3A_80 = tpu.memref_slice %arg6[%dma_start3A_77, %dma_start3A_78, %dma_start3A_79] : memref<4x2x125xi32, #tpu.memory_space<vmem>> -> memref<1x1x125xi32, #tpu.memory_space<vmem>>
    %dma_start3A_81 = tpu.memref_squeeze %dma_start3A_80 : memref<1x1x125xi32, #tpu.memory_space<vmem>> -> memref<125xi32, #tpu.memory_space<vmem>>
    %dma_start3A_82 = arith.constant 0 : i32
    %dma_start3A_83 = tpu.memref_slice %arg2[%dma_start3A_75, %add3A, %dma_start3A_76, %dma_start3A_82] : memref<2x32x80x125xi32, #tpu.memory_space<hbm>> -> memref<1x1x1x125xi32, #tpu.memory_space<hbm>>
    %dma_start3A_84 = tpu.memref_squeeze %dma_start3A_83 : memref<1x1x1x125xi32, #tpu.memory_space<hbm>> -> memref<125xi32, #tpu.memory_space<hbm>>
    %dma_start3A_85 = arith.constant 0 : i32
    %dma_start3A_86 = tpu.memref_slice %arg6[%dma_start3A_77, %dma_start3A_78, %dma_start3A_85] : memref<4x2x125xi32, #tpu.memory_space<vmem>> -> memref<1x1x125xi32, #tpu.memory_space<vmem>>
    %dma_start3A_87 = tpu.memref_squeeze %dma_start3A_86 : memref<1x1x125xi32, #tpu.memory_space<vmem>> -> memref<125xi32, #tpu.memory_space<vmem>>
    %dma_start3A_88 = arith.constant 0 : i32
    %dma_start3A_89 = tpu.memref_slice %arg2[%dma_start3A_75, %add3A, %dma_start3A_76, %dma_start3A_88] : memref<2x32x80x125xi32, #tpu.memory_space<hbm>> -> memref<1x1x1x125xi32, #tpu.memory_space<hbm>>
    %dma_start3A_90 = tpu.memref_squeeze %dma_start3A_89 : memref<1x1x1x125xi32, #tpu.memory_space<hbm>> -> memref<125xi32, #tpu.memory_space<hbm>>
    tpu.enqueue_dma source(%dma_start3A_90 : memref<125xi32, #tpu.memory_space<hbm>>) target(%dma_start3A_87 : memref<125xi32, #tpu.memory_space<vmem>>) target_semaphore(%arg11 : memref<!tpu.dma_semaphore, #tpu.memory_space<semaphore_mem>>)
    %dma_start3A_91 = arith.constant 1 : i32
    %dma_start3A_92 = arith.constant 1 : i32
    %dma_start3A_93 = arith.constant 1 : i32
    %dma_start3A_94 = arith.constant 1 : i32
    %dma_start3A_95 = arith.constant 0 : i32
    %dma_start3A_96 = tpu.memref_slice %arg6[%dma_start3A_93, %dma_start3A_94, %dma_start3A_95] : memref<4x2x125xi32, #tpu.memory_space<vmem>> -> memref<1x1x125xi32, #tpu.memory_space<vmem>>
    %dma_start3A_97 = tpu.memref_squeeze %dma_start3A_96 : memref<1x1x125xi32, #tpu.memory_space<vmem>> -> memref<125xi32, #tpu.memory_space<vmem>>
    %dma_start3A_98 = arith.constant 0 : i32
    %dma_start3A_99 = tpu.memref_slice %arg2[%dma_start3A_91, %add3A, %dma_start3A_92, %dma_start3A_98] : memref<2x32x80x125xi32, #tpu.memory_space<hbm>> -> memref<1x1x1x125xi32, #tpu.memory_space<hbm>>
    %dma_start3A_100 = tpu.memref_squeeze %dma_start3A_99 : memref<1x1x1x125xi32, #tpu.memory_space<hbm>> -> memref<125xi32, #tpu.memory_space<hbm>>
    %dma_start3A_101 = arith.constant 0 : i32
    %dma_start3A_102 = tpu.memref_slice %arg6[%dma_start3A_93, %dma_start3A_94, %dma_start3A_101] : memref<4x2x125xi32, #tpu.memory_space<vmem>> -> memref<1x1x125xi32, #tpu.memory_space<vmem>>
    %dma_start3A_103 = tpu.memref_squeeze %dma_start3A_102 : memref<1x1x125xi32, #tpu.memory_space<vmem>> -> memref<125xi32, #tpu.memory_space<vmem>>
    %dma_start3A_104 = arith.constant 0 : i32
    %dma_start3A_105 = tpu.memref_slice %arg2[%dma_start3A_91, %add3A, %dma_start3A_92, %dma_start3A_104] : memref<2x32x80x125xi32, #tpu.memory_space<hbm>> -> memref<1x1x1x125xi32, #tpu.memory_space<hbm>>
    %dma_start3A_106 = tpu.memref_squeeze %dma_start3A_105 : memref<1x1x1x125xi32, #tpu.memory_space<hbm>> -> memref<125xi32, #tpu.memory_space<hbm>>
    tpu.enqueue_dma source(%dma_start3A_106 : memref<125xi32, #tpu.memory_space<hbm>>) target(%dma_start3A_103 : memref<125xi32, #tpu.memory_space<vmem>>) target_semaphore(%arg11 : memref<!tpu.dma_semaphore, #tpu.memory_space<semaphore_mem>>)
    %dma_start3A_107 = arith.constant 1 : i32
    %dma_start3A_108 = arith.constant 1 : i32
    %dma_start3A_109 = arith.constant 0 : i32
    %dma_start3A_110 = tpu.memref_slice %arg7[%dma_start3A_108, %dma_start3A_109] : memref<4x125xf32, #tpu.memory_space<vmem>> -> memref<1x125xf32, #tpu.memory_space<vmem>>
    %dma_start3A_111 = tpu.memref_squeeze %dma_start3A_110 : memref<1x125xf32, #tpu.memory_space<vmem>> -> memref<125xf32, #tpu.memory_space<vmem>>
    %dma_start3A_112 = arith.constant 0 : i32
    %dma_start3A_113 = tpu.memref_slice %arg3[%add3A, %dma_start3A_107, %dma_start3A_112] : memref<32x80x125xf32, #tpu.memory_space<hbm>> -> memref<1x1x125xf32, #tpu.memory_space<hbm>>
    %dma_start3A_114 = tpu.memref_squeeze %dma_start3A_113 : memref<1x1x125xf32, #tpu.memory_space<hbm>> -> memref<125xf32, #tpu.memory_space<hbm>>
    %dma_start3A_115 = arith.constant 0 : i32
    %dma_start3A_116 = tpu.memref_slice %arg7[%dma_start3A_108, %dma_start3A_115] : memref<4x125xf32, #tpu.memory_space<vmem>> -> memref<1x125xf32, #tpu.memory_space<vmem>>
    %dma_start3A_117 = tpu.memref_squeeze %dma_start3A_116 : memref<1x125xf32, #tpu.memory_space<vmem>> -> memref<125xf32, #tpu.memory_space<vmem>>
    %dma_start3A_118 = arith.constant 0 : i32
    %dma_start3A_119 = tpu.memref_slice %arg3[%add3A, %dma_start3A_107, %dma_start3A_118] : memref<32x80x125xf32, #tpu.memory_space<hbm>> -> memref<1x1x125xf32, #tpu.memory_space<hbm>>
    %dma_start3A_120 = tpu.memref_squeeze %dma_start3A_119 : memref<1x1x125xf32, #tpu.memory_space<hbm>> -> memref<125xf32, #tpu.memory_space<hbm>>
    tpu.enqueue_dma source(%dma_start3A_120 : memref<125xf32, #tpu.memory_space<hbm>>) target(%dma_start3A_117 : memref<125xf32, #tpu.memory_space<vmem>>) target_semaphore(%arg11 : memref<!tpu.dma_semaphore, #tpu.memory_space<semaphore_mem>>)
    %dma_wait3A = arith.constant 0 : i32
    %dma_wait3A_121 = arith.constant 0 : i32
    %dma_wait3A_122 = arith.constant 0 : i32
    %dma_wait3A_123 = arith.constant 0 : i32
    %dma_wait3A_124 = arith.constant 0 : i32
    %dma_wait3A_125 = tpu.memref_slice %arg6[%dma_wait3A_122, %dma_wait3A_123, %dma_wait3A_124] : memref<4x2x125xi32, #tpu.memory_space<vmem>> -> memref<1x1x125xi32, #tpu.memory_space<vmem>>
    %dma_wait3A_126 = tpu.memref_squeeze %dma_wait3A_125 : memref<1x1x125xi32, #tpu.memory_space<vmem>> -> memref<125xi32, #tpu.memory_space<vmem>>
    %dma_wait3A_127 = arith.constant 0 : i32
    %dma_wait3A_128 = tpu.memref_slice %arg2[%dma_wait3A, %add3A, %dma_wait3A_121, %dma_wait3A_127] : memref<2x32x80x125xi32, #tpu.memory_space<hbm>> -> memref<1x1x1x125xi32, #tpu.memory_space<hbm>>
    %dma_wait3A_129 = tpu.memref_squeeze %dma_wait3A_128 : memref<1x1x1x125xi32, #tpu.memory_space<hbm>> -> memref<125xi32, #tpu.memory_space<hbm>>
    %dma_wait3A_130 = arith.constant 0 : i32
    %dma_wait3A_131 = tpu.memref_slice %arg6[%dma_wait3A_122, %dma_wait3A_123, %dma_wait3A_130] : memref<4x2x125xi32, #tpu.memory_space<vmem>> -> memref<1x1x125xi32, #tpu.memory_space<vmem>>
    %dma_wait3A_132 = tpu.memref_squeeze %dma_wait3A_131 : memref<1x1x125xi32, #tpu.memory_space<vmem>> -> memref<125xi32, #tpu.memory_space<vmem>>
    %dma_wait3A_133 = arith.constant 0 : i32
    %dma_wait3A_134 = tpu.memref_slice %arg2[%dma_wait3A, %add3A, %dma_wait3A_121, %dma_wait3A_133] : memref<2x32x80x125xi32, #tpu.memory_space<hbm>> -> memref<1x1x1x125xi32, #tpu.memory_space<hbm>>
    %dma_wait3A_135 = tpu.memref_squeeze %dma_wait3A_134 : memref<1x1x1x125xi32, #tpu.memory_space<hbm>> -> memref<125xi32, #tpu.memory_space<hbm>>
    tpu.wait_dma2 semaphore(%arg10 : memref<!tpu.dma_semaphore, #tpu.memory_space<semaphore_mem>>) src(%dma_wait3A_135 : memref<125xi32, #tpu.memory_space<hbm>>) dst(%dma_wait3A_132 : memref<125xi32, #tpu.memory_space<vmem>>)
    %dma_wait3A_136 = arith.constant 1 : i32
    %dma_wait3A_137 = arith.constant 0 : i32
    %dma_wait3A_138 = arith.constant 0 : i32
    %dma_wait3A_139 = arith.constant 1 : i32
    %dma_wait3A_140 = arith.constant 0 : i32
    %dma_wait3A_141 = tpu.memref_slice %arg6[%dma_wait3A_138, %dma_wait3A_139, %dma_wait3A_140] : memref<4x2x125xi32, #tpu.memory_space<vmem>> -> memref<1x1x125xi32, #tpu.memory_space<vmem>>
    %dma_wait3A_142 = tpu.memref_squeeze %dma_wait3A_141 : memref<1x1x125xi32, #tpu.memory_space<vmem>> -> memref<125xi32, #tpu.memory_space<vmem>>
    %dma_wait3A_143 = arith.constant 0 : i32
    %dma_wait3A_144 = tpu.memref_slice %arg2[%dma_wait3A_136, %add3A, %dma_wait3A_137, %dma_wait3A_143] : memref<2x32x80x125xi32, #tpu.memory_space<hbm>> -> memref<1x1x1x125xi32, #tpu.memory_space<hbm>>
    %dma_wait3A_145 = tpu.memref_squeeze %dma_wait3A_144 : memref<1x1x1x125xi32, #tpu.memory_space<hbm>> -> memref<125xi32, #tpu.memory_space<hbm>>
    %dma_wait3A_146 = arith.constant 0 : i32
    %dma_wait3A_147 = tpu.memref_slice %arg6[%dma_wait3A_138, %dma_wait3A_139, %dma_wait3A_146] : memref<4x2x125xi32, #tpu.memory_space<vmem>> -> memref<1x1x125xi32, #tpu.memory_space<vmem>>
    %dma_wait3A_148 = tpu.memref_squeeze %dma_wait3A_147 : memref<1x1x125xi32, #tpu.memory_space<vmem>> -> memref<125xi32, #tpu.memory_space<vmem>>
    %dma_wait3A_149 = arith.constant 0 : i32
    %dma_wait3A_150 = tpu.memref_slice %arg2[%dma_wait3A_136, %add3A, %dma_wait3A_137, %dma_wait3A_149] : memref<2x32x80x125xi32, #tpu.memory_space<hbm>> -> memref<1x1x1x125xi32, #tpu.memory_space<hbm>>
    %dma_wait3A_151 = tpu.memref_squeeze %dma_wait3A_150 : memref<1x1x1x125xi32, #tpu.memory_space<hbm>> -> memref<125xi32, #tpu.memory_space<hbm>>
    tpu.wait_dma2 semaphore(%arg10 : memref<!tpu.dma_semaphore, #tpu.memory_space<semaphore_mem>>) src(%dma_wait3A_151 : memref<125xi32, #tpu.memory_space<hbm>>) dst(%dma_wait3A_148 : memref<125xi32, #tpu.memory_space<vmem>>)
    %dma_wait3A_152 = arith.constant 0 : i32
    %dma_wait3A_153 = arith.constant 0 : i32
    %dma_wait3A_154 = arith.constant 0 : i32
    %dma_wait3A_155 = tpu.memref_slice %arg7[%dma_wait3A_153, %dma_wait3A_154] : memref<4x125xf32, #tpu.memory_space<vmem>> -> memref<1x125xf32, #tpu.memory_space<vmem>>
    %dma_wait3A_156 = tpu.memref_squeeze %dma_wait3A_155 : memref<1x125xf32, #tpu.memory_space<vmem>> -> memref<125xf32, #tpu.memory_space<vmem>>
    %dma_wait3A_157 = arith.constant 0 : i32
    %dma_wait3A_158 = tpu.memref_slice %arg3[%add3A, %dma_wait3A_152, %dma_wait3A_157] : memref<32x80x125xf32, #tpu.memory_space<hbm>> -> memref<1x1x125xf32, #tpu.memory_space<hbm>>
    %dma_wait3A_159 = tpu.memref_squeeze %dma_wait3A_158 : memref<1x1x125xf32, #tpu.memory_space<hbm>> -> memref<125xf32, #tpu.memory_space<hbm>>
    %dma_wait3A_160 = arith.constant 0 : i32
    %dma_wait3A_161 = tpu.memref_slice %arg7[%dma_wait3A_153, %dma_wait3A_160] : memref<4x125xf32, #tpu.memory_space<vmem>> -> memref<1x125xf32, #tpu.memory_space<vmem>>
    %dma_wait3A_162 = tpu.memref_squeeze %dma_wait3A_161 : memref<1x125xf32, #tpu.memory_space<vmem>> -> memref<125xf32, #tpu.memory_space<vmem>>
    %dma_wait3A_163 = arith.constant 0 : i32
    %dma_wait3A_164 = tpu.memref_slice %arg3[%add3A, %dma_wait3A_152, %dma_wait3A_163] : memref<32x80x125xf32, #tpu.memory_space<hbm>> -> memref<1x1x125xf32, #tpu.memory_space<hbm>>
    %dma_wait3A_165 = tpu.memref_squeeze %dma_wait3A_164 : memref<1x1x125xf32, #tpu.memory_space<hbm>> -> memref<125xf32, #tpu.memory_space<hbm>>
    tpu.wait_dma2 semaphore(%arg10 : memref<!tpu.dma_semaphore, #tpu.memory_space<semaphore_mem>>) src(%dma_wait3A_165 : memref<125xf32, #tpu.memory_space<hbm>>) dst(%dma_wait3A_162 : memref<125xf32, #tpu.memory_space<vmem>>)
    %dma_start3A_166 = arith.constant 0 : i32
    %dma_start3A_167 = arith.constant 0 : i32
    %dma_start3A_168 = arith.constant 0 : i32
    %dma_start3A_169 = arith.constant 0 : i32
    %dma_start3A_170 = arith.constant 0 : i32
    %dma_start3A_171 = tpu.memref_slice %arg8[%dma_start3A_168, %dma_start3A_169, %dma_start3A_170] : memref<2x125x128xf32, #tpu.memory_space<vmem>> -> memref<1x125x128xf32, #tpu.memory_space<vmem>>
    %dma_start3A_172 = tpu.memref_squeeze %dma_start3A_171 : memref<1x125x128xf32, #tpu.memory_space<vmem>> -> memref<125x128xf32, #tpu.memory_space<vmem>>
    %dma_start3A_173 = arith.constant 0 : i32
    %dma_start3A_174 = tpu.memref_slice %arg6[%dma_start3A_166, %dma_start3A_167, %dma_start3A_173] : memref<4x2x125xi32, #tpu.memory_space<vmem>> -> memref<1x1x125xi32, #tpu.memory_space<vmem>>
    %dma_start3A_175 = tpu.memref_squeeze %dma_start3A_174 : memref<1x1x125xi32, #tpu.memory_space<vmem>> -> memref<125xi32, #tpu.memory_space<vmem>>
    %dma_start3A_176 = arith.constant 0 : i32
    %dma_start3A_177 = arith.constant 0 : i32
    %dma_start3A_178 = tpu.memref_slice %arg4[%dma_start3A_176, %dma_start3A_177] : memref<10000x128xf32, #tpu.memory_space<hbm>> -> memref<10000x128xf32, #tpu.memory_space<hbm>>
    tpu.enqueue_indirect_dma source(%dma_start3A_178 : memref<10000x128xf32, #tpu.memory_space<hbm>>) target(%dma_start3A_172 : memref<125x128xf32, #tpu.memory_space<vmem>>) offsets(%dma_start3A_175 : memref<125xi32, #tpu.memory_space<vmem>>) semaphore(%arg14 : memref<!tpu.dma_semaphore, #tpu.memory_space<semaphore_mem>>)
    %scan3A_179 = arith.constant 0 : i32
    %scan3A_180 = arith.constant 0 : i32
    %scan3A_181 = arith.constant 20 : i32
    %scan3A_182 = arith.addi %scan3A_180, %scan3A_181 : i32
    %scan3A_183 = arith.constant 1 : i32
    scf.for %scan3A_239 = %scan3A_180 to %scan3A_182 step %scan3A_183  : i32 {
      %mul3A_240 = arith.constant 4 : i32
      %mul3A_241 = arith.muli %scan3A_239, %mul3A_240 : i32
      %add3A_242 = arith.constant 0 : i32
      %add3A_243 = arith.addi %mul3A_241, %add3A_242 : i32
      %dma_wait3A_244 = arith.constant 0 : i32
      %dma_wait3A_245 = arith.constant 0 : i32
      %dma_wait3A_246 = arith.constant 0 : i32
      %dma_wait3A_247 = arith.constant 0 : i32
      %dma_wait3A_248 = arith.constant 0 : i32
      %dma_wait3A_249 = tpu.memref_slice %arg8[%dma_wait3A_246, %dma_wait3A_247, %dma_wait3A_248] : memref<2x125x128xf32, #tpu.memory_space<vmem>> -> memref<1x125x128xf32, #tpu.memory_space<vmem>>
      %dma_wait3A_250 = tpu.memref_squeeze %dma_wait3A_249 : memref<1x125x128xf32, #tpu.memory_space<vmem>> -> memref<125x128xf32, #tpu.memory_space<vmem>>
      %dma_wait3A_251 = arith.constant 0 : i32
      %dma_wait3A_252 = tpu.memref_slice %arg6[%dma_wait3A_244, %dma_wait3A_245, %dma_wait3A_251] : memref<4x2x125xi32, #tpu.memory_space<vmem>> -> memref<1x1x125xi32, #tpu.memory_space<vmem>>
      %dma_wait3A_253 = tpu.memref_squeeze %dma_wait3A_252 : memref<1x1x125xi32, #tpu.memory_space<vmem>> -> memref<125xi32, #tpu.memory_space<vmem>>
      %dma_wait3A_254 = arith.constant 0 : i32
      %dma_wait3A_255 = arith.constant 0 : i32
      %dma_wait3A_256 = tpu.memref_slice %arg4[%dma_wait3A_254, %dma_wait3A_255] : memref<10000x128xf32, #tpu.memory_space<hbm>> -> memref<10000x128xf32, #tpu.memory_space<hbm>>
      tpu.wait_indirect_dma semaphore(%arg14 : memref<!tpu.dma_semaphore, #tpu.memory_space<semaphore_mem>>) src(%dma_wait3A_256 : memref<10000x128xf32, #tpu.memory_space<hbm>>) dst(%dma_wait3A_250 : memref<125x128xf32, #tpu.memory_space<vmem>>)
      %add3A_257 = arith.constant 1 : i32
      %add3A_258 = arith.addi %add3A_243, %add3A_257 : i32
      %lt3A = arith.constant 80 : i32
      %lt3A_259 = arith.cmpi slt, %add3A_258, %lt3A : i32
      %convert_element_type3A = arith.extui %lt3A_259 : i1 to i32
      %cond3A = arith.constant 0 : i32
      %cond3A_260 = arith.cmpi ne, %convert_element_type3A, %cond3A : i32
      scf.if %cond3A_260 {
        %add3A_484 = arith.constant 1 : i32
        %add3A_485 = arith.addi %add3A_243, %add3A_484 : i32
        %dma_wait3A_486 = arith.constant 0 : i32
        %dma_wait3A_487 = arith.constant 1 : i32
        %dma_wait3A_488 = arith.constant 0 : i32
        %dma_wait3A_489 = arith.constant 0 : i32
        %dma_wait3A_490 = tpu.memref_slice %arg6[%dma_wait3A_487, %dma_wait3A_488, %dma_wait3A_489] : memref<4x2x125xi32, #tpu.memory_space<vmem>> -> memref<1x1x125xi32, #tpu.memory_space<vmem>>
        %dma_wait3A_491 = tpu.memref_squeeze %dma_wait3A_490 : memref<1x1x125xi32, #tpu.memory_space<vmem>> -> memref<125xi32, #tpu.memory_space<vmem>>
        %dma_wait3A_492 = arith.constant 0 : i32
        %dma_wait3A_493 = tpu.memref_slice %arg2[%dma_wait3A_486, %add3A, %add3A_485, %dma_wait3A_492] : memref<2x32x80x125xi32, #tpu.memory_space<hbm>> -> memref<1x1x1x125xi32, #tpu.memory_space<hbm>>
        %dma_wait3A_494 = tpu.memref_squeeze %dma_wait3A_493 : memref<1x1x1x125xi32, #tpu.memory_space<hbm>> -> memref<125xi32, #tpu.memory_space<hbm>>
        %dma_wait3A_495 = arith.constant 0 : i32
        %dma_wait3A_496 = tpu.memref_slice %arg6[%dma_wait3A_487, %dma_wait3A_488, %dma_wait3A_495] : memref<4x2x125xi32, #tpu.memory_space<vmem>> -> memref<1x1x125xi32, #tpu.memory_space<vmem>>
        %dma_wait3A_497 = tpu.memref_squeeze %dma_wait3A_496 : memref<1x1x125xi32, #tpu.memory_space<vmem>> -> memref<125xi32, #tpu.memory_space<vmem>>
        %dma_wait3A_498 = arith.constant 0 : i32
        %dma_wait3A_499 = tpu.memref_slice %arg2[%dma_wait3A_486, %add3A, %add3A_485, %dma_wait3A_498] : memref<2x32x80x125xi32, #tpu.memory_space<hbm>> -> memref<1x1x1x125xi32, #tpu.memory_space<hbm>>
        %dma_wait3A_500 = tpu.memref_squeeze %dma_wait3A_499 : memref<1x1x1x125xi32, #tpu.memory_space<hbm>> -> memref<125xi32, #tpu.memory_space<hbm>>
        tpu.wait_dma2 semaphore(%arg11 : memref<!tpu.dma_semaphore, #tpu.memory_space<semaphore_mem>>) src(%dma_wait3A_500 : memref<125xi32, #tpu.memory_space<hbm>>) dst(%dma_wait3A_497 : memref<125xi32, #tpu.memory_space<vmem>>)
        %dma_wait3A_501 = arith.constant 1 : i32
        %dma_wait3A_502 = arith.constant 1 : i32
        %dma_wait3A_503 = arith.constant 1 : i32
        %dma_wait3A_504 = arith.constant 0 : i32
        %dma_wait3A_505 = tpu.memref_slice %arg6[%dma_wait3A_502, %dma_wait3A_503, %dma_wait3A_504] : memref<4x2x125xi32, #tpu.memory_space<vmem>> -> memref<1x1x125xi32, #tpu.memory_space<vmem>>
        %dma_wait3A_506 = tpu.memref_squeeze %dma_wait3A_505 : memref<1x1x125xi32, #tpu.memory_space<vmem>> -> memref<125xi32, #tpu.memory_space<vmem>>
        %dma_wait3A_507 = arith.constant 0 : i32
        %dma_wait3A_508 = tpu.memref_slice %arg2[%dma_wait3A_501, %add3A, %add3A_485, %dma_wait3A_507] : memref<2x32x80x125xi32, #tpu.memory_space<hbm>> -> memref<1x1x1x125xi32, #tpu.memory_space<hbm>>
        %dma_wait3A_509 = tpu.memref_squeeze %dma_wait3A_508 : memref<1x1x1x125xi32, #tpu.memory_space<hbm>> -> memref<125xi32, #tpu.memory_space<hbm>>
        %dma_wait3A_510 = arith.constant 0 : i32
        %dma_wait3A_511 = tpu.memref_slice %arg6[%dma_wait3A_502, %dma_wait3A_503, %dma_wait3A_510] : memref<4x2x125xi32, #tpu.memory_space<vmem>> -> memref<1x1x125xi32, #tpu.memory_space<vmem>>
        %dma_wait3A_512 = tpu.memref_squeeze %dma_wait3A_511 : memref<1x1x125xi32, #tpu.memory_space<vmem>> -> memref<125xi32, #tpu.memory_space<vmem>>
        %dma_wait3A_513 = arith.constant 0 : i32
        %dma_wait3A_514 = tpu.memref_slice %arg2[%dma_wait3A_501, %add3A, %add3A_485, %dma_wait3A_513] : memref<2x32x80x125xi32, #tpu.memory_space<hbm>> -> memref<1x1x1x125xi32, #tpu.memory_space<hbm>>
        %dma_wait3A_515 = tpu.memref_squeeze %dma_wait3A_514 : memref<1x1x1x125xi32, #tpu.memory_space<hbm>> -> memref<125xi32, #tpu.memory_space<hbm>>
        tpu.wait_dma2 semaphore(%arg11 : memref<!tpu.dma_semaphore, #tpu.memory_space<semaphore_mem>>) src(%dma_wait3A_515 : memref<125xi32, #tpu.memory_space<hbm>>) dst(%dma_wait3A_512 : memref<125xi32, #tpu.memory_space<vmem>>)
        %dma_wait3A_516 = arith.constant 1 : i32
        %dma_wait3A_517 = arith.constant 0 : i32
        %dma_wait3A_518 = tpu.memref_slice %arg7[%dma_wait3A_516, %dma_wait3A_517] : memref<4x125xf32, #tpu.memory_space<vmem>> -> memref<1x125xf32, #tpu.memory_space<vmem>>
        %dma_wait3A_519 = tpu.memref_squeeze %dma_wait3A_518 : memref<1x125xf32, #tpu.memory_space<vmem>> -> memref<125xf32, #tpu.memory_space<vmem>>
        %dma_wait3A_520 = arith.constant 0 : i32
        %dma_wait3A_521 = tpu.memref_slice %arg3[%add3A, %add3A_485, %dma_wait3A_520] : memref<32x80x125xf32, #tpu.memory_space<hbm>> -> memref<1x1x125xf32, #tpu.memory_space<hbm>>
        %dma_wait3A_522 = tpu.memref_squeeze %dma_wait3A_521 : memref<1x1x125xf32, #tpu.memory_space<hbm>> -> memref<125xf32, #tpu.memory_space<hbm>>
        %dma_wait3A_523 = arith.constant 0 : i32
        %dma_wait3A_524 = tpu.memref_slice %arg7[%dma_wait3A_516, %dma_wait3A_523] : memref<4x125xf32, #tpu.memory_space<vmem>> -> memref<1x125xf32, #tpu.memory_space<vmem>>
        %dma_wait3A_525 = tpu.memref_squeeze %dma_wait3A_524 : memref<1x125xf32, #tpu.memory_space<vmem>> -> memref<125xf32, #tpu.memory_space<vmem>>
        %dma_wait3A_526 = arith.constant 0 : i32
        %dma_wait3A_527 = tpu.memref_slice %arg3[%add3A, %add3A_485, %dma_wait3A_526] : memref<32x80x125xf32, #tpu.memory_space<hbm>> -> memref<1x1x125xf32, #tpu.memory_space<hbm>>
        %dma_wait3A_528 = tpu.memref_squeeze %dma_wait3A_527 : memref<1x1x125xf32, #tpu.memory_space<hbm>> -> memref<125xf32, #tpu.memory_space<hbm>>
        tpu.wait_dma2 semaphore(%arg11 : memref<!tpu.dma_semaphore, #tpu.memory_space<semaphore_mem>>) src(%dma_wait3A_528 : memref<125xf32, #tpu.memory_space<hbm>>) dst(%dma_wait3A_525 : memref<125xf32, #tpu.memory_space<vmem>>)
      } else {
      }
      %ge3A = arith.constant 1 : i32
      %ge3A_261 = arith.cmpi sge, %add3A_243, %ge3A : i32
      %convert_element_type3A_262 = arith.extui %ge3A_261 : i1 to i32
      %cond3A_263 = arith.constant 0 : i32
      %cond3A_264 = arith.cmpi ne, %convert_element_type3A_262, %cond3A_263 : i32
      scf.if %cond3A_264 {
        %sub3A = arith.constant 1 : i32
        %sub3A_484 = arith.subi %add3A_243, %sub3A : i32
        %dma_wait3A_485 = arith.constant 1 : i32
        %dma_wait3A_486 = arith.constant 3 : i32
        %dma_wait3A_487 = arith.constant 1 : i32
        %dma_wait3A_488 = arith.constant 0 : i32
        %dma_wait3A_489 = arith.constant 0 : i32
        %dma_wait3A_490 = tpu.memref_slice %arg8[%dma_wait3A_485, %dma_wait3A_488, %dma_wait3A_489] : memref<2x125x128xf32, #tpu.memory_space<vmem>> -> memref<1x125x128xf32, #tpu.memory_space<vmem>>
        %dma_wait3A_491 = tpu.memref_squeeze %dma_wait3A_490 : memref<1x125x128xf32, #tpu.memory_space<vmem>> -> memref<125x128xf32, #tpu.memory_space<vmem>>
        %dma_wait3A_492 = arith.constant 0 : i32
        %dma_wait3A_493 = tpu.memref_slice %arg6[%dma_wait3A_486, %dma_wait3A_487, %dma_wait3A_492] : memref<4x2x125xi32, #tpu.memory_space<vmem>> -> memref<1x1x125xi32, #tpu.memory_space<vmem>>
        %dma_wait3A_494 = tpu.memref_squeeze %dma_wait3A_493 : memref<1x1x125xi32, #tpu.memory_space<vmem>> -> memref<125xi32, #tpu.memory_space<vmem>>
        %dma_wait3A_495 = arith.constant 0 : i32
        %dma_wait3A_496 = arith.constant 0 : i32
        %dma_wait3A_497 = tpu.memref_slice %arg9[%dma_wait3A_495, %dma_wait3A_496] : memref<10000x128xf32, #tpu.memory_space<vmem_shared>> -> memref<10000x128xf32, #tpu.memory_space<vmem_shared>>
        tpu.wait_indirect_dma semaphore(%arg17 : memref<!tpu.dma_semaphore, #tpu.memory_space<semaphore_mem>>) src(%dma_wait3A_491 : memref<125x128xf32, #tpu.memory_space<vmem>>) dst(%dma_wait3A_497 : memref<10000x128xf32, #tpu.memory_space<vmem_shared>>)
      } else {
      }
      %add3A_265 = arith.constant 1 : i32
      %add3A_266 = arith.addi %add3A_243, %add3A_265 : i32
      %lt3A_267 = arith.constant 80 : i32
      %lt3A_268 = arith.cmpi slt, %add3A_266, %lt3A_267 : i32
      %convert_element_type3A_269 = arith.extui %lt3A_268 : i1 to i32
      %cond3A_270 = arith.constant 0 : i32
      %cond3A_271 = arith.cmpi ne, %convert_element_type3A_269, %cond3A_270 : i32
      scf.if %cond3A_271 {
        %add3A_484 = arith.constant 1 : i32
        %add3A_485 = arith.addi %add3A_243, %add3A_484 : i32
        %dma_start3A_486 = arith.constant 1 : i32
        %dma_start3A_487 = arith.constant 0 : i32
        %dma_start3A_488 = arith.constant 1 : i32
        %dma_start3A_489 = arith.constant 0 : i32
        %dma_start3A_490 = arith.constant 0 : i32
        %dma_start3A_491 = tpu.memref_slice %arg8[%dma_start3A_488, %dma_start3A_489, %dma_start3A_490] : memref<2x125x128xf32, #tpu.memory_space<vmem>> -> memref<1x125x128xf32, #tpu.memory_space<vmem>>
        %dma_start3A_492 = tpu.memref_squeeze %dma_start3A_491 : memref<1x125x128xf32, #tpu.memory_space<vmem>> -> memref<125x128xf32, #tpu.memory_space<vmem>>
        %dma_start3A_493 = arith.constant 0 : i32
        %dma_start3A_494 = tpu.memref_slice %arg6[%dma_start3A_486, %dma_start3A_487, %dma_start3A_493] : memref<4x2x125xi32, #tpu.memory_space<vmem>> -> memref<1x1x125xi32, #tpu.memory_space<vmem>>
        %dma_start3A_495 = tpu.memref_squeeze %dma_start3A_494 : memref<1x1x125xi32, #tpu.memory_space<vmem>> -> memref<125xi32, #tpu.memory_space<vmem>>
        %dma_start3A_496 = arith.constant 0 : i32
        %dma_start3A_497 = arith.constant 0 : i32
        %dma_start3A_498 = tpu.memref_slice %arg4[%dma_start3A_496, %dma_start3A_497] : memref<10000x128xf32, #tpu.memory_space<hbm>> -> memref<10000x128xf32, #tpu.memory_space<hbm>>
        tpu.enqueue_indirect_dma source(%dma_start3A_498 : memref<10000x128xf32, #tpu.memory_space<hbm>>) target(%dma_start3A_492 : memref<125x128xf32, #tpu.memory_space<vmem>>) offsets(%dma_start3A_495 : memref<125xi32, #tpu.memory_space<vmem>>) semaphore(%arg15 : memref<!tpu.dma_semaphore, #tpu.memory_space<semaphore_mem>>)
      } else {
      }
      %add3A_272 = arith.constant 2 : i32
      %add3A_273 = arith.addi %add3A_243, %add3A_272 : i32
      %lt3A_274 = arith.constant 80 : i32
      %lt3A_275 = arith.cmpi slt, %add3A_273, %lt3A_274 : i32
      %convert_element_type3A_276 = arith.extui %lt3A_275 : i1 to i32
      %cond3A_277 = arith.constant 0 : i32
      %cond3A_278 = arith.cmpi ne, %convert_element_type3A_276, %cond3A_277 : i32
      scf.if %cond3A_278 {
        %add3A_484 = arith.constant 2 : i32
        %add3A_485 = arith.addi %add3A_243, %add3A_484 : i32
        %dma_start3A_486 = arith.constant 0 : i32
        %dma_start3A_487 = arith.constant 2 : i32
        %dma_start3A_488 = arith.constant 0 : i32
        %dma_start3A_489 = arith.constant 0 : i32
        %dma_start3A_490 = tpu.memref_slice %arg6[%dma_start3A_487, %dma_start3A_488, %dma_start3A_489] : memref<4x2x125xi32, #tpu.memory_space<vmem>> -> memref<1x1x125xi32, #tpu.memory_space<vmem>>
        %dma_start3A_491 = tpu.memref_squeeze %dma_start3A_490 : memref<1x1x125xi32, #tpu.memory_space<vmem>> -> memref<125xi32, #tpu.memory_space<vmem>>
        %dma_start3A_492 = arith.constant 0 : i32
        %dma_start3A_493 = tpu.memref_slice %arg2[%dma_start3A_486, %add3A, %add3A_485, %dma_start3A_492] : memref<2x32x80x125xi32, #tpu.memory_space<hbm>> -> memref<1x1x1x125xi32, #tpu.memory_space<hbm>>
        %dma_start3A_494 = tpu.memref_squeeze %dma_start3A_493 : memref<1x1x1x125xi32, #tpu.memory_space<hbm>> -> memref<125xi32, #tpu.memory_space<hbm>>
        %dma_start3A_495 = arith.constant 0 : i32
        %dma_start3A_496 = tpu.memref_slice %arg6[%dma_start3A_487, %dma_start3A_488, %dma_start3A_495] : memref<4x2x125xi32, #tpu.memory_space<vmem>> -> memref<1x1x125xi32, #tpu.memory_space<vmem>>
        %dma_start3A_497 = tpu.memref_squeeze %dma_start3A_496 : memref<1x1x125xi32, #tpu.memory_space<vmem>> -> memref<125xi32, #tpu.memory_space<vmem>>
        %dma_start3A_498 = arith.constant 0 : i32
        %dma_start3A_499 = tpu.memref_slice %arg2[%dma_start3A_486, %add3A, %add3A_485, %dma_start3A_498] : memref<2x32x80x125xi32, #tpu.memory_space<hbm>> -> memref<1x1x1x125xi32, #tpu.memory_space<hbm>>
        %dma_start3A_500 = tpu.memref_squeeze %dma_start3A_499 : memref<1x1x1x125xi32, #tpu.memory_space<hbm>> -> memref<125xi32, #tpu.memory_space<hbm>>
        tpu.enqueue_dma source(%dma_start3A_500 : memref<125xi32, #tpu.memory_space<hbm>>) target(%dma_start3A_497 : memref<125xi32, #tpu.memory_space<vmem>>) target_semaphore(%arg12 : memref<!tpu.dma_semaphore, #tpu.memory_space<semaphore_mem>>)
        %dma_start3A_501 = arith.constant 1 : i32
        %dma_start3A_502 = arith.constant 2 : i32
        %dma_start3A_503 = arith.constant 1 : i32
        %dma_start3A_504 = arith.constant 0 : i32
        %dma_start3A_505 = tpu.memref_slice %arg6[%dma_start3A_502, %dma_start3A_503, %dma_start3A_504] : memref<4x2x125xi32, #tpu.memory_space<vmem>> -> memref<1x1x125xi32, #tpu.memory_space<vmem>>
        %dma_start3A_506 = tpu.memref_squeeze %dma_start3A_505 : memref<1x1x125xi32, #tpu.memory_space<vmem>> -> memref<125xi32, #tpu.memory_space<vmem>>
        %dma_start3A_507 = arith.constant 0 : i32
        %dma_start3A_508 = tpu.memref_slice %arg2[%dma_start3A_501, %add3A, %add3A_485, %dma_start3A_507] : memref<2x32x80x125xi32, #tpu.memory_space<hbm>> -> memref<1x1x1x125xi32, #tpu.memory_space<hbm>>
        %dma_start3A_509 = tpu.memref_squeeze %dma_start3A_508 : memref<1x1x1x125xi32, #tpu.memory_space<hbm>> -> memref<125xi32, #tpu.memory_space<hbm>>
        %dma_start3A_510 = arith.constant 0 : i32
        %dma_start3A_511 = tpu.memref_slice %arg6[%dma_start3A_502, %dma_start3A_503, %dma_start3A_510] : memref<4x2x125xi32, #tpu.memory_space<vmem>> -> memref<1x1x125xi32, #tpu.memory_space<vmem>>
        %dma_start3A_512 = tpu.memref_squeeze %dma_start3A_511 : memref<1x1x125xi32, #tpu.memory_space<vmem>> -> memref<125xi32, #tpu.memory_space<vmem>>
        %dma_start3A_513 = arith.constant 0 : i32
        %dma_start3A_514 = tpu.memref_slice %arg2[%dma_start3A_501, %add3A, %add3A_485, %dma_start3A_513] : memref<2x32x80x125xi32, #tpu.memory_space<hbm>> -> memref<1x1x1x125xi32, #tpu.memory_space<hbm>>
        %dma_start3A_515 = tpu.memref_squeeze %dma_start3A_514 : memref<1x1x1x125xi32, #tpu.memory_space<hbm>> -> memref<125xi32, #tpu.memory_space<hbm>>
        tpu.enqueue_dma source(%dma_start3A_515 : memref<125xi32, #tpu.memory_space<hbm>>) target(%dma_start3A_512 : memref<125xi32, #tpu.memory_space<vmem>>) target_semaphore(%arg12 : memref<!tpu.dma_semaphore, #tpu.memory_space<semaphore_mem>>)
        %dma_start3A_516 = arith.constant 2 : i32
        %dma_start3A_517 = arith.constant 0 : i32
        %dma_start3A_518 = tpu.memref_slice %arg7[%dma_start3A_516, %dma_start3A_517] : memref<4x125xf32, #tpu.memory_space<vmem>> -> memref<1x125xf32, #tpu.memory_space<vmem>>
        %dma_start3A_519 = tpu.memref_squeeze %dma_start3A_518 : memref<1x125xf32, #tpu.memory_space<vmem>> -> memref<125xf32, #tpu.memory_space<vmem>>
        %dma_start3A_520 = arith.constant 0 : i32
        %dma_start3A_521 = tpu.memref_slice %arg3[%add3A, %add3A_485, %dma_start3A_520] : memref<32x80x125xf32, #tpu.memory_space<hbm>> -> memref<1x1x125xf32, #tpu.memory_space<hbm>>
        %dma_start3A_522 = tpu.memref_squeeze %dma_start3A_521 : memref<1x1x125xf32, #tpu.memory_space<hbm>> -> memref<125xf32, #tpu.memory_space<hbm>>
        %dma_start3A_523 = arith.constant 0 : i32
        %dma_start3A_524 = tpu.memref_slice %arg7[%dma_start3A_516, %dma_start3A_523] : memref<4x125xf32, #tpu.memory_space<vmem>> -> memref<1x125xf32, #tpu.memory_space<vmem>>
        %dma_start3A_525 = tpu.memref_squeeze %dma_start3A_524 : memref<1x125xf32, #tpu.memory_space<vmem>> -> memref<125xf32, #tpu.memory_space<vmem>>
        %dma_start3A_526 = arith.constant 0 : i32
        %dma_start3A_527 = tpu.memref_slice %arg3[%add3A, %add3A_485, %dma_start3A_526] : memref<32x80x125xf32, #tpu.memory_space<hbm>> -> memref<1x1x125xf32, #tpu.memory_space<hbm>>
        %dma_start3A_528 = tpu.memref_squeeze %dma_start3A_527 : memref<1x1x125xf32, #tpu.memory_space<hbm>> -> memref<125xf32, #tpu.memory_space<hbm>>
        tpu.enqueue_dma source(%dma_start3A_528 : memref<125xf32, #tpu.memory_space<hbm>>) target(%dma_start3A_525 : memref<125xf32, #tpu.memory_space<vmem>>) target_semaphore(%arg12 : memref<!tpu.dma_semaphore, #tpu.memory_space<semaphore_mem>>)
      } else {
      }
      %scan3A_279 = arith.constant 0 : i32
      %scan3A_280 = arith.constant 0 : i32
      %scan3A_281 = arith.constant 125 : i32
      %scan3A_282 = arith.addi %scan3A_280, %scan3A_281 : i32
      %scan3A_283 = arith.constant 1 : i32
      scf.for %scan3A_484 = %scan3A_280 to %scan3A_282 step %scan3A_283  : i32 {
        %broadcast_in_dim3A = arith.constant 0 : i32
        %broadcast_in_dim3A_485 = vector.broadcast %broadcast_in_dim3A : i32 to vector<16xi32>
        %broadcast_in_dim3A_486 = vector.broadcast %scan3A_484 : i32 to vector<16xi32>
        %gather3A = tpu.vector_load_idx %arg7[%broadcast_in_dim3A_485, %broadcast_in_dim3A_486] : memref<4x125xf32, #tpu.memory_space<vmem>>[vector<16xi32>, vector<16xi32>], vector<16xf32>,
        %get3A = arith.constant 0 : i32
        %get3A_487 = arith.index_cast %get3A : i32 to index
        %get3A_488 = arith.index_cast %scan3A_484 : i32 to index
        %get3A_489 = arith.constant 0 : index
        %get3A_490 = tpu.vector_load %arg8[%get3A_487, %get3A_488, %get3A_489] {strides = array<i32>} : memref<2x125x128xf32, #tpu.memory_space<vmem>>, vector<16xf32>,
        %mul3A_491 = arith.mulf %get3A_490, %gather3A : vector<16xf32>
        %swap3A = arith.constant 0 : i32
        %swap3A_492 = arith.index_cast %swap3A : i32 to index
        %swap3A_493 = arith.index_cast %scan3A_484 : i32 to index
        %swap3A_494 = arith.constant 0 : index
        %swap3A_495 = tpu.vector_load %arg8[%swap3A_492, %swap3A_493, %swap3A_494] {strides = array<i32>} : memref<2x125x128xf32, #tpu.memory_space<vmem>>, vector<16xf32>,
        tpu.vector_store %arg8[%swap3A_492, %swap3A_493, %swap3A_494], %mul3A_491 {strides = array<i32>} : memref<2x125x128xf32, #tpu.memory_space<vmem>>, vector<16xf32>,
        %get3A_496 = arith.constant 0 : i32
        %get3A_497 = arith.index_cast %get3A_496 : i32 to index
        %get3A_498 = arith.index_cast %scan3A_484 : i32 to index
        %get3A_499 = arith.constant 16 : index
        %get3A_500 = tpu.vector_load %arg8[%get3A_497, %get3A_498, %get3A_499] {strides = array<i32>} : memref<2x125x128xf32, #tpu.memory_space<vmem>>, vector<16xf32>,
        %mul3A_501 = arith.mulf %get3A_500, %gather3A : vector<16xf32>
        %swap3A_502 = arith.constant 0 : i32
        %swap3A_503 = arith.index_cast %swap3A_502 : i32 to index
        %swap3A_504 = arith.index_cast %scan3A_484 : i32 to index
        %swap3A_505 = arith.constant 16 : index
        %swap3A_506 = tpu.vector_load %arg8[%swap3A_503, %swap3A_504, %swap3A_505] {strides = array<i32>} : memref<2x125x128xf32, #tpu.memory_space<vmem>>, vector<16xf32>,
        tpu.vector_store %arg8[%swap3A_503, %swap3A_504, %swap3A_505], %mul3A_501 {strides = array<i32>} : memref<2x125x128xf32, #tpu.memory_space<vmem>>, vector<16xf32>,
        %get3A_507 = arith.constant 0 : i32
        %get3A_508 = arith.index_cast %get3A_507 : i32 to index
        %get3A_509 = arith.index_cast %scan3A_484 : i32 to index
        %get3A_510 = arith.constant 32 : index
        %get3A_511 = tpu.vector_load %arg8[%get3A_508, %get3A_509, %get3A_510] {strides = array<i32>} : memref<2x125x128xf32, #tpu.memory_space<vmem>>, vector<16xf32>,
        %mul3A_512 = arith.mulf %get3A_511, %gather3A : vector<16xf32>
        %swap3A_513 = arith.constant 0 : i32
        %swap3A_514 = arith.index_cast %swap3A_513 : i32 to index
        %swap3A_515 = arith.index_cast %scan3A_484 : i32 to index
        %swap3A_516 = arith.constant 32 : index
        %swap3A_517 = tpu.vector_load %arg8[%swap3A_514, %swap3A_515, %swap3A_516] {strides = array<i32>} : memref<2x125x128xf32, #tpu.memory_space<vmem>>, vector<16xf32>,
        tpu.vector_store %arg8[%swap3A_514, %swap3A_515, %swap3A_516], %mul3A_512 {strides = array<i32>} : memref<2x125x128xf32, #tpu.memory_space<vmem>>, vector<16xf32>,
        %get3A_518 = arith.constant 0 : i32
        %get3A_519 = arith.index_cast %get3A_518 : i32 to index
        %get3A_520 = arith.index_cast %scan3A_484 : i32 to index
        %get3A_521 = arith.constant 48 : index
        %get3A_522 = tpu.vector_load %arg8[%get3A_519, %get3A_520, %get3A_521] {strides = array<i32>} : memref<2x125x128xf32, #tpu.memory_space<vmem>>, vector<16xf32>,
        %mul3A_523 = arith.mulf %get3A_522, %gather3A : vector<16xf32>
        %swap3A_524 = arith.constant 0 : i32
        %swap3A_525 = arith.index_cast %swap3A_524 : i32 to index
        %swap3A_526 = arith.index_cast %scan3A_484 : i32 to index
        %swap3A_527 = arith.constant 48 : index
        %swap3A_528 = tpu.vector_load %arg8[%swap3A_525, %swap3A_526, %swap3A_527] {strides = array<i32>} : memref<2x125x128xf32, #tpu.memory_space<vmem>>, vector<16xf32>,
        tpu.vector_store %arg8[%swap3A_525, %swap3A_526, %swap3A_527], %mul3A_523 {strides = array<i32>} : memref<2x125x128xf32, #tpu.memory_space<vmem>>, vector<16xf32>,
        %get3A_529 = arith.constant 0 : i32
        %get3A_530 = arith.index_cast %get3A_529 : i32 to index
        %get3A_531 = arith.index_cast %scan3A_484 : i32 to index
        %get3A_532 = arith.constant 64 : index
        %get3A_533 = tpu.vector_load %arg8[%get3A_530, %get3A_531, %get3A_532] {strides = array<i32>} : memref<2x125x128xf32, #tpu.memory_space<vmem>>, vector<16xf32>,
        %mul3A_534 = arith.mulf %get3A_533, %gather3A : vector<16xf32>
        %swap3A_535 = arith.constant 0 : i32
        %swap3A_536 = arith.index_cast %swap3A_535 : i32 to index
        %swap3A_537 = arith.index_cast %scan3A_484 : i32 to index
        %swap3A_538 = arith.constant 64 : index
        %swap3A_539 = tpu.vector_load %arg8[%swap3A_536, %swap3A_537, %swap3A_538] {strides = array<i32>} : memref<2x125x128xf32, #tpu.memory_space<vmem>>, vector<16xf32>,
        tpu.vector_store %arg8[%swap3A_536, %swap3A_537, %swap3A_538], %mul3A_534 {strides = array<i32>} : memref<2x125x128xf32, #tpu.memory_space<vmem>>, vector<16xf32>,
        %get3A_540 = arith.constant 0 : i32
        %get3A_541 = arith.index_cast %get3A_540 : i32 to index
        %get3A_542 = arith.index_cast %scan3A_484 : i32 to index
        %get3A_543 = arith.constant 80 : index
        %get3A_544 = tpu.vector_load %arg8[%get3A_541, %get3A_542, %get3A_543] {strides = array<i32>} : memref<2x125x128xf32, #tpu.memory_space<vmem>>, vector<16xf32>,
        %mul3A_545 = arith.mulf %get3A_544, %gather3A : vector<16xf32>
        %swap3A_546 = arith.constant 0 : i32
        %swap3A_547 = arith.index_cast %swap3A_546 : i32 to index
        %swap3A_548 = arith.index_cast %scan3A_484 : i32 to index
        %swap3A_549 = arith.constant 80 : index
        %swap3A_550 = tpu.vector_load %arg8[%swap3A_547, %swap3A_548, %swap3A_549] {strides = array<i32>} : memref<2x125x128xf32, #tpu.memory_space<vmem>>, vector<16xf32>,
        tpu.vector_store %arg8[%swap3A_547, %swap3A_548, %swap3A_549], %mul3A_545 {strides = array<i32>} : memref<2x125x128xf32, #tpu.memory_space<vmem>>, vector<16xf32>,
        %get3A_551 = arith.constant 0 : i32
        %get3A_552 = arith.index_cast %get3A_551 : i32 to index
        %get3A_553 = arith.index_cast %scan3A_484 : i32 to index
        %get3A_554 = arith.constant 96 : index
        %get3A_555 = tpu.vector_load %arg8[%get3A_552, %get3A_553, %get3A_554] {strides = array<i32>} : memref<2x125x128xf32, #tpu.memory_space<vmem>>, vector<16xf32>,
        %mul3A_556 = arith.mulf %get3A_555, %gather3A : vector<16xf32>
        %swap3A_557 = arith.constant 0 : i32
        %swap3A_558 = arith.index_cast %swap3A_557 : i32 to index
        %swap3A_559 = arith.index_cast %scan3A_484 : i32 to index
        %swap3A_560 = arith.constant 96 : index
        %swap3A_561 = tpu.vector_load %arg8[%swap3A_558, %swap3A_559, %swap3A_560] {strides = array<i32>} : memref<2x125x128xf32, #tpu.memory_space<vmem>>, vector<16xf32>,
        tpu.vector_store %arg8[%swap3A_558, %swap3A_559, %swap3A_560], %mul3A_556 {strides = array<i32>} : memref<2x125x128xf32, #tpu.memory_space<vmem>>, vector<16xf32>,
        %get3A_562 = arith.constant 0 : i32
        %get3A_563 = arith.index_cast %get3A_562 : i32 to index
        %get3A_564 = arith.index_cast %scan3A_484 : i32 to index
        %get3A_565 = arith.constant 112 : index
        %get3A_566 = tpu.vector_load %arg8[%get3A_563, %get3A_564, %get3A_565] {strides = array<i32>} : memref<2x125x128xf32, #tpu.memory_space<vmem>>, vector<16xf32>,
        %mul3A_567 = arith.mulf %get3A_566, %gather3A : vector<16xf32>
        %swap3A_568 = arith.constant 0 : i32
        %swap3A_569 = arith.index_cast %swap3A_568 : i32 to index
        %swap3A_570 = arith.index_cast %scan3A_484 : i32 to index
        %swap3A_571 = arith.constant 112 : index
        %swap3A_572 = tpu.vector_load %arg8[%swap3A_569, %swap3A_570, %swap3A_571] {strides = array<i32>} : memref<2x125x128xf32, #tpu.memory_space<vmem>>, vector<16xf32>,
        tpu.vector_store %arg8[%swap3A_569, %swap3A_570, %swap3A_571], %mul3A_567 {strides = array<i32>} : memref<2x125x128xf32, #tpu.memory_space<vmem>>, vector<16xf32>,
      }
      %scan3A_284 = arith.constant 125 : i32
      %dma_start3A_285 = arith.constant 0 : i32
      %dma_start3A_286 = arith.constant 0 : i32
      %dma_start3A_287 = arith.constant 1 : i32
      %dma_start3A_288 = arith.constant 0 : i32
      %dma_start3A_289 = arith.constant 0 : i32
      %dma_start3A_290 = tpu.memref_slice %arg8[%dma_start3A_285, %dma_start3A_288, %dma_start3A_289] : memref<2x125x128xf32, #tpu.memory_space<vmem>> -> memref<1x125x128xf32, #tpu.memory_space<vmem>>
      %dma_start3A_291 = tpu.memref_squeeze %dma_start3A_290 : memref<1x125x128xf32, #tpu.memory_space<vmem>> -> memref<125x128xf32, #tpu.memory_space<vmem>>
      %dma_start3A_292 = arith.constant 0 : i32
      %dma_start3A_293 = tpu.memref_slice %arg6[%dma_start3A_286, %dma_start3A_287, %dma_start3A_292] : memref<4x2x125xi32, #tpu.memory_space<vmem>> -> memref<1x1x125xi32, #tpu.memory_space<vmem>>
      %dma_start3A_294 = tpu.memref_squeeze %dma_start3A_293 : memref<1x1x125xi32, #tpu.memory_space<vmem>> -> memref<125xi32, #tpu.memory_space<vmem>>
      %dma_start3A_295 = arith.constant 0 : i32
      %dma_start3A_296 = arith.constant 0 : i32
      %dma_start3A_297 = tpu.memref_slice %arg9[%dma_start3A_295, %dma_start3A_296] : memref<10000x128xf32, #tpu.memory_space<vmem_shared>> -> memref<10000x128xf32, #tpu.memory_space<vmem_shared>>
      tpu.enqueue_indirect_dma source(%dma_start3A_291 : memref<125x128xf32, #tpu.memory_space<vmem>>) target(%dma_start3A_297 : memref<10000x128xf32, #tpu.memory_space<vmem_shared>>) offsets(%dma_start3A_294 : memref<125xi32, #tpu.memory_space<vmem>>) semaphore(%arg16 : memref<!tpu.dma_semaphore, #tpu.memory_space<semaphore_mem>>) {add = true}
      %mul3A_298 = arith.constant 4 : i32
      %mul3A_299 = arith.muli %scan3A_239, %mul3A_298 : i32
      %add3A_300 = arith.constant 1 : i32
      %add3A_301 = arith.addi %mul3A_299, %add3A_300 : i32
      %dma_wait3A_302 = arith.constant 1 : i32
      %dma_wait3A_303 = arith.constant 0 : i32
      %dma_wait3A_304 = arith.constant 1 : i32
      %dma_wait3A_305 = arith.constant 0 : i32
      %dma_wait3A_306 = arith.constant 0 : i32
      %dma_wait3A_307 = tpu.memref_slice %arg8[%dma_wait3A_304, %dma_wait3A_305, %dma_wait3A_306] : memref<2x125x128xf32, #tpu.memory_space<vmem>> -> memref<1x125x128xf32, #tpu.memory_space<vmem>>
      %dma_wait3A_308 = tpu.memref_squeeze %dma_wait3A_307 : memref<1x125x128xf32, #tpu.memory_space<vmem>> -> memref<125x128xf32, #tpu.memory_space<vmem>>
      %dma_wait3A_309 = arith.constant 0 : i32
      %dma_wait3A_310 = tpu.memref_slice %arg6[%dma_wait3A_302, %dma_wait3A_303, %dma_wait3A_309] : memref<4x2x125xi32, #tpu.memory_space<vmem>> -> memref<1x1x125xi32, #tpu.memory_space<vmem>>
      %dma_wait3A_311 = tpu.memref_squeeze %dma_wait3A_310 : memref<1x1x125xi32, #tpu.memory_space<vmem>> -> memref<125xi32, #tpu.memory_space<vmem>>
      %dma_wait3A_312 = arith.constant 0 : i32
      %dma_wait3A_313 = arith.constant 0 : i32
      %dma_wait3A_314 = tpu.memref_slice %arg4[%dma_wait3A_312, %dma_wait3A_313] : memref<10000x128xf32, #tpu.memory_space<hbm>> -> memref<10000x128xf32, #tpu.memory_space<hbm>>
      tpu.wait_indirect_dma semaphore(%arg15 : memref<!tpu.dma_semaphore, #tpu.memory_space<semaphore_mem>>) src(%dma_wait3A_314 : memref<10000x128xf32, #tpu.memory_space<hbm>>) dst(%dma_wait3A_308 : memref<125x128xf32, #tpu.memory_space<vmem>>)
      %add3A_315 = arith.constant 1 : i32
      %add3A_316 = arith.addi %add3A_301, %add3A_315 : i32
      %lt3A_317 = arith.constant 80 : i32
      %lt3A_318 = arith.cmpi slt, %add3A_316, %lt3A_317 : i32
      %convert_element_type3A_319 = arith.extui %lt3A_318 : i1 to i32
      %cond3A_320 = arith.constant 0 : i32
      %cond3A_321 = arith.cmpi ne, %convert_element_type3A_319, %cond3A_320 : i32
      scf.if %cond3A_321 {
        %add3A_484 = arith.constant 1 : i32
        %add3A_485 = arith.addi %add3A_301, %add3A_484 : i32
        %dma_wait3A_486 = arith.constant 0 : i32
        %dma_wait3A_487 = arith.constant 2 : i32
        %dma_wait3A_488 = arith.constant 0 : i32
        %dma_wait3A_489 = arith.constant 0 : i32
        %dma_wait3A_490 = tpu.memref_slice %arg6[%dma_wait3A_487, %dma_wait3A_488, %dma_wait3A_489] : memref<4x2x125xi32, #tpu.memory_space<vmem>> -> memref<1x1x125xi32, #tpu.memory_space<vmem>>
        %dma_wait3A_491 = tpu.memref_squeeze %dma_wait3A_490 : memref<1x1x125xi32, #tpu.memory_space<vmem>> -> memref<125xi32, #tpu.memory_space<vmem>>
        %dma_wait3A_492 = arith.constant 0 : i32
        %dma_wait3A_493 = tpu.memref_slice %arg2[%dma_wait3A_486, %add3A, %add3A_485, %dma_wait3A_492] : memref<2x32x80x125xi32, #tpu.memory_space<hbm>> -> memref<1x1x1x125xi32, #tpu.memory_space<hbm>>
        %dma_wait3A_494 = tpu.memref_squeeze %dma_wait3A_493 : memref<1x1x1x125xi32, #tpu.memory_space<hbm>> -> memref<125xi32, #tpu.memory_space<hbm>>
        %dma_wait3A_495 = arith.constant 0 : i32
        %dma_wait3A_496 = tpu.memref_slice %arg6[%dma_wait3A_487, %dma_wait3A_488, %dma_wait3A_495] : memref<4x2x125xi32, #tpu.memory_space<vmem>> -> memref<1x1x125xi32, #tpu.memory_space<vmem>>
        %dma_wait3A_497 = tpu.memref_squeeze %dma_wait3A_496 : memref<1x1x125xi32, #tpu.memory_space<vmem>> -> memref<125xi32, #tpu.memory_space<vmem>>
        %dma_wait3A_498 = arith.constant 0 : i32
        %dma_wait3A_499 = tpu.memref_slice %arg2[%dma_wait3A_486, %add3A, %add3A_485, %dma_wait3A_498] : memref<2x32x80x125xi32, #tpu.memory_space<hbm>> -> memref<1x1x1x125xi32, #tpu.memory_space<hbm>>
        %dma_wait3A_500 = tpu.memref_squeeze %dma_wait3A_499 : memref<1x1x1x125xi32, #tpu.memory_space<hbm>> -> memref<125xi32, #tpu.memory_space<hbm>>
        tpu.wait_dma2 semaphore(%arg12 : memref<!tpu.dma_semaphore, #tpu.memory_space<semaphore_mem>>) src(%dma_wait3A_500 : memref<125xi32, #tpu.memory_space<hbm>>) dst(%dma_wait3A_497 : memref<125xi32, #tpu.memory_space<vmem>>)
        %dma_wait3A_501 = arith.constant 1 : i32
        %dma_wait3A_502 = arith.constant 2 : i32
        %dma_wait3A_503 = arith.constant 1 : i32
        %dma_wait3A_504 = arith.constant 0 : i32
        %dma_wait3A_505 = tpu.memref_slice %arg6[%dma_wait3A_502, %dma_wait3A_503, %dma_wait3A_504] : memref<4x2x125xi32, #tpu.memory_space<vmem>> -> memref<1x1x125xi32, #tpu.memory_space<vmem>>
        %dma_wait3A_506 = tpu.memref_squeeze %dma_wait3A_505 : memref<1x1x125xi32, #tpu.memory_space<vmem>> -> memref<125xi32, #tpu.memory_space<vmem>>
        %dma_wait3A_507 = arith.constant 0 : i32
        %dma_wait3A_508 = tpu.memref_slice %arg2[%dma_wait3A_501, %add3A, %add3A_485, %dma_wait3A_507] : memref<2x32x80x125xi32, #tpu.memory_space<hbm>> -> memref<1x1x1x125xi32, #tpu.memory_space<hbm>>
        %dma_wait3A_509 = tpu.memref_squeeze %dma_wait3A_508 : memref<1x1x1x125xi32, #tpu.memory_space<hbm>> -> memref<125xi32, #tpu.memory_space<hbm>>
        %dma_wait3A_510 = arith.constant 0 : i32
        %dma_wait3A_511 = tpu.memref_slice %arg6[%dma_wait3A_502, %dma_wait3A_503, %dma_wait3A_510] : memref<4x2x125xi32, #tpu.memory_space<vmem>> -> memref<1x1x125xi32, #tpu.memory_space<vmem>>
        %dma_wait3A_512 = tpu.memref_squeeze %dma_wait3A_511 : memref<1x1x125xi32, #tpu.memory_space<vmem>> -> memref<125xi32, #tpu.memory_space<vmem>>
        %dma_wait3A_513 = arith.constant 0 : i32
        %dma_wait3A_514 = tpu.memref_slice %arg2[%dma_wait3A_501, %add3A, %add3A_485, %dma_wait3A_513] : memref<2x32x80x125xi32, #tpu.memory_space<hbm>> -> memref<1x1x1x125xi32, #tpu.memory_space<hbm>>
        %dma_wait3A_515 = tpu.memref_squeeze %dma_wait3A_514 : memref<1x1x1x125xi32, #tpu.memory_space<hbm>> -> memref<125xi32, #tpu.memory_space<hbm>>
        tpu.wait_dma2 semaphore(%arg12 : memref<!tpu.dma_semaphore, #tpu.memory_space<semaphore_mem>>) src(%dma_wait3A_515 : memref<125xi32, #tpu.memory_space<hbm>>) dst(%dma_wait3A_512 : memref<125xi32, #tpu.memory_space<vmem>>)
        %dma_wait3A_516 = arith.constant 2 : i32
        %dma_wait3A_517 = arith.constant 0 : i32
        %dma_wait3A_518 = tpu.memref_slice %arg7[%dma_wait3A_516, %dma_wait3A_517] : memref<4x125xf32, #tpu.memory_space<vmem>> -> memref<1x125xf32, #tpu.memory_space<vmem>>
        %dma_wait3A_519 = tpu.memref_squeeze %dma_wait3A_518 : memref<1x125xf32, #tpu.memory_space<vmem>> -> memref<125xf32, #tpu.memory_space<vmem>>
        %dma_wait3A_520 = arith.constant 0 : i32
        %dma_wait3A_521 = tpu.memref_slice %arg3[%add3A, %add3A_485, %dma_wait3A_520] : memref<32x80x125xf32, #tpu.memory_space<hbm>> -> memref<1x1x125xf32, #tpu.memory_space<hbm>>
        %dma_wait3A_522 = tpu.memref_squeeze %dma_wait3A_521 : memref<1x1x125xf32, #tpu.memory_space<hbm>> -> memref<125xf32, #tpu.memory_space<hbm>>
        %dma_wait3A_523 = arith.constant 0 : i32
        %dma_wait3A_524 = tpu.memref_slice %arg7[%dma_wait3A_516, %dma_wait3A_523] : memref<4x125xf32, #tpu.memory_space<vmem>> -> memref<1x125xf32, #tpu.memory_space<vmem>>
        %dma_wait3A_525 = tpu.memref_squeeze %dma_wait3A_524 : memref<1x125xf32, #tpu.memory_space<vmem>> -> memref<125xf32, #tpu.memory_space<vmem>>
        %dma_wait3A_526 = arith.constant 0 : i32
        %dma_wait3A_527 = tpu.memref_slice %arg3[%add3A, %add3A_485, %dma_wait3A_526] : memref<32x80x125xf32, #tpu.memory_space<hbm>> -> memref<1x1x125xf32, #tpu.memory_space<hbm>>
        %dma_wait3A_528 = tpu.memref_squeeze %dma_wait3A_527 : memref<1x1x125xf32, #tpu.memory_space<hbm>> -> memref<125xf32, #tpu.memory_space<hbm>>
        tpu.wait_dma2 semaphore(%arg12 : memref<!tpu.dma_semaphore, #tpu.memory_space<semaphore_mem>>) src(%dma_wait3A_528 : memref<125xf32, #tpu.memory_space<hbm>>) dst(%dma_wait3A_525 : memref<125xf32, #tpu.memory_space<vmem>>)
      } else {
      }
      %ge3A_322 = arith.constant 1 : i32
      %ge3A_323 = arith.cmpi sge, %add3A_301, %ge3A_322 : i32
      %convert_element_type3A_324 = arith.extui %ge3A_323 : i1 to i32
      %cond3A_325 = arith.constant 0 : i32
      %cond3A_326 = arith.cmpi ne, %convert_element_type3A_324, %cond3A_325 : i32
      scf.if %cond3A_326 {
        %sub3A = arith.constant 1 : i32
        %sub3A_484 = arith.subi %add3A_301, %sub3A : i32
        %dma_wait3A_485 = arith.constant 0 : i32
        %dma_wait3A_486 = arith.constant 0 : i32
        %dma_wait3A_487 = arith.constant 1 : i32
        %dma_wait3A_488 = arith.constant 0 : i32
        %dma_wait3A_489 = arith.constant 0 : i32
        %dma_wait3A_490 = tpu.memref_slice %arg8[%dma_wait3A_485, %dma_wait3A_488, %dma_wait3A_489] : memref<2x125x128xf32, #tpu.memory_space<vmem>> -> memref<1x125x128xf32, #tpu.memory_space<vmem>>
        %dma_wait3A_491 = tpu.memref_squeeze %dma_wait3A_490 : memref<1x125x128xf32, #tpu.memory_space<vmem>> -> memref<125x128xf32, #tpu.memory_space<vmem>>
        %dma_wait3A_492 = arith.constant 0 : i32
        %dma_wait3A_493 = tpu.memref_slice %arg6[%dma_wait3A_486, %dma_wait3A_487, %dma_wait3A_492] : memref<4x2x125xi32, #tpu.memory_space<vmem>> -> memref<1x1x125xi32, #tpu.memory_space<vmem>>
        %dma_wait3A_494 = tpu.memref_squeeze %dma_wait3A_493 : memref<1x1x125xi32, #tpu.memory_space<vmem>> -> memref<125xi32, #tpu.memory_space<vmem>>
        %dma_wait3A_495 = arith.constant 0 : i32
        %dma_wait3A_496 = arith.constant 0 : i32
        %dma_wait3A_497 = tpu.memref_slice %arg9[%dma_wait3A_495, %dma_wait3A_496] : memref<10000x128xf32, #tpu.memory_space<vmem_shared>> -> memref<10000x128xf32, #tpu.memory_space<vmem_shared>>
        tpu.wait_indirect_dma semaphore(%arg16 : memref<!tpu.dma_semaphore, #tpu.memory_space<semaphore_mem>>) src(%dma_wait3A_491 : memref<125x128xf32, #tpu.memory_space<vmem>>) dst(%dma_wait3A_497 : memref<10000x128xf32, #tpu.memory_space<vmem_shared>>)
      } else {
      }
      %add3A_327 = arith.constant 1 : i32
      %add3A_328 = arith.addi %add3A_301, %add3A_327 : i32
      %lt3A_329 = arith.constant 80 : i32
      %lt3A_330 = arith.cmpi slt, %add3A_328, %lt3A_329 : i32
      %convert_element_type3A_331 = arith.extui %lt3A_330 : i1 to i32
      %cond3A_332 = arith.constant 0 : i32
      %cond3A_333 = arith.cmpi ne, %convert_element_type3A_331, %cond3A_332 : i32
      scf.if %cond3A_333 {
        %add3A_484 = arith.constant 1 : i32
        %add3A_485 = arith.addi %add3A_301, %add3A_484 : i32
        %dma_start3A_486 = arith.constant 2 : i32
        %dma_start3A_487 = arith.constant 0 : i32
        %dma_start3A_488 = arith.constant 0 : i32
        %dma_start3A_489 = arith.constant 0 : i32
        %dma_start3A_490 = arith.constant 0 : i32
        %dma_start3A_491 = tpu.memref_slice %arg8[%dma_start3A_488, %dma_start3A_489, %dma_start3A_490] : memref<2x125x128xf32, #tpu.memory_space<vmem>> -> memref<1x125x128xf32, #tpu.memory_space<vmem>>
        %dma_start3A_492 = tpu.memref_squeeze %dma_start3A_491 : memref<1x125x128xf32, #tpu.memory_space<vmem>> -> memref<125x128xf32, #tpu.memory_space<vmem>>
        %dma_start3A_493 = arith.constant 0 : i32
        %dma_start3A_494 = tpu.memref_slice %arg6[%dma_start3A_486, %dma_start3A_487, %dma_start3A_493] : memref<4x2x125xi32, #tpu.memory_space<vmem>> -> memref<1x1x125xi32, #tpu.memory_space<vmem>>
        %dma_start3A_495 = tpu.memref_squeeze %dma_start3A_494 : memref<1x1x125xi32, #tpu.memory_space<vmem>> -> memref<125xi32, #tpu.memory_space<vmem>>
        %dma_start3A_496 = arith.constant 0 : i32
        %dma_start3A_497 = arith.constant 0 : i32
        %dma_start3A_498 = tpu.memref_slice %arg4[%dma_start3A_496, %dma_start3A_497] : memref<10000x128xf32, #tpu.memory_space<hbm>> -> memref<10000x128xf32, #tpu.memory_space<hbm>>
        tpu.enqueue_indirect_dma source(%dma_start3A_498 : memref<10000x128xf32, #tpu.memory_space<hbm>>) target(%dma_start3A_492 : memref<125x128xf32, #tpu.memory_space<vmem>>) offsets(%dma_start3A_495 : memref<125xi32, #tpu.memory_space<vmem>>) semaphore(%arg14 : memref<!tpu.dma_semaphore, #tpu.memory_space<semaphore_mem>>)
      } else {
      }
      %add3A_334 = arith.constant 2 : i32
      %add3A_335 = arith.addi %add3A_301, %add3A_334 : i32
      %lt3A_336 = arith.constant 80 : i32
      %lt3A_337 = arith.cmpi slt, %add3A_335, %lt3A_336 : i32
      %convert_element_type3A_338 = arith.extui %lt3A_337 : i1 to i32
      %cond3A_339 = arith.constant 0 : i32
      %cond3A_340 = arith.cmpi ne, %convert_element_type3A_338, %cond3A_339 : i32
      scf.if %cond3A_340 {
        %add3A_484 = arith.constant 2 : i32
        %add3A_485 = arith.addi %add3A_301, %add3A_484 : i32
        %dma_start3A_486 = arith.constant 0 : i32
        %dma_start3A_487 = arith.constant 3 : i32
        %dma_start3A_488 = arith.constant 0 : i32
        %dma_start3A_489 = arith.constant 0 : i32
        %dma_start3A_490 = tpu.memref_slice %arg6[%dma_start3A_487, %dma_start3A_488, %dma_start3A_489] : memref<4x2x125xi32, #tpu.memory_space<vmem>> -> memref<1x1x125xi32, #tpu.memory_space<vmem>>
        %dma_start3A_491 = tpu.memref_squeeze %dma_start3A_490 : memref<1x1x125xi32, #tpu.memory_space<vmem>> -> memref<125xi32, #tpu.memory_space<vmem>>
        %dma_start3A_492 = arith.constant 0 : i32
        %dma_start3A_493 = tpu.memref_slice %arg2[%dma_start3A_486, %add3A, %add3A_485, %dma_start3A_492] : memref<2x32x80x125xi32, #tpu.memory_space<hbm>> -> memref<1x1x1x125xi32, #tpu.memory_space<hbm>>
        %dma_start3A_494 = tpu.memref_squeeze %dma_start3A_493 : memref<1x1x1x125xi32, #tpu.memory_space<hbm>> -> memref<125xi32, #tpu.memory_space<hbm>>
        %dma_start3A_495 = arith.constant 0 : i32
        %dma_start3A_496 = tpu.memref_slice %arg6[%dma_start3A_487, %dma_start3A_488, %dma_start3A_495] : memref<4x2x125xi32, #tpu.memory_space<vmem>> -> memref<1x1x125xi32, #tpu.memory_space<vmem>>
        %dma_start3A_497 = tpu.memref_squeeze %dma_start3A_496 : memref<1x1x125xi32, #tpu.memory_space<vmem>> -> memref<125xi32, #tpu.memory_space<vmem>>
        %dma_start3A_498 = arith.constant 0 : i32
        %dma_start3A_499 = tpu.memref_slice %arg2[%dma_start3A_486, %add3A, %add3A_485, %dma_start3A_498] : memref<2x32x80x125xi32, #tpu.memory_space<hbm>> -> memref<1x1x1x125xi32, #tpu.memory_space<hbm>>
        %dma_start3A_500 = tpu.memref_squeeze %dma_start3A_499 : memref<1x1x1x125xi32, #tpu.memory_space<hbm>> -> memref<125xi32, #tpu.memory_space<hbm>>
        tpu.enqueue_dma source(%dma_start3A_500 : memref<125xi32, #tpu.memory_space<hbm>>) target(%dma_start3A_497 : memref<125xi32, #tpu.memory_space<vmem>>) target_semaphore(%arg13 : memref<!tpu.dma_semaphore, #tpu.memory_space<semaphore_mem>>)
        %dma_start3A_501 = arith.constant 1 : i32
        %dma_start3A_502 = arith.constant 3 : i32
        %dma_start3A_503 = arith.constant 1 : i32
        %dma_start3A_504 = arith.constant 0 : i32
        %dma_start3A_505 = tpu.memref_slice %arg6[%dma_start3A_502, %dma_start3A_503, %dma_start3A_504] : memref<4x2x125xi32, #tpu.memory_space<vmem>> -> memref<1x1x125xi32, #tpu.memory_space<vmem>>
        %dma_start3A_506 = tpu.memref_squeeze %dma_start3A_505 : memref<1x1x125xi32, #tpu.memory_space<vmem>> -> memref<125xi32, #tpu.memory_space<vmem>>
        %dma_start3A_507 = arith.constant 0 : i32
        %dma_start3A_508 = tpu.memref_slice %arg2[%dma_start3A_501, %add3A, %add3A_485, %dma_start3A_507] : memref<2x32x80x125xi32, #tpu.memory_space<hbm>> -> memref<1x1x1x125xi32, #tpu.memory_space<hbm>>
        %dma_start3A_509 = tpu.memref_squeeze %dma_start3A_508 : memref<1x1x1x125xi32, #tpu.memory_space<hbm>> -> memref<125xi32, #tpu.memory_space<hbm>>
        %dma_start3A_510 = arith.constant 0 : i32
        %dma_start3A_511 = tpu.memref_slice %arg6[%dma_start3A_502, %dma_start3A_503, %dma_start3A_510] : memref<4x2x125xi32, #tpu.memory_space<vmem>> -> memref<1x1x125xi32, #tpu.memory_space<vmem>>
        %dma_start3A_512 = tpu.memref_squeeze %dma_start3A_511 : memref<1x1x125xi32, #tpu.memory_space<vmem>> -> memref<125xi32, #tpu.memory_space<vmem>>
        %dma_start3A_513 = arith.constant 0 : i32
        %dma_start3A_514 = tpu.memref_slice %arg2[%dma_start3A_501, %add3A, %add3A_485, %dma_start3A_513] : memref<2x32x80x125xi32, #tpu.memory_space<hbm>> -> memref<1x1x1x125xi32, #tpu.memory_space<hbm>>
        %dma_start3A_515 = tpu.memref_squeeze %dma_start3A_514 : memref<1x1x1x125xi32, #tpu.memory_space<hbm>> -> memref<125xi32, #tpu.memory_space<hbm>>
        tpu.enqueue_dma source(%dma_start3A_515 : memref<125xi32, #tpu.memory_space<hbm>>) target(%dma_start3A_512 : memref<125xi32, #tpu.memory_space<vmem>>) target_semaphore(%arg13 : memref<!tpu.dma_semaphore, #tpu.memory_space<semaphore_mem>>)
        %dma_start3A_516 = arith.constant 3 : i32
        %dma_start3A_517 = arith.constant 0 : i32
        %dma_start3A_518 = tpu.memref_slice %arg7[%dma_start3A_516, %dma_start3A_517] : memref<4x125xf32, #tpu.memory_space<vmem>> -> memref<1x125xf32, #tpu.memory_space<vmem>>
        %dma_start3A_519 = tpu.memref_squeeze %dma_start3A_518 : memref<1x125xf32, #tpu.memory_space<vmem>> -> memref<125xf32, #tpu.memory_space<vmem>>
        %dma_start3A_520 = arith.constant 0 : i32
        %dma_start3A_521 = tpu.memref_slice %arg3[%add3A, %add3A_485, %dma_start3A_520] : memref<32x80x125xf32, #tpu.memory_space<hbm>> -> memref<1x1x125xf32, #tpu.memory_space<hbm>>
        %dma_start3A_522 = tpu.memref_squeeze %dma_start3A_521 : memref<1x1x125xf32, #tpu.memory_space<hbm>> -> memref<125xf32, #tpu.memory_space<hbm>>
        %dma_start3A_523 = arith.constant 0 : i32
        %dma_start3A_524 = tpu.memref_slice %arg7[%dma_start3A_516, %dma_start3A_523] : memref<4x125xf32, #tpu.memory_space<vmem>> -> memref<1x125xf32, #tpu.memory_space<vmem>>
        %dma_start3A_525 = tpu.memref_squeeze %dma_start3A_524 : memref<1x125xf32, #tpu.memory_space<vmem>> -> memref<125xf32, #tpu.memory_space<vmem>>
        %dma_start3A_526 = arith.constant 0 : i32
        %dma_start3A_527 = tpu.memref_slice %arg3[%add3A, %add3A_485, %dma_start3A_526] : memref<32x80x125xf32, #tpu.memory_space<hbm>> -> memref<1x1x125xf32, #tpu.memory_space<hbm>>
        %dma_start3A_528 = tpu.memref_squeeze %dma_start3A_527 : memref<1x1x125xf32, #tpu.memory_space<hbm>> -> memref<125xf32, #tpu.memory_space<hbm>>
        tpu.enqueue_dma source(%dma_start3A_528 : memref<125xf32, #tpu.memory_space<hbm>>) target(%dma_start3A_525 : memref<125xf32, #tpu.memory_space<vmem>>) target_semaphore(%arg13 : memref<!tpu.dma_semaphore, #tpu.memory_space<semaphore_mem>>)
      } else {
      }
      %scan3A_341 = arith.constant 0 : i32
      %scan3A_342 = arith.constant 0 : i32
      %scan3A_343 = arith.constant 125 : i32
      %scan3A_344 = arith.addi %scan3A_342, %scan3A_343 : i32
      %scan3A_345 = arith.constant 1 : i32
      scf.for %scan3A_484 = %scan3A_342 to %scan3A_344 step %scan3A_345  : i32 {
        %broadcast_in_dim3A = arith.constant 1 : i32
        %broadcast_in_dim3A_485 = vector.broadcast %broadcast_in_dim3A : i32 to vector<16xi32>
        %broadcast_in_dim3A_486 = vector.broadcast %scan3A_484 : i32 to vector<16xi32>
        %gather3A = tpu.vector_load_idx %arg7[%broadcast_in_dim3A_485, %broadcast_in_dim3A_486] : memref<4x125xf32, #tpu.memory_space<vmem>>[vector<16xi32>, vector<16xi32>], vector<16xf32>,
        %get3A = arith.constant 1 : i32
        %get3A_487 = arith.index_cast %get3A : i32 to index
        %get3A_488 = arith.index_cast %scan3A_484 : i32 to index
        %get3A_489 = arith.constant 0 : index
        %get3A_490 = tpu.vector_load %arg8[%get3A_487, %get3A_488, %get3A_489] {strides = array<i32>} : memref<2x125x128xf32, #tpu.memory_space<vmem>>, vector<16xf32>,
        %mul3A_491 = arith.mulf %get3A_490, %gather3A : vector<16xf32>
        %swap3A = arith.constant 1 : i32
        %swap3A_492 = arith.index_cast %swap3A : i32 to index
        %swap3A_493 = arith.index_cast %scan3A_484 : i32 to index
        %swap3A_494 = arith.constant 0 : index
        %swap3A_495 = tpu.vector_load %arg8[%swap3A_492, %swap3A_493, %swap3A_494] {strides = array<i32>} : memref<2x125x128xf32, #tpu.memory_space<vmem>>, vector<16xf32>,
        tpu.vector_store %arg8[%swap3A_492, %swap3A_493, %swap3A_494], %mul3A_491 {strides = array<i32>} : memref<2x125x128xf32, #tpu.memory_space<vmem>>, vector<16xf32>,
        %get3A_496 = arith.constant 1 : i32
        %get3A_497 = arith.index_cast %get3A_496 : i32 to index
        %get3A_498 = arith.index_cast %scan3A_484 : i32 to index
        %get3A_499 = arith.constant 16 : index
        %get3A_500 = tpu.vector_load %arg8[%get3A_497, %get3A_498, %get3A_499] {strides = array<i32>} : memref<2x125x128xf32, #tpu.memory_space<vmem>>, vector<16xf32>,
        %mul3A_501 = arith.mulf %get3A_500, %gather3A : vector<16xf32>
        %swap3A_502 = arith.constant 1 : i32
        %swap3A_503 = arith.index_cast %swap3A_502 : i32 to index
        %swap3A_504 = arith.index_cast %scan3A_484 : i32 to index
        %swap3A_505 = arith.constant 16 : index
        %swap3A_506 = tpu.vector_load %arg8[%swap3A_503, %swap3A_504, %swap3A_505] {strides = array<i32>} : memref<2x125x128xf32, #tpu.memory_space<vmem>>, vector<16xf32>,
        tpu.vector_store %arg8[%swap3A_503, %swap3A_504, %swap3A_505], %mul3A_501 {strides = array<i32>} : memref<2x125x128xf32, #tpu.memory_space<vmem>>, vector<16xf32>,
        %get3A_507 = arith.constant 1 : i32
        %get3A_508 = arith.index_cast %get3A_507 : i32 to index
        %get3A_509 = arith.index_cast %scan3A_484 : i32 to index
        %get3A_510 = arith.constant 32 : index
        %get3A_511 = tpu.vector_load %arg8[%get3A_508, %get3A_509, %get3A_510] {strides = array<i32>} : memref<2x125x128xf32, #tpu.memory_space<vmem>>, vector<16xf32>,
        %mul3A_512 = arith.mulf %get3A_511, %gather3A : vector<16xf32>
        %swap3A_513 = arith.constant 1 : i32
        %swap3A_514 = arith.index_cast %swap3A_513 : i32 to index
        %swap3A_515 = arith.index_cast %scan3A_484 : i32 to index
        %swap3A_516 = arith.constant 32 : index
        %swap3A_517 = tpu.vector_load %arg8[%swap3A_514, %swap3A_515, %swap3A_516] {strides = array<i32>} : memref<2x125x128xf32, #tpu.memory_space<vmem>>, vector<16xf32>,
        tpu.vector_store %arg8[%swap3A_514, %swap3A_515, %swap3A_516], %mul3A_512 {strides = array<i32>} : memref<2x125x128xf32, #tpu.memory_space<vmem>>, vector<16xf32>,
        %get3A_518 = arith.constant 1 : i32
        %get3A_519 = arith.index_cast %get3A_518 : i32 to index
        %get3A_520 = arith.index_cast %scan3A_484 : i32 to index
        %get3A_521 = arith.constant 48 : index
        %get3A_522 = tpu.vector_load %arg8[%get3A_519, %get3A_520, %get3A_521] {strides = array<i32>} : memref<2x125x128xf32, #tpu.memory_space<vmem>>, vector<16xf32>,
        %mul3A_523 = arith.mulf %get3A_522, %gather3A : vector<16xf32>
        %swap3A_524 = arith.constant 1 : i32
        %swap3A_525 = arith.index_cast %swap3A_524 : i32 to index
        %swap3A_526 = arith.index_cast %scan3A_484 : i32 to index
        %swap3A_527 = arith.constant 48 : index
        %swap3A_528 = tpu.vector_load %arg8[%swap3A_525, %swap3A_526, %swap3A_527] {strides = array<i32>} : memref<2x125x128xf32, #tpu.memory_space<vmem>>, vector<16xf32>,
        tpu.vector_store %arg8[%swap3A_525, %swap3A_526, %swap3A_527], %mul3A_523 {strides = array<i32>} : memref<2x125x128xf32, #tpu.memory_space<vmem>>, vector<16xf32>,
        %get3A_529 = arith.constant 1 : i32
        %get3A_530 = arith.index_cast %get3A_529 : i32 to index
        %get3A_531 = arith.index_cast %scan3A_484 : i32 to index
        %get3A_532 = arith.constant 64 : index
        %get3A_533 = tpu.vector_load %arg8[%get3A_530, %get3A_531, %get3A_532] {strides = array<i32>} : memref<2x125x128xf32, #tpu.memory_space<vmem>>, vector<16xf32>,
        %mul3A_534 = arith.mulf %get3A_533, %gather3A : vector<16xf32>
        %swap3A_535 = arith.constant 1 : i32
        %swap3A_536 = arith.index_cast %swap3A_535 : i32 to index
        %swap3A_537 = arith.index_cast %scan3A_484 : i32 to index
        %swap3A_538 = arith.constant 64 : index
        %swap3A_539 = tpu.vector_load %arg8[%swap3A_536, %swap3A_537, %swap3A_538] {strides = array<i32>} : memref<2x125x128xf32, #tpu.memory_space<vmem>>, vector<16xf32>,
        tpu.vector_store %arg8[%swap3A_536, %swap3A_537, %swap3A_538], %mul3A_534 {strides = array<i32>} : memref<2x125x128xf32, #tpu.memory_space<vmem>>, vector<16xf32>,
        %get3A_540 = arith.constant 1 : i32
        %get3A_541 = arith.index_cast %get3A_540 : i32 to index
        %get3A_542 = arith.index_cast %scan3A_484 : i32 to index
        %get3A_543 = arith.constant 80 : index
        %get3A_544 = tpu.vector_load %arg8[%get3A_541, %get3A_542, %get3A_543] {strides = array<i32>} : memref<2x125x128xf32, #tpu.memory_space<vmem>>, vector<16xf32>,
        %mul3A_545 = arith.mulf %get3A_544, %gather3A : vector<16xf32>
        %swap3A_546 = arith.constant 1 : i32
        %swap3A_547 = arith.index_cast %swap3A_546 : i32 to index
        %swap3A_548 = arith.index_cast %scan3A_484 : i32 to index
        %swap3A_549 = arith.constant 80 : index
        %swap3A_550 = tpu.vector_load %arg8[%swap3A_547, %swap3A_548, %swap3A_549] {strides = array<i32>} : memref<2x125x128xf32, #tpu.memory_space<vmem>>, vector<16xf32>,
        tpu.vector_store %arg8[%swap3A_547, %swap3A_548, %swap3A_549], %mul3A_545 {strides = array<i32>} : memref<2x125x128xf32, #tpu.memory_space<vmem>>, vector<16xf32>,
        %get3A_551 = arith.constant 1 : i32
        %get3A_552 = arith.index_cast %get3A_551 : i32 to index
        %get3A_553 = arith.index_cast %scan3A_484 : i32 to index
        %get3A_554 = arith.constant 96 : index
        %get3A_555 = tpu.vector_load %arg8[%get3A_552, %get3A_553, %get3A_554] {strides = array<i32>} : memref<2x125x128xf32, #tpu.memory_space<vmem>>, vector<16xf32>,
        %mul3A_556 = arith.mulf %get3A_555, %gather3A : vector<16xf32>
        %swap3A_557 = arith.constant 1 : i32
        %swap3A_558 = arith.index_cast %swap3A_557 : i32 to index
        %swap3A_559 = arith.index_cast %scan3A_484 : i32 to index
        %swap3A_560 = arith.constant 96 : index
        %swap3A_561 = tpu.vector_load %arg8[%swap3A_558, %swap3A_559, %swap3A_560] {strides = array<i32>} : memref<2x125x128xf32, #tpu.memory_space<vmem>>, vector<16xf32>,
        tpu.vector_store %arg8[%swap3A_558, %swap3A_559, %swap3A_560], %mul3A_556 {strides = array<i32>} : memref<2x125x128xf32, #tpu.memory_space<vmem>>, vector<16xf32>,
        %get3A_562 = arith.constant 1 : i32
        %get3A_563 = arith.index_cast %get3A_562 : i32 to index
        %get3A_564 = arith.index_cast %scan3A_484 : i32 to index
        %get3A_565 = arith.constant 112 : index
        %get3A_566 = tpu.vector_load %arg8[%get3A_563, %get3A_564, %get3A_565] {strides = array<i32>} : memref<2x125x128xf32, #tpu.memory_space<vmem>>, vector<16xf32>,
        %mul3A_567 = arith.mulf %get3A_566, %gather3A : vector<16xf32>
        %swap3A_568 = arith.constant 1 : i32
        %swap3A_569 = arith.index_cast %swap3A_568 : i32 to index
        %swap3A_570 = arith.index_cast %scan3A_484 : i32 to index
        %swap3A_571 = arith.constant 112 : index
        %swap3A_572 = tpu.vector_load %arg8[%swap3A_569, %swap3A_570, %swap3A_571] {strides = array<i32>} : memref<2x125x128xf32, #tpu.memory_space<vmem>>, vector<16xf32>,
        tpu.vector_store %arg8[%swap3A_569, %swap3A_570, %swap3A_571], %mul3A_567 {strides = array<i32>} : memref<2x125x128xf32, #tpu.memory_space<vmem>>, vector<16xf32>,
      }
      %scan3A_346 = arith.constant 125 : i32
      %dma_start3A_347 = arith.constant 1 : i32
      %dma_start3A_348 = arith.constant 1 : i32
      %dma_start3A_349 = arith.constant 1 : i32
      %dma_start3A_350 = arith.constant 0 : i32
      %dma_start3A_351 = arith.constant 0 : i32
      %dma_start3A_352 = tpu.memref_slice %arg8[%dma_start3A_347, %dma_start3A_350, %dma_start3A_351] : memref<2x125x128xf32, #tpu.memory_space<vmem>> -> memref<1x125x128xf32, #tpu.memory_space<vmem>>
      %dma_start3A_353 = tpu.memref_squeeze %dma_start3A_352 : memref<1x125x128xf32, #tpu.memory_space<vmem>> -> memref<125x128xf32, #tpu.memory_space<vmem>>
      %dma_start3A_354 = arith.constant 0 : i32
      %dma_start3A_355 = tpu.memref_slice %arg6[%dma_start3A_348, %dma_start3A_349, %dma_start3A_354] : memref<4x2x125xi32, #tpu.memory_space<vmem>> -> memref<1x1x125xi32, #tpu.memory_space<vmem>>
      %dma_start3A_356 = tpu.memref_squeeze %dma_start3A_355 : memref<1x1x125xi32, #tpu.memory_space<vmem>> -> memref<125xi32, #tpu.memory_space<vmem>>
      %dma_start3A_357 = arith.constant 0 : i32
      %dma_start3A_358 = arith.constant 0 : i32
      %dma_start3A_359 = tpu.memref_slice %arg9[%dma_start3A_357, %dma_start3A_358] : memref<10000x128xf32, #tpu.memory_space<vmem_shared>> -> memref<10000x128xf32, #tpu.memory_space<vmem_shared>>
      tpu.enqueue_indirect_dma source(%dma_start3A_353 : memref<125x128xf32, #tpu.memory_space<vmem>>) target(%dma_start3A_359 : memref<10000x128xf32, #tpu.memory_space<vmem_shared>>) offsets(%dma_start3A_356 : memref<125xi32, #tpu.memory_space<vmem>>) semaphore(%arg17 : memref<!tpu.dma_semaphore, #tpu.memory_space<semaphore_mem>>) {add = true}
      %mul3A_360 = arith.constant 4 : i32
      %mul3A_361 = arith.muli %scan3A_239, %mul3A_360 : i32
      %add3A_362 = arith.constant 2 : i32
      %add3A_363 = arith.addi %mul3A_361, %add3A_362 : i32
      %dma_wait3A_364 = arith.constant 2 : i32
      %dma_wait3A_365 = arith.constant 0 : i32
      %dma_wait3A_366 = arith.constant 0 : i32
      %dma_wait3A_367 = arith.constant 0 : i32
      %dma_wait3A_368 = arith.constant 0 : i32
      %dma_wait3A_369 = tpu.memref_slice %arg8[%dma_wait3A_366, %dma_wait3A_367, %dma_wait3A_368] : memref<2x125x128xf32, #tpu.memory_space<vmem>> -> memref<1x125x128xf32, #tpu.memory_space<vmem>>
      %dma_wait3A_370 = tpu.memref_squeeze %dma_wait3A_369 : memref<1x125x128xf32, #tpu.memory_space<vmem>> -> memref<125x128xf32, #tpu.memory_space<vmem>>
      %dma_wait3A_371 = arith.constant 0 : i32
      %dma_wait3A_372 = tpu.memref_slice %arg6[%dma_wait3A_364, %dma_wait3A_365, %dma_wait3A_371] : memref<4x2x125xi32, #tpu.memory_space<vmem>> -> memref<1x1x125xi32, #tpu.memory_space<vmem>>
      %dma_wait3A_373 = tpu.memref_squeeze %dma_wait3A_372 : memref<1x1x125xi32, #tpu.memory_space<vmem>> -> memref<125xi32, #tpu.memory_space<vmem>>
      %dma_wait3A_374 = arith.constant 0 : i32
      %dma_wait3A_375 = arith.constant 0 : i32
      %dma_wait3A_376 = tpu.memref_slice %arg4[%dma_wait3A_374, %dma_wait3A_375] : memref<10000x128xf32, #tpu.memory_space<hbm>> -> memref<10000x128xf32, #tpu.memory_space<hbm>>
      tpu.wait_indirect_dma semaphore(%arg14 : memref<!tpu.dma_semaphore, #tpu.memory_space<semaphore_mem>>) src(%dma_wait3A_376 : memref<10000x128xf32, #tpu.memory_space<hbm>>) dst(%dma_wait3A_370 : memref<125x128xf32, #tpu.memory_space<vmem>>)
      %add3A_377 = arith.constant 1 : i32
      %add3A_378 = arith.addi %add3A_363, %add3A_377 : i32
      %lt3A_379 = arith.constant 80 : i32
      %lt3A_380 = arith.cmpi slt, %add3A_378, %lt3A_379 : i32
      %convert_element_type3A_381 = arith.extui %lt3A_380 : i1 to i32
      %cond3A_382 = arith.constant 0 : i32
      %cond3A_383 = arith.cmpi ne, %convert_element_type3A_381, %cond3A_382 : i32
      scf.if %cond3A_383 {
        %add3A_484 = arith.constant 1 : i32
        %add3A_485 = arith.addi %add3A_363, %add3A_484 : i32
        %dma_wait3A_486 = arith.constant 0 : i32
        %dma_wait3A_487 = arith.constant 3 : i32
        %dma_wait3A_488 = arith.constant 0 : i32
        %dma_wait3A_489 = arith.constant 0 : i32
        %dma_wait3A_490 = tpu.memref_slice %arg6[%dma_wait3A_487, %dma_wait3A_488, %dma_wait3A_489] : memref<4x2x125xi32, #tpu.memory_space<vmem>> -> memref<1x1x125xi32, #tpu.memory_space<vmem>>
        %dma_wait3A_491 = tpu.memref_squeeze %dma_wait3A_490 : memref<1x1x125xi32, #tpu.memory_space<vmem>> -> memref<125xi32, #tpu.memory_space<vmem>>
        %dma_wait3A_492 = arith.constant 0 : i32
        %dma_wait3A_493 = tpu.memref_slice %arg2[%dma_wait3A_486, %add3A, %add3A_485, %dma_wait3A_492] : memref<2x32x80x125xi32, #tpu.memory_space<hbm>> -> memref<1x1x1x125xi32, #tpu.memory_space<hbm>>
        %dma_wait3A_494 = tpu.memref_squeeze %dma_wait3A_493 : memref<1x1x1x125xi32, #tpu.memory_space<hbm>> -> memref<125xi32, #tpu.memory_space<hbm>>
        %dma_wait3A_495 = arith.constant 0 : i32
        %dma_wait3A_496 = tpu.memref_slice %arg6[%dma_wait3A_487, %dma_wait3A_488, %dma_wait3A_495] : memref<4x2x125xi32, #tpu.memory_space<vmem>> -> memref<1x1x125xi32, #tpu.memory_space<vmem>>
        %dma_wait3A_497 = tpu.memref_squeeze %dma_wait3A_496 : memref<1x1x125xi32, #tpu.memory_space<vmem>> -> memref<125xi32, #tpu.memory_space<vmem>>
        %dma_wait3A_498 = arith.constant 0 : i32
        %dma_wait3A_499 = tpu.memref_slice %arg2[%dma_wait3A_486, %add3A, %add3A_485, %dma_wait3A_498] : memref<2x32x80x125xi32, #tpu.memory_space<hbm>> -> memref<1x1x1x125xi32, #tpu.memory_space<hbm>>
        %dma_wait3A_500 = tpu.memref_squeeze %dma_wait3A_499 : memref<1x1x1x125xi32, #tpu.memory_space<hbm>> -> memref<125xi32, #tpu.memory_space<hbm>>
        tpu.wait_dma2 semaphore(%arg13 : memref<!tpu.dma_semaphore, #tpu.memory_space<semaphore_mem>>) src(%dma_wait3A_500 : memref<125xi32, #tpu.memory_space<hbm>>) dst(%dma_wait3A_497 : memref<125xi32, #tpu.memory_space<vmem>>)
        %dma_wait3A_501 = arith.constant 1 : i32
        %dma_wait3A_502 = arith.constant 3 : i32
        %dma_wait3A_503 = arith.constant 1 : i32
        %dma_wait3A_504 = arith.constant 0 : i32
        %dma_wait3A_505 = tpu.memref_slice %arg6[%dma_wait3A_502, %dma_wait3A_503, %dma_wait3A_504] : memref<4x2x125xi32, #tpu.memory_space<vmem>> -> memref<1x1x125xi32, #tpu.memory_space<vmem>>
        %dma_wait3A_506 = tpu.memref_squeeze %dma_wait3A_505 : memref<1x1x125xi32, #tpu.memory_space<vmem>> -> memref<125xi32, #tpu.memory_space<vmem>>
        %dma_wait3A_507 = arith.constant 0 : i32
        %dma_wait3A_508 = tpu.memref_slice %arg2[%dma_wait3A_501, %add3A, %add3A_485, %dma_wait3A_507] : memref<2x32x80x125xi32, #tpu.memory_space<hbm>> -> memref<1x1x1x125xi32, #tpu.memory_space<hbm>>
        %dma_wait3A_509 = tpu.memref_squeeze %dma_wait3A_508 : memref<1x1x1x125xi32, #tpu.memory_space<hbm>> -> memref<125xi32, #tpu.memory_space<hbm>>
        %dma_wait3A_510 = arith.constant 0 : i32
        %dma_wait3A_511 = tpu.memref_slice %arg6[%dma_wait3A_502, %dma_wait3A_503, %dma_wait3A_510] : memref<4x2x125xi32, #tpu.memory_space<vmem>> -> memref<1x1x125xi32, #tpu.memory_space<vmem>>
        %dma_wait3A_512 = tpu.memref_squeeze %dma_wait3A_511 : memref<1x1x125xi32, #tpu.memory_space<vmem>> -> memref<125xi32, #tpu.memory_space<vmem>>
        %dma_wait3A_513 = arith.constant 0 : i32
        %dma_wait3A_514 = tpu.memref_slice %arg2[%dma_wait3A_501, %add3A, %add3A_485, %dma_wait3A_513] : memref<2x32x80x125xi32, #tpu.memory_space<hbm>> -> memref<1x1x1x125xi32, #tpu.memory_space<hbm>>
        %dma_wait3A_515 = tpu.memref_squeeze %dma_wait3A_514 : memref<1x1x1x125xi32, #tpu.memory_space<hbm>> -> memref<125xi32, #tpu.memory_space<hbm>>
        tpu.wait_dma2 semaphore(%arg13 : memref<!tpu.dma_semaphore, #tpu.memory_space<semaphore_mem>>) src(%dma_wait3A_515 : memref<125xi32, #tpu.memory_space<hbm>>) dst(%dma_wait3A_512 : memref<125xi32, #tpu.memory_space<vmem>>)
        %dma_wait3A_516 = arith.constant 3 : i32
        %dma_wait3A_517 = arith.constant 0 : i32
        %dma_wait3A_518 = tpu.memref_slice %arg7[%dma_wait3A_516, %dma_wait3A_517] : memref<4x125xf32, #tpu.memory_space<vmem>> -> memref<1x125xf32, #tpu.memory_space<vmem>>
        %dma_wait3A_519 = tpu.memref_squeeze %dma_wait3A_518 : memref<1x125xf32, #tpu.memory_space<vmem>> -> memref<125xf32, #tpu.memory_space<vmem>>
        %dma_wait3A_520 = arith.constant 0 : i32
        %dma_wait3A_521 = tpu.memref_slice %arg3[%add3A, %add3A_485, %dma_wait3A_520] : memref<32x80x125xf32, #tpu.memory_space<hbm>> -> memref<1x1x125xf32, #tpu.memory_space<hbm>>
        %dma_wait3A_522 = tpu.memref_squeeze %dma_wait3A_521 : memref<1x1x125xf32, #tpu.memory_space<hbm>> -> memref<125xf32, #tpu.memory_space<hbm>>
        %dma_wait3A_523 = arith.constant 0 : i32
        %dma_wait3A_524 = tpu.memref_slice %arg7[%dma_wait3A_516, %dma_wait3A_523] : memref<4x125xf32, #tpu.memory_space<vmem>> -> memref<1x125xf32, #tpu.memory_space<vmem>>
        %dma_wait3A_525 = tpu.memref_squeeze %dma_wait3A_524 : memref<1x125xf32, #tpu.memory_space<vmem>> -> memref<125xf32, #tpu.memory_space<vmem>>
        %dma_wait3A_526 = arith.constant 0 : i32
        %dma_wait3A_527 = tpu.memref_slice %arg3[%add3A, %add3A_485, %dma_wait3A_526] : memref<32x80x125xf32, #tpu.memory_space<hbm>> -> memref<1x1x125xf32, #tpu.memory_space<hbm>>
        %dma_wait3A_528 = tpu.memref_squeeze %dma_wait3A_527 : memref<1x1x125xf32, #tpu.memory_space<hbm>> -> memref<125xf32, #tpu.memory_space<hbm>>
        tpu.wait_dma2 semaphore(%arg13 : memref<!tpu.dma_semaphore, #tpu.memory_space<semaphore_mem>>) src(%dma_wait3A_528 : memref<125xf32, #tpu.memory_space<hbm>>) dst(%dma_wait3A_525 : memref<125xf32, #tpu.memory_space<vmem>>)
      } else {
      }
      %ge3A_384 = arith.constant 1 : i32
      %ge3A_385 = arith.cmpi sge, %add3A_363, %ge3A_384 : i32
      %convert_element_type3A_386 = arith.extui %ge3A_385 : i1 to i32
      %cond3A_387 = arith.constant 0 : i32
      %cond3A_388 = arith.cmpi ne, %convert_element_type3A_386, %cond3A_387 : i32
      scf.if %cond3A_388 {
        %sub3A = arith.constant 1 : i32
        %sub3A_484 = arith.subi %add3A_363, %sub3A : i32
        %dma_wait3A_485 = arith.constant 1 : i32
        %dma_wait3A_486 = arith.constant 1 : i32
        %dma_wait3A_487 = arith.constant 1 : i32
        %dma_wait3A_488 = arith.constant 0 : i32
        %dma_wait3A_489 = arith.constant 0 : i32
        %dma_wait3A_490 = tpu.memref_slice %arg8[%dma_wait3A_485, %dma_wait3A_488, %dma_wait3A_489] : memref<2x125x128xf32, #tpu.memory_space<vmem>> -> memref<1x125x128xf32, #tpu.memory_space<vmem>>
        %dma_wait3A_491 = tpu.memref_squeeze %dma_wait3A_490 : memref<1x125x128xf32, #tpu.memory_space<vmem>> -> memref<125x128xf32, #tpu.memory_space<vmem>>
        %dma_wait3A_492 = arith.constant 0 : i32
        %dma_wait3A_493 = tpu.memref_slice %arg6[%dma_wait3A_486, %dma_wait3A_487, %dma_wait3A_492] : memref<4x2x125xi32, #tpu.memory_space<vmem>> -> memref<1x1x125xi32, #tpu.memory_space<vmem>>
        %dma_wait3A_494 = tpu.memref_squeeze %dma_wait3A_493 : memref<1x1x125xi32, #tpu.memory_space<vmem>> -> memref<125xi32, #tpu.memory_space<vmem>>
        %dma_wait3A_495 = arith.constant 0 : i32
        %dma_wait3A_496 = arith.constant 0 : i32
        %dma_wait3A_497 = tpu.memref_slice %arg9[%dma_wait3A_495, %dma_wait3A_496] : memref<10000x128xf32, #tpu.memory_space<vmem_shared>> -> memref<10000x128xf32, #tpu.memory_space<vmem_shared>>
        tpu.wait_indirect_dma semaphore(%arg17 : memref<!tpu.dma_semaphore, #tpu.memory_space<semaphore_mem>>) src(%dma_wait3A_491 : memref<125x128xf32, #tpu.memory_space<vmem>>) dst(%dma_wait3A_497 : memref<10000x128xf32, #tpu.memory_space<vmem_shared>>)
      } else {
      }
      %add3A_389 = arith.constant 1 : i32
      %add3A_390 = arith.addi %add3A_363, %add3A_389 : i32
      %lt3A_391 = arith.constant 80 : i32
      %lt3A_392 = arith.cmpi slt, %add3A_390, %lt3A_391 : i32
      %convert_element_type3A_393 = arith.extui %lt3A_392 : i1 to i32
      %cond3A_394 = arith.constant 0 : i32
      %cond3A_395 = arith.cmpi ne, %convert_element_type3A_393, %cond3A_394 : i32
      scf.if %cond3A_395 {
        %add3A_484 = arith.constant 1 : i32
        %add3A_485 = arith.addi %add3A_363, %add3A_484 : i32
        %dma_start3A_486 = arith.constant 3 : i32
        %dma_start3A_487 = arith.constant 0 : i32
        %dma_start3A_488 = arith.constant 1 : i32
        %dma_start3A_489 = arith.constant 0 : i32
        %dma_start3A_490 = arith.constant 0 : i32
        %dma_start3A_491 = tpu.memref_slice %arg8[%dma_start3A_488, %dma_start3A_489, %dma_start3A_490] : memref<2x125x128xf32, #tpu.memory_space<vmem>> -> memref<1x125x128xf32, #tpu.memory_space<vmem>>
        %dma_start3A_492 = tpu.memref_squeeze %dma_start3A_491 : memref<1x125x128xf32, #tpu.memory_space<vmem>> -> memref<125x128xf32, #tpu.memory_space<vmem>>
        %dma_start3A_493 = arith.constant 0 : i32
        %dma_start3A_494 = tpu.memref_slice %arg6[%dma_start3A_486, %dma_start3A_487, %dma_start3A_493] : memref<4x2x125xi32, #tpu.memory_space<vmem>> -> memref<1x1x125xi32, #tpu.memory_space<vmem>>
        %dma_start3A_495 = tpu.memref_squeeze %dma_start3A_494 : memref<1x1x125xi32, #tpu.memory_space<vmem>> -> memref<125xi32, #tpu.memory_space<vmem>>
        %dma_start3A_496 = arith.constant 0 : i32
        %dma_start3A_497 = arith.constant 0 : i32
        %dma_start3A_498 = tpu.memref_slice %arg4[%dma_start3A_496, %dma_start3A_497] : memref<10000x128xf32, #tpu.memory_space<hbm>> -> memref<10000x128xf32, #tpu.memory_space<hbm>>
        tpu.enqueue_indirect_dma source(%dma_start3A_498 : memref<10000x128xf32, #tpu.memory_space<hbm>>) target(%dma_start3A_492 : memref<125x128xf32, #tpu.memory_space<vmem>>) offsets(%dma_start3A_495 : memref<125xi32, #tpu.memory_space<vmem>>) semaphore(%arg15 : memref<!tpu.dma_semaphore, #tpu.memory_space<semaphore_mem>>)
      } else {
      }
      %add3A_396 = arith.constant 2 : i32
      %add3A_397 = arith.addi %add3A_363, %add3A_396 : i32
      %lt3A_398 = arith.constant 80 : i32
      %lt3A_399 = arith.cmpi slt, %add3A_397, %lt3A_398 : i32
      %convert_element_type3A_400 = arith.extui %lt3A_399 : i1 to i32
      %cond3A_401 = arith.constant 0 : i32
      %cond3A_402 = arith.cmpi ne, %convert_element_type3A_400, %cond3A_401 : i32
      scf.if %cond3A_402 {
        %add3A_484 = arith.constant 2 : i32
        %add3A_485 = arith.addi %add3A_363, %add3A_484 : i32
        %dma_start3A_486 = arith.constant 0 : i32
        %dma_start3A_487 = arith.constant 0 : i32
        %dma_start3A_488 = arith.constant 0 : i32
        %dma_start3A_489 = arith.constant 0 : i32
        %dma_start3A_490 = tpu.memref_slice %arg6[%dma_start3A_487, %dma_start3A_488, %dma_start3A_489] : memref<4x2x125xi32, #tpu.memory_space<vmem>> -> memref<1x1x125xi32, #tpu.memory_space<vmem>>
        %dma_start3A_491 = tpu.memref_squeeze %dma_start3A_490 : memref<1x1x125xi32, #tpu.memory_space<vmem>> -> memref<125xi32, #tpu.memory_space<vmem>>
        %dma_start3A_492 = arith.constant 0 : i32
        %dma_start3A_493 = tpu.memref_slice %arg2[%dma_start3A_486, %add3A, %add3A_485, %dma_start3A_492] : memref<2x32x80x125xi32, #tpu.memory_space<hbm>> -> memref<1x1x1x125xi32, #tpu.memory_space<hbm>>
        %dma_start3A_494 = tpu.memref_squeeze %dma_start3A_493 : memref<1x1x1x125xi32, #tpu.memory_space<hbm>> -> memref<125xi32, #tpu.memory_space<hbm>>
        %dma_start3A_495 = arith.constant 0 : i32
        %dma_start3A_496 = tpu.memref_slice %arg6[%dma_start3A_487, %dma_start3A_488, %dma_start3A_495] : memref<4x2x125xi32, #tpu.memory_space<vmem>> -> memref<1x1x125xi32, #tpu.memory_space<vmem>>
        %dma_start3A_497 = tpu.memref_squeeze %dma_start3A_496 : memref<1x1x125xi32, #tpu.memory_space<vmem>> -> memref<125xi32, #tpu.memory_space<vmem>>
        %dma_start3A_498 = arith.constant 0 : i32
        %dma_start3A_499 = tpu.memref_slice %arg2[%dma_start3A_486, %add3A, %add3A_485, %dma_start3A_498] : memref<2x32x80x125xi32, #tpu.memory_space<hbm>> -> memref<1x1x1x125xi32, #tpu.memory_space<hbm>>
        %dma_start3A_500 = tpu.memref_squeeze %dma_start3A_499 : memref<1x1x1x125xi32, #tpu.memory_space<hbm>> -> memref<125xi32, #tpu.memory_space<hbm>>
        tpu.enqueue_dma source(%dma_start3A_500 : memref<125xi32, #tpu.memory_space<hbm>>) target(%dma_start3A_497 : memref<125xi32, #tpu.memory_space<vmem>>) target_semaphore(%arg10 : memref<!tpu.dma_semaphore, #tpu.memory_space<semaphore_mem>>)
        %dma_start3A_501 = arith.constant 1 : i32
        %dma_start3A_502 = arith.constant 0 : i32
        %dma_start3A_503 = arith.constant 1 : i32
        %dma_start3A_504 = arith.constant 0 : i32
        %dma_start3A_505 = tpu.memref_slice %arg6[%dma_start3A_502, %dma_start3A_503, %dma_start3A_504] : memref<4x2x125xi32, #tpu.memory_space<vmem>> -> memref<1x1x125xi32, #tpu.memory_space<vmem>>
        %dma_start3A_506 = tpu.memref_squeeze %dma_start3A_505 : memref<1x1x125xi32, #tpu.memory_space<vmem>> -> memref<125xi32, #tpu.memory_space<vmem>>
        %dma_start3A_507 = arith.constant 0 : i32
        %dma_start3A_508 = tpu.memref_slice %arg2[%dma_start3A_501, %add3A, %add3A_485, %dma_start3A_507] : memref<2x32x80x125xi32, #tpu.memory_space<hbm>> -> memref<1x1x1x125xi32, #tpu.memory_space<hbm>>
        %dma_start3A_509 = tpu.memref_squeeze %dma_start3A_508 : memref<1x1x1x125xi32, #tpu.memory_space<hbm>> -> memref<125xi32, #tpu.memory_space<hbm>>
        %dma_start3A_510 = arith.constant 0 : i32
        %dma_start3A_511 = tpu.memref_slice %arg6[%dma_start3A_502, %dma_start3A_503, %dma_start3A_510] : memref<4x2x125xi32, #tpu.memory_space<vmem>> -> memref<1x1x125xi32, #tpu.memory_space<vmem>>
        %dma_start3A_512 = tpu.memref_squeeze %dma_start3A_511 : memref<1x1x125xi32, #tpu.memory_space<vmem>> -> memref<125xi32, #tpu.memory_space<vmem>>
        %dma_start3A_513 = arith.constant 0 : i32
        %dma_start3A_514 = tpu.memref_slice %arg2[%dma_start3A_501, %add3A, %add3A_485, %dma_start3A_513] : memref<2x32x80x125xi32, #tpu.memory_space<hbm>> -> memref<1x1x1x125xi32, #tpu.memory_space<hbm>>
        %dma_start3A_515 = tpu.memref_squeeze %dma_start3A_514 : memref<1x1x1x125xi32, #tpu.memory_space<hbm>> -> memref<125xi32, #tpu.memory_space<hbm>>
        tpu.enqueue_dma source(%dma_start3A_515 : memref<125xi32, #tpu.memory_space<hbm>>) target(%dma_start3A_512 : memref<125xi32, #tpu.memory_space<vmem>>) target_semaphore(%arg10 : memref<!tpu.dma_semaphore, #tpu.memory_space<semaphore_mem>>)
        %dma_start3A_516 = arith.constant 0 : i32
        %dma_start3A_517 = arith.constant 0 : i32
        %dma_start3A_518 = tpu.memref_slice %arg7[%dma_start3A_516, %dma_start3A_517] : memref<4x125xf32, #tpu.memory_space<vmem>> -> memref<1x125xf32, #tpu.memory_space<vmem>>
        %dma_start3A_519 = tpu.memref_squeeze %dma_start3A_518 : memref<1x125xf32, #tpu.memory_space<vmem>> -> memref<125xf32, #tpu.memory_space<vmem>>
        %dma_start3A_520 = arith.constant 0 : i32
        %dma_start3A_521 = tpu.memref_slice %arg3[%add3A, %add3A_485, %dma_start3A_520] : memref<32x80x125xf32, #tpu.memory_space<hbm>> -> memref<1x1x125xf32, #tpu.memory_space<hbm>>
        %dma_start3A_522 = tpu.memref_squeeze %dma_start3A_521 : memref<1x1x125xf32, #tpu.memory_space<hbm>> -> memref<125xf32, #tpu.memory_space<hbm>>
        %dma_start3A_523 = arith.constant 0 : i32
        %dma_start3A_524 = tpu.memref_slice %arg7[%dma_start3A_516, %dma_start3A_523] : memref<4x125xf32, #tpu.memory_space<vmem>> -> memref<1x125xf32, #tpu.memory_space<vmem>>
        %dma_start3A_525 = tpu.memref_squeeze %dma_start3A_524 : memref<1x125xf32, #tpu.memory_space<vmem>> -> memref<125xf32, #tpu.memory_space<vmem>>
        %dma_start3A_526 = arith.constant 0 : i32
        %dma_start3A_527 = tpu.memref_slice %arg3[%add3A, %add3A_485, %dma_start3A_526] : memref<32x80x125xf32, #tpu.memory_space<hbm>> -> memref<1x1x125xf32, #tpu.memory_space<hbm>>
        %dma_start3A_528 = tpu.memref_squeeze %dma_start3A_527 : memref<1x1x125xf32, #tpu.memory_space<hbm>> -> memref<125xf32, #tpu.memory_space<hbm>>
        tpu.enqueue_dma source(%dma_start3A_528 : memref<125xf32, #tpu.memory_space<hbm>>) target(%dma_start3A_525 : memref<125xf32, #tpu.memory_space<vmem>>) target_semaphore(%arg10 : memref<!tpu.dma_semaphore, #tpu.memory_space<semaphore_mem>>)
      } else {
      }
      %scan3A_403 = arith.constant 0 : i32
      %scan3A_404 = arith.constant 0 : i32
      %scan3A_405 = arith.constant 125 : i32
      %scan3A_406 = arith.addi %scan3A_404, %scan3A_405 : i32
      %scan3A_407 = arith.constant 1 : i32
      scf.for %scan3A_484 = %scan3A_404 to %scan3A_406 step %scan3A_407  : i32 {
        %broadcast_in_dim3A = arith.constant 2 : i32
        %broadcast_in_dim3A_485 = vector.broadcast %broadcast_in_dim3A : i32 to vector<16xi32>
        %broadcast_in_dim3A_486 = vector.broadcast %scan3A_484 : i32 to vector<16xi32>
        %gather3A = tpu.vector_load_idx %arg7[%broadcast_in_dim3A_485, %broadcast_in_dim3A_486] : memref<4x125xf32, #tpu.memory_space<vmem>>[vector<16xi32>, vector<16xi32>], vector<16xf32>,
        %get3A = arith.constant 0 : i32
        %get3A_487 = arith.index_cast %get3A : i32 to index
        %get3A_488 = arith.index_cast %scan3A_484 : i32 to index
        %get3A_489 = arith.constant 0 : index
        %get3A_490 = tpu.vector_load %arg8[%get3A_487, %get3A_488, %get3A_489] {strides = array<i32>} : memref<2x125x128xf32, #tpu.memory_space<vmem>>, vector<16xf32>,
        %mul3A_491 = arith.mulf %get3A_490, %gather3A : vector<16xf32>
        %swap3A = arith.constant 0 : i32
        %swap3A_492 = arith.index_cast %swap3A : i32 to index
        %swap3A_493 = arith.index_cast %scan3A_484 : i32 to index
        %swap3A_494 = arith.constant 0 : index
        %swap3A_495 = tpu.vector_load %arg8[%swap3A_492, %swap3A_493, %swap3A_494] {strides = array<i32>} : memref<2x125x128xf32, #tpu.memory_space<vmem>>, vector<16xf32>,
        tpu.vector_store %arg8[%swap3A_492, %swap3A_493, %swap3A_494], %mul3A_491 {strides = array<i32>} : memref<2x125x128xf32, #tpu.memory_space<vmem>>, vector<16xf32>,
        %get3A_496 = arith.constant 0 : i32
        %get3A_497 = arith.index_cast %get3A_496 : i32 to index
        %get3A_498 = arith.index_cast %scan3A_484 : i32 to index
        %get3A_499 = arith.constant 16 : index
        %get3A_500 = tpu.vector_load %arg8[%get3A_497, %get3A_498, %get3A_499] {strides = array<i32>} : memref<2x125x128xf32, #tpu.memory_space<vmem>>, vector<16xf32>,
        %mul3A_501 = arith.mulf %get3A_500, %gather3A : vector<16xf32>
        %swap3A_502 = arith.constant 0 : i32
        %swap3A_503 = arith.index_cast %swap3A_502 : i32 to index
        %swap3A_504 = arith.index_cast %scan3A_484 : i32 to index
        %swap3A_505 = arith.constant 16 : index
        %swap3A_506 = tpu.vector_load %arg8[%swap3A_503, %swap3A_504, %swap3A_505] {strides = array<i32>} : memref<2x125x128xf32, #tpu.memory_space<vmem>>, vector<16xf32>,
        tpu.vector_store %arg8[%swap3A_503, %swap3A_504, %swap3A_505], %mul3A_501 {strides = array<i32>} : memref<2x125x128xf32, #tpu.memory_space<vmem>>, vector<16xf32>,
        %get3A_507 = arith.constant 0 : i32
        %get3A_508 = arith.index_cast %get3A_507 : i32 to index
        %get3A_509 = arith.index_cast %scan3A_484 : i32 to index
        %get3A_510 = arith.constant 32 : index
        %get3A_511 = tpu.vector_load %arg8[%get3A_508, %get3A_509, %get3A_510] {strides = array<i32>} : memref<2x125x128xf32, #tpu.memory_space<vmem>>, vector<16xf32>,
        %mul3A_512 = arith.mulf %get3A_511, %gather3A : vector<16xf32>
        %swap3A_513 = arith.constant 0 : i32
        %swap3A_514 = arith.index_cast %swap3A_513 : i32 to index
        %swap3A_515 = arith.index_cast %scan3A_484 : i32 to index
        %swap3A_516 = arith.constant 32 : index
        %swap3A_517 = tpu.vector_load %arg8[%swap3A_514, %swap3A_515, %swap3A_516] {strides = array<i32>} : memref<2x125x128xf32, #tpu.memory_space<vmem>>, vector<16xf32>,
        tpu.vector_store %arg8[%swap3A_514, %swap3A_515, %swap3A_516], %mul3A_512 {strides = array<i32>} : memref<2x125x128xf32, #tpu.memory_space<vmem>>, vector<16xf32>,
        %get3A_518 = arith.constant 0 : i32
        %get3A_519 = arith.index_cast %get3A_518 : i32 to index
        %get3A_520 = arith.index_cast %scan3A_484 : i32 to index
        %get3A_521 = arith.constant 48 : index
        %get3A_522 = tpu.vector_load %arg8[%get3A_519, %get3A_520, %get3A_521] {strides = array<i32>} : memref<2x125x128xf32, #tpu.memory_space<vmem>>, vector<16xf32>,
        %mul3A_523 = arith.mulf %get3A_522, %gather3A : vector<16xf32>
        %swap3A_524 = arith.constant 0 : i32
        %swap3A_525 = arith.index_cast %swap3A_524 : i32 to index
        %swap3A_526 = arith.index_cast %scan3A_484 : i32 to index
        %swap3A_527 = arith.constant 48 : index
        %swap3A_528 = tpu.vector_load %arg8[%swap3A_525, %swap3A_526, %swap3A_527] {strides = array<i32>} : memref<2x125x128xf32, #tpu.memory_space<vmem>>, vector<16xf32>,
        tpu.vector_store %arg8[%swap3A_525, %swap3A_526, %swap3A_527], %mul3A_523 {strides = array<i32>} : memref<2x125x128xf32, #tpu.memory_space<vmem>>, vector<16xf32>,
        %get3A_529 = arith.constant 0 : i32
        %get3A_530 = arith.index_cast %get3A_529 : i32 to index
        %get3A_531 = arith.index_cast %scan3A_484 : i32 to index
        %get3A_532 = arith.constant 64 : index
        %get3A_533 = tpu.vector_load %arg8[%get3A_530, %get3A_531, %get3A_532] {strides = array<i32>} : memref<2x125x128xf32, #tpu.memory_space<vmem>>, vector<16xf32>,
        %mul3A_534 = arith.mulf %get3A_533, %gather3A : vector<16xf32>
        %swap3A_535 = arith.constant 0 : i32
        %swap3A_536 = arith.index_cast %swap3A_535 : i32 to index
        %swap3A_537 = arith.index_cast %scan3A_484 : i32 to index
        %swap3A_538 = arith.constant 64 : index
        %swap3A_539 = tpu.vector_load %arg8[%swap3A_536, %swap3A_537, %swap3A_538] {strides = array<i32>} : memref<2x125x128xf32, #tpu.memory_space<vmem>>, vector<16xf32>,
        tpu.vector_store %arg8[%swap3A_536, %swap3A_537, %swap3A_538], %mul3A_534 {strides = array<i32>} : memref<2x125x128xf32, #tpu.memory_space<vmem>>, vector<16xf32>,
        %get3A_540 = arith.constant 0 : i32
        %get3A_541 = arith.index_cast %get3A_540 : i32 to index
        %get3A_542 = arith.index_cast %scan3A_484 : i32 to index
        %get3A_543 = arith.constant 80 : index
        %get3A_544 = tpu.vector_load %arg8[%get3A_541, %get3A_542, %get3A_543] {strides = array<i32>} : memref<2x125x128xf32, #tpu.memory_space<vmem>>, vector<16xf32>,
        %mul3A_545 = arith.mulf %get3A_544, %gather3A : vector<16xf32>
        %swap3A_546 = arith.constant 0 : i32
        %swap3A_547 = arith.index_cast %swap3A_546 : i32 to index
        %swap3A_548 = arith.index_cast %scan3A_484 : i32 to index
        %swap3A_549 = arith.constant 80 : index
        %swap3A_550 = tpu.vector_load %arg8[%swap3A_547, %swap3A_548, %swap3A_549] {strides = array<i32>} : memref<2x125x128xf32, #tpu.memory_space<vmem>>, vector<16xf32>,
        tpu.vector_store %arg8[%swap3A_547, %swap3A_548, %swap3A_549], %mul3A_545 {strides = array<i32>} : memref<2x125x128xf32, #tpu.memory_space<vmem>>, vector<16xf32>,
        %get3A_551 = arith.constant 0 : i32
        %get3A_552 = arith.index_cast %get3A_551 : i32 to index
        %get3A_553 = arith.index_cast %scan3A_484 : i32 to index
        %get3A_554 = arith.constant 96 : index
        %get3A_555 = tpu.vector_load %arg8[%get3A_552, %get3A_553, %get3A_554] {strides = array<i32>} : memref<2x125x128xf32, #tpu.memory_space<vmem>>, vector<16xf32>,
        %mul3A_556 = arith.mulf %get3A_555, %gather3A : vector<16xf32>
        %swap3A_557 = arith.constant 0 : i32
        %swap3A_558 = arith.index_cast %swap3A_557 : i32 to index
        %swap3A_559 = arith.index_cast %scan3A_484 : i32 to index
        %swap3A_560 = arith.constant 96 : index
        %swap3A_561 = tpu.vector_load %arg8[%swap3A_558, %swap3A_559, %swap3A_560] {strides = array<i32>} : memref<2x125x128xf32, #tpu.memory_space<vmem>>, vector<16xf32>,
        tpu.vector_store %arg8[%swap3A_558, %swap3A_559, %swap3A_560], %mul3A_556 {strides = array<i32>} : memref<2x125x128xf32, #tpu.memory_space<vmem>>, vector<16xf32>,
        %get3A_562 = arith.constant 0 : i32
        %get3A_563 = arith.index_cast %get3A_562 : i32 to index
        %get3A_564 = arith.index_cast %scan3A_484 : i32 to index
        %get3A_565 = arith.constant 112 : index
        %get3A_566 = tpu.vector_load %arg8[%get3A_563, %get3A_564, %get3A_565] {strides = array<i32>} : memref<2x125x128xf32, #tpu.memory_space<vmem>>, vector<16xf32>,
        %mul3A_567 = arith.mulf %get3A_566, %gather3A : vector<16xf32>
        %swap3A_568 = arith.constant 0 : i32
        %swap3A_569 = arith.index_cast %swap3A_568 : i32 to index
        %swap3A_570 = arith.index_cast %scan3A_484 : i32 to index
        %swap3A_571 = arith.constant 112 : index
        %swap3A_572 = tpu.vector_load %arg8[%swap3A_569, %swap3A_570, %swap3A_571] {strides = array<i32>} : memref<2x125x128xf32, #tpu.memory_space<vmem>>, vector<16xf32>,
        tpu.vector_store %arg8[%swap3A_569, %swap3A_570, %swap3A_571], %mul3A_567 {strides = array<i32>} : memref<2x125x128xf32, #tpu.memory_space<vmem>>, vector<16xf32>,
      }
      %scan3A_408 = arith.constant 125 : i32
      %dma_start3A_409 = arith.constant 0 : i32
      %dma_start3A_410 = arith.constant 2 : i32
      %dma_start3A_411 = arith.constant 1 : i32
      %dma_start3A_412 = arith.constant 0 : i32
      %dma_start3A_413 = arith.constant 0 : i32
      %dma_start3A_414 = tpu.memref_slice %arg8[%dma_start3A_409, %dma_start3A_412, %dma_start3A_413] : memref<2x125x128xf32, #tpu.memory_space<vmem>> -> memref<1x125x128xf32, #tpu.memory_space<vmem>>
      %dma_start3A_415 = tpu.memref_squeeze %dma_start3A_414 : memref<1x125x128xf32, #tpu.memory_space<vmem>> -> memref<125x128xf32, #tpu.memory_space<vmem>>
      %dma_start3A_416 = arith.constant 0 : i32
      %dma_start3A_417 = tpu.memref_slice %arg6[%dma_start3A_410, %dma_start3A_411, %dma_start3A_416] : memref<4x2x125xi32, #tpu.memory_space<vmem>> -> memref<1x1x125xi32, #tpu.memory_space<vmem>>
      %dma_start3A_418 = tpu.memref_squeeze %dma_start3A_417 : memref<1x1x125xi32, #tpu.memory_space<vmem>> -> memref<125xi32, #tpu.memory_space<vmem>>
      %dma_start3A_419 = arith.constant 0 : i32
      %dma_start3A_420 = arith.constant 0 : i32
      %dma_start3A_421 = tpu.memref_slice %arg9[%dma_start3A_419, %dma_start3A_420] : memref<10000x128xf32, #tpu.memory_space<vmem_shared>> -> memref<10000x128xf32, #tpu.memory_space<vmem_shared>>
      tpu.enqueue_indirect_dma source(%dma_start3A_415 : memref<125x128xf32, #tpu.memory_space<vmem>>) target(%dma_start3A_421 : memref<10000x128xf32, #tpu.memory_space<vmem_shared>>) offsets(%dma_start3A_418 : memref<125xi32, #tpu.memory_space<vmem>>) semaphore(%arg16 : memref<!tpu.dma_semaphore, #tpu.memory_space<semaphore_mem>>) {add = true}
      %mul3A_422 = arith.constant 4 : i32
      %mul3A_423 = arith.muli %scan3A_239, %mul3A_422 : i32
      %add3A_424 = arith.constant 3 : i32
      %add3A_425 = arith.addi %mul3A_423, %add3A_424 : i32
      %dma_wait3A_426 = arith.constant 3 : i32
      %dma_wait3A_427 = arith.constant 0 : i32
      %dma_wait3A_428 = arith.constant 1 : i32
      %dma_wait3A_429 = arith.constant 0 : i32
      %dma_wait3A_430 = arith.constant 0 : i32
      %dma_wait3A_431 = tpu.memref_slice %arg8[%dma_wait3A_428, %dma_wait3A_429, %dma_wait3A_430] : memref<2x125x128xf32, #tpu.memory_space<vmem>> -> memref<1x125x128xf32, #tpu.memory_space<vmem>>
      %dma_wait3A_432 = tpu.memref_squeeze %dma_wait3A_431 : memref<1x125x128xf32, #tpu.memory_space<vmem>> -> memref<125x128xf32, #tpu.memory_space<vmem>>
      %dma_wait3A_433 = arith.constant 0 : i32
      %dma_wait3A_434 = tpu.memref_slice %arg6[%dma_wait3A_426, %dma_wait3A_427, %dma_wait3A_433] : memref<4x2x125xi32, #tpu.memory_space<vmem>> -> memref<1x1x125xi32, #tpu.memory_space<vmem>>
      %dma_wait3A_435 = tpu.memref_squeeze %dma_wait3A_434 : memref<1x1x125xi32, #tpu.memory_space<vmem>> -> memref<125xi32, #tpu.memory_space<vmem>>
      %dma_wait3A_436 = arith.constant 0 : i32
      %dma_wait3A_437 = arith.constant 0 : i32
      %dma_wait3A_438 = tpu.memref_slice %arg4[%dma_wait3A_436, %dma_wait3A_437] : memref<10000x128xf32, #tpu.memory_space<hbm>> -> memref<10000x128xf32, #tpu.memory_space<hbm>>
      tpu.wait_indirect_dma semaphore(%arg15 : memref<!tpu.dma_semaphore, #tpu.memory_space<semaphore_mem>>) src(%dma_wait3A_438 : memref<10000x128xf32, #tpu.memory_space<hbm>>) dst(%dma_wait3A_432 : memref<125x128xf32, #tpu.memory_space<vmem>>)
      %add3A_439 = arith.constant 1 : i32
      %add3A_440 = arith.addi %add3A_425, %add3A_439 : i32
      %lt3A_441 = arith.constant 80 : i32
      %lt3A_442 = arith.cmpi slt, %add3A_440, %lt3A_441 : i32
      %convert_element_type3A_443 = arith.extui %lt3A_442 : i1 to i32
      %cond3A_444 = arith.constant 0 : i32
      %cond3A_445 = arith.cmpi ne, %convert_element_type3A_443, %cond3A_444 : i32
      scf.if %cond3A_445 {
        %add3A_484 = arith.constant 1 : i32
        %add3A_485 = arith.addi %add3A_425, %add3A_484 : i32
        %dma_wait3A_486 = arith.constant 0 : i32
        %dma_wait3A_487 = arith.constant 0 : i32
        %dma_wait3A_488 = arith.constant 0 : i32
        %dma_wait3A_489 = arith.constant 0 : i32
        %dma_wait3A_490 = tpu.memref_slice %arg6[%dma_wait3A_487, %dma_wait3A_488, %dma_wait3A_489] : memref<4x2x125xi32, #tpu.memory_space<vmem>> -> memref<1x1x125xi32, #tpu.memory_space<vmem>>
        %dma_wait3A_491 = tpu.memref_squeeze %dma_wait3A_490 : memref<1x1x125xi32, #tpu.memory_space<vmem>> -> memref<125xi32, #tpu.memory_space<vmem>>
        %dma_wait3A_492 = arith.constant 0 : i32
        %dma_wait3A_493 = tpu.memref_slice %arg2[%dma_wait3A_486, %add3A, %add3A_485, %dma_wait3A_492] : memref<2x32x80x125xi32, #tpu.memory_space<hbm>> -> memref<1x1x1x125xi32, #tpu.memory_space<hbm>>
        %dma_wait3A_494 = tpu.memref_squeeze %dma_wait3A_493 : memref<1x1x1x125xi32, #tpu.memory_space<hbm>> -> memref<125xi32, #tpu.memory_space<hbm>>
        %dma_wait3A_495 = arith.constant 0 : i32
        %dma_wait3A_496 = tpu.memref_slice %arg6[%dma_wait3A_487, %dma_wait3A_488, %dma_wait3A_495] : memref<4x2x125xi32, #tpu.memory_space<vmem>> -> memref<1x1x125xi32, #tpu.memory_space<vmem>>
        %dma_wait3A_497 = tpu.memref_squeeze %dma_wait3A_496 : memref<1x1x125xi32, #tpu.memory_space<vmem>> -> memref<125xi32, #tpu.memory_space<vmem>>
        %dma_wait3A_498 = arith.constant 0 : i32
        %dma_wait3A_499 = tpu.memref_slice %arg2[%dma_wait3A_486, %add3A, %add3A_485, %dma_wait3A_498] : memref<2x32x80x125xi32, #tpu.memory_space<hbm>> -> memref<1x1x1x125xi32, #tpu.memory_space<hbm>>
        %dma_wait3A_500 = tpu.memref_squeeze %dma_wait3A_499 : memref<1x1x1x125xi32, #tpu.memory_space<hbm>> -> memref<125xi32, #tpu.memory_space<hbm>>
        tpu.wait_dma2 semaphore(%arg10 : memref<!tpu.dma_semaphore, #tpu.memory_space<semaphore_mem>>) src(%dma_wait3A_500 : memref<125xi32, #tpu.memory_space<hbm>>) dst(%dma_wait3A_497 : memref<125xi32, #tpu.memory_space<vmem>>)
        %dma_wait3A_501 = arith.constant 1 : i32
        %dma_wait3A_502 = arith.constant 0 : i32
        %dma_wait3A_503 = arith.constant 1 : i32
        %dma_wait3A_504 = arith.constant 0 : i32
        %dma_wait3A_505 = tpu.memref_slice %arg6[%dma_wait3A_502, %dma_wait3A_503, %dma_wait3A_504] : memref<4x2x125xi32, #tpu.memory_space<vmem>> -> memref<1x1x125xi32, #tpu.memory_space<vmem>>
        %dma_wait3A_506 = tpu.memref_squeeze %dma_wait3A_505 : memref<1x1x125xi32, #tpu.memory_space<vmem>> -> memref<125xi32, #tpu.memory_space<vmem>>
        %dma_wait3A_507 = arith.constant 0 : i32
        %dma_wait3A_508 = tpu.memref_slice %arg2[%dma_wait3A_501, %add3A, %add3A_485, %dma_wait3A_507] : memref<2x32x80x125xi32, #tpu.memory_space<hbm>> -> memref<1x1x1x125xi32, #tpu.memory_space<hbm>>
        %dma_wait3A_509 = tpu.memref_squeeze %dma_wait3A_508 : memref<1x1x1x125xi32, #tpu.memory_space<hbm>> -> memref<125xi32, #tpu.memory_space<hbm>>
        %dma_wait3A_510 = arith.constant 0 : i32
        %dma_wait3A_511 = tpu.memref_slice %arg6[%dma_wait3A_502, %dma_wait3A_503, %dma_wait3A_510] : memref<4x2x125xi32, #tpu.memory_space<vmem>> -> memref<1x1x125xi32, #tpu.memory_space<vmem>>
        %dma_wait3A_512 = tpu.memref_squeeze %dma_wait3A_511 : memref<1x1x125xi32, #tpu.memory_space<vmem>> -> memref<125xi32, #tpu.memory_space<vmem>>
        %dma_wait3A_513 = arith.constant 0 : i32
        %dma_wait3A_514 = tpu.memref_slice %arg2[%dma_wait3A_501, %add3A, %add3A_485, %dma_wait3A_513] : memref<2x32x80x125xi32, #tpu.memory_space<hbm>> -> memref<1x1x1x125xi32, #tpu.memory_space<hbm>>
        %dma_wait3A_515 = tpu.memref_squeeze %dma_wait3A_514 : memref<1x1x1x125xi32, #tpu.memory_space<hbm>> -> memref<125xi32, #tpu.memory_space<hbm>>
        tpu.wait_dma2 semaphore(%arg10 : memref<!tpu.dma_semaphore, #tpu.memory_space<semaphore_mem>>) src(%dma_wait3A_515 : memref<125xi32, #tpu.memory_space<hbm>>) dst(%dma_wait3A_512 : memref<125xi32, #tpu.memory_space<vmem>>)
        %dma_wait3A_516 = arith.constant 0 : i32
        %dma_wait3A_517 = arith.constant 0 : i32
        %dma_wait3A_518 = tpu.memref_slice %arg7[%dma_wait3A_516, %dma_wait3A_517] : memref<4x125xf32, #tpu.memory_space<vmem>> -> memref<1x125xf32, #tpu.memory_space<vmem>>
        %dma_wait3A_519 = tpu.memref_squeeze %dma_wait3A_518 : memref<1x125xf32, #tpu.memory_space<vmem>> -> memref<125xf32, #tpu.memory_space<vmem>>
        %dma_wait3A_520 = arith.constant 0 : i32
        %dma_wait3A_521 = tpu.memref_slice %arg3[%add3A, %add3A_485, %dma_wait3A_520] : memref<32x80x125xf32, #tpu.memory_space<hbm>> -> memref<1x1x125xf32, #tpu.memory_space<hbm>>
        %dma_wait3A_522 = tpu.memref_squeeze %dma_wait3A_521 : memref<1x1x125xf32, #tpu.memory_space<hbm>> -> memref<125xf32, #tpu.memory_space<hbm>>
        %dma_wait3A_523 = arith.constant 0 : i32
        %dma_wait3A_524 = tpu.memref_slice %arg7[%dma_wait3A_516, %dma_wait3A_523] : memref<4x125xf32, #tpu.memory_space<vmem>> -> memref<1x125xf32, #tpu.memory_space<vmem>>
        %dma_wait3A_525 = tpu.memref_squeeze %dma_wait3A_524 : memref<1x125xf32, #tpu.memory_space<vmem>> -> memref<125xf32, #tpu.memory_space<vmem>>
        %dma_wait3A_526 = arith.constant 0 : i32
        %dma_wait3A_527 = tpu.memref_slice %arg3[%add3A, %add3A_485, %dma_wait3A_526] : memref<32x80x125xf32, #tpu.memory_space<hbm>> -> memref<1x1x125xf32, #tpu.memory_space<hbm>>
        %dma_wait3A_528 = tpu.memref_squeeze %dma_wait3A_527 : memref<1x1x125xf32, #tpu.memory_space<hbm>> -> memref<125xf32, #tpu.memory_space<hbm>>
        tpu.wait_dma2 semaphore(%arg10 : memref<!tpu.dma_semaphore, #tpu.memory_space<semaphore_mem>>) src(%dma_wait3A_528 : memref<125xf32, #tpu.memory_space<hbm>>) dst(%dma_wait3A_525 : memref<125xf32, #tpu.memory_space<vmem>>)
      } else {
      }
      %ge3A_446 = arith.constant 1 : i32
      %ge3A_447 = arith.cmpi sge, %add3A_425, %ge3A_446 : i32
      %convert_element_type3A_448 = arith.extui %ge3A_447 : i1 to i32
      %cond3A_449 = arith.constant 0 : i32
      %cond3A_450 = arith.cmpi ne, %convert_element_type3A_448, %cond3A_449 : i32
      scf.if %cond3A_450 {
        %sub3A = arith.constant 1 : i32
        %sub3A_484 = arith.subi %add3A_425, %sub3A : i32
        %dma_wait3A_485 = arith.constant 0 : i32
        %dma_wait3A_486 = arith.constant 2 : i32
        %dma_wait3A_487 = arith.constant 1 : i32
        %dma_wait3A_488 = arith.constant 0 : i32
        %dma_wait3A_489 = arith.constant 0 : i32
        %dma_wait3A_490 = tpu.memref_slice %arg8[%dma_wait3A_485, %dma_wait3A_488, %dma_wait3A_489] : memref<2x125x128xf32, #tpu.memory_space<vmem>> -> memref<1x125x128xf32, #tpu.memory_space<vmem>>
        %dma_wait3A_491 = tpu.memref_squeeze %dma_wait3A_490 : memref<1x125x128xf32, #tpu.memory_space<vmem>> -> memref<125x128xf32, #tpu.memory_space<vmem>>
        %dma_wait3A_492 = arith.constant 0 : i32
        %dma_wait3A_493 = tpu.memref_slice %arg6[%dma_wait3A_486, %dma_wait3A_487, %dma_wait3A_492] : memref<4x2x125xi32, #tpu.memory_space<vmem>> -> memref<1x1x125xi32, #tpu.memory_space<vmem>>
        %dma_wait3A_494 = tpu.memref_squeeze %dma_wait3A_493 : memref<1x1x125xi32, #tpu.memory_space<vmem>> -> memref<125xi32, #tpu.memory_space<vmem>>
        %dma_wait3A_495 = arith.constant 0 : i32
        %dma_wait3A_496 = arith.constant 0 : i32
        %dma_wait3A_497 = tpu.memref_slice %arg9[%dma_wait3A_495, %dma_wait3A_496] : memref<10000x128xf32, #tpu.memory_space<vmem_shared>> -> memref<10000x128xf32, #tpu.memory_space<vmem_shared>>
        tpu.wait_indirect_dma semaphore(%arg16 : memref<!tpu.dma_semaphore, #tpu.memory_space<semaphore_mem>>) src(%dma_wait3A_491 : memref<125x128xf32, #tpu.memory_space<vmem>>) dst(%dma_wait3A_497 : memref<10000x128xf32, #tpu.memory_space<vmem_shared>>)
      } else {
      }
      %add3A_451 = arith.constant 1 : i32
      %add3A_452 = arith.addi %add3A_425, %add3A_451 : i32
      %lt3A_453 = arith.constant 80 : i32
      %lt3A_454 = arith.cmpi slt, %add3A_452, %lt3A_453 : i32
      %convert_element_type3A_455 = arith.extui %lt3A_454 : i1 to i32
      %cond3A_456 = arith.constant 0 : i32
      %cond3A_457 = arith.cmpi ne, %convert_element_type3A_455, %cond3A_456 : i32
      scf.if %cond3A_457 {
        %add3A_484 = arith.constant 1 : i32
        %add3A_485 = arith.addi %add3A_425, %add3A_484 : i32
        %dma_start3A_486 = arith.constant 0 : i32
        %dma_start3A_487 = arith.constant 0 : i32
        %dma_start3A_488 = arith.constant 0 : i32
        %dma_start3A_489 = arith.constant 0 : i32
        %dma_start3A_490 = arith.constant 0 : i32
        %dma_start3A_491 = tpu.memref_slice %arg8[%dma_start3A_488, %dma_start3A_489, %dma_start3A_490] : memref<2x125x128xf32, #tpu.memory_space<vmem>> -> memref<1x125x128xf32, #tpu.memory_space<vmem>>
        %dma_start3A_492 = tpu.memref_squeeze %dma_start3A_491 : memref<1x125x128xf32, #tpu.memory_space<vmem>> -> memref<125x128xf32, #tpu.memory_space<vmem>>
        %dma_start3A_493 = arith.constant 0 : i32
        %dma_start3A_494 = tpu.memref_slice %arg6[%dma_start3A_486, %dma_start3A_487, %dma_start3A_493] : memref<4x2x125xi32, #tpu.memory_space<vmem>> -> memref<1x1x125xi32, #tpu.memory_space<vmem>>
        %dma_start3A_495 = tpu.memref_squeeze %dma_start3A_494 : memref<1x1x125xi32, #tpu.memory_space<vmem>> -> memref<125xi32, #tpu.memory_space<vmem>>
        %dma_start3A_496 = arith.constant 0 : i32
        %dma_start3A_497 = arith.constant 0 : i32
        %dma_start3A_498 = tpu.memref_slice %arg4[%dma_start3A_496, %dma_start3A_497] : memref<10000x128xf32, #tpu.memory_space<hbm>> -> memref<10000x128xf32, #tpu.memory_space<hbm>>
        tpu.enqueue_indirect_dma source(%dma_start3A_498 : memref<10000x128xf32, #tpu.memory_space<hbm>>) target(%dma_start3A_492 : memref<125x128xf32, #tpu.memory_space<vmem>>) offsets(%dma_start3A_495 : memref<125xi32, #tpu.memory_space<vmem>>) semaphore(%arg14 : memref<!tpu.dma_semaphore, #tpu.memory_space<semaphore_mem>>)
      } else {
      }
      %add3A_458 = arith.constant 2 : i32
      %add3A_459 = arith.addi %add3A_425, %add3A_458 : i32
      %lt3A_460 = arith.constant 80 : i32
      %lt3A_461 = arith.cmpi slt, %add3A_459, %lt3A_460 : i32
      %convert_element_type3A_462 = arith.extui %lt3A_461 : i1 to i32
      %cond3A_463 = arith.constant 0 : i32
      %cond3A_464 = arith.cmpi ne, %convert_element_type3A_462, %cond3A_463 : i32
      scf.if %cond3A_464 {
        %add3A_484 = arith.constant 2 : i32
        %add3A_485 = arith.addi %add3A_425, %add3A_484 : i32
        %dma_start3A_486 = arith.constant 0 : i32
        %dma_start3A_487 = arith.constant 1 : i32
        %dma_start3A_488 = arith.constant 0 : i32
        %dma_start3A_489 = arith.constant 0 : i32
        %dma_start3A_490 = tpu.memref_slice %arg6[%dma_start3A_487, %dma_start3A_488, %dma_start3A_489] : memref<4x2x125xi32, #tpu.memory_space<vmem>> -> memref<1x1x125xi32, #tpu.memory_space<vmem>>
        %dma_start3A_491 = tpu.memref_squeeze %dma_start3A_490 : memref<1x1x125xi32, #tpu.memory_space<vmem>> -> memref<125xi32, #tpu.memory_space<vmem>>
        %dma_start3A_492 = arith.constant 0 : i32
        %dma_start3A_493 = tpu.memref_slice %arg2[%dma_start3A_486, %add3A, %add3A_485, %dma_start3A_492] : memref<2x32x80x125xi32, #tpu.memory_space<hbm>> -> memref<1x1x1x125xi32, #tpu.memory_space<hbm>>
        %dma_start3A_494 = tpu.memref_squeeze %dma_start3A_493 : memref<1x1x1x125xi32, #tpu.memory_space<hbm>> -> memref<125xi32, #tpu.memory_space<hbm>>
        %dma_start3A_495 = arith.constant 0 : i32
        %dma_start3A_496 = tpu.memref_slice %arg6[%dma_start3A_487, %dma_start3A_488, %dma_start3A_495] : memref<4x2x125xi32, #tpu.memory_space<vmem>> -> memref<1x1x125xi32, #tpu.memory_space<vmem>>
        %dma_start3A_497 = tpu.memref_squeeze %dma_start3A_496 : memref<1x1x125xi32, #tpu.memory_space<vmem>> -> memref<125xi32, #tpu.memory_space<vmem>>
        %dma_start3A_498 = arith.constant 0 : i32
        %dma_start3A_499 = tpu.memref_slice %arg2[%dma_start3A_486, %add3A, %add3A_485, %dma_start3A_498] : memref<2x32x80x125xi32, #tpu.memory_space<hbm>> -> memref<1x1x1x125xi32, #tpu.memory_space<hbm>>
        %dma_start3A_500 = tpu.memref_squeeze %dma_start3A_499 : memref<1x1x1x125xi32, #tpu.memory_space<hbm>> -> memref<125xi32, #tpu.memory_space<hbm>>
        tpu.enqueue_dma source(%dma_start3A_500 : memref<125xi32, #tpu.memory_space<hbm>>) target(%dma_start3A_497 : memref<125xi32, #tpu.memory_space<vmem>>) target_semaphore(%arg11 : memref<!tpu.dma_semaphore, #tpu.memory_space<semaphore_mem>>)
        %dma_start3A_501 = arith.constant 1 : i32
        %dma_start3A_502 = arith.constant 1 : i32
        %dma_start3A_503 = arith.constant 1 : i32
        %dma_start3A_504 = arith.constant 0 : i32
        %dma_start3A_505 = tpu.memref_slice %arg6[%dma_start3A_502, %dma_start3A_503, %dma_start3A_504] : memref<4x2x125xi32, #tpu.memory_space<vmem>> -> memref<1x1x125xi32, #tpu.memory_space<vmem>>
        %dma_start3A_506 = tpu.memref_squeeze %dma_start3A_505 : memref<1x1x125xi32, #tpu.memory_space<vmem>> -> memref<125xi32, #tpu.memory_space<vmem>>
        %dma_start3A_507 = arith.constant 0 : i32
        %dma_start3A_508 = tpu.memref_slice %arg2[%dma_start3A_501, %add3A, %add3A_485, %dma_start3A_507] : memref<2x32x80x125xi32, #tpu.memory_space<hbm>> -> memref<1x1x1x125xi32, #tpu.memory_space<hbm>>
        %dma_start3A_509 = tpu.memref_squeeze %dma_start3A_508 : memref<1x1x1x125xi32, #tpu.memory_space<hbm>> -> memref<125xi32, #tpu.memory_space<hbm>>
        %dma_start3A_510 = arith.constant 0 : i32
        %dma_start3A_511 = tpu.memref_slice %arg6[%dma_start3A_502, %dma_start3A_503, %dma_start3A_510] : memref<4x2x125xi32, #tpu.memory_space<vmem>> -> memref<1x1x125xi32, #tpu.memory_space<vmem>>
        %dma_start3A_512 = tpu.memref_squeeze %dma_start3A_511 : memref<1x1x125xi32, #tpu.memory_space<vmem>> -> memref<125xi32, #tpu.memory_space<vmem>>
        %dma_start3A_513 = arith.constant 0 : i32
        %dma_start3A_514 = tpu.memref_slice %arg2[%dma_start3A_501, %add3A, %add3A_485, %dma_start3A_513] : memref<2x32x80x125xi32, #tpu.memory_space<hbm>> -> memref<1x1x1x125xi32, #tpu.memory_space<hbm>>
        %dma_start3A_515 = tpu.memref_squeeze %dma_start3A_514 : memref<1x1x1x125xi32, #tpu.memory_space<hbm>> -> memref<125xi32, #tpu.memory_space<hbm>>
        tpu.enqueue_dma source(%dma_start3A_515 : memref<125xi32, #tpu.memory_space<hbm>>) target(%dma_start3A_512 : memref<125xi32, #tpu.memory_space<vmem>>) target_semaphore(%arg11 : memref<!tpu.dma_semaphore, #tpu.memory_space<semaphore_mem>>)
        %dma_start3A_516 = arith.constant 1 : i32
        %dma_start3A_517 = arith.constant 0 : i32
        %dma_start3A_518 = tpu.memref_slice %arg7[%dma_start3A_516, %dma_start3A_517] : memref<4x125xf32, #tpu.memory_space<vmem>> -> memref<1x125xf32, #tpu.memory_space<vmem>>
        %dma_start3A_519 = tpu.memref_squeeze %dma_start3A_518 : memref<1x125xf32, #tpu.memory_space<vmem>> -> memref<125xf32, #tpu.memory_space<vmem>>
        %dma_start3A_520 = arith.constant 0 : i32
        %dma_start3A_521 = tpu.memref_slice %arg3[%add3A, %add3A_485, %dma_start3A_520] : memref<32x80x125xf32, #tpu.memory_space<hbm>> -> memref<1x1x125xf32, #tpu.memory_space<hbm>>
        %dma_start3A_522 = tpu.memref_squeeze %dma_start3A_521 : memref<1x1x125xf32, #tpu.memory_space<hbm>> -> memref<125xf32, #tpu.memory_space<hbm>>
        %dma_start3A_523 = arith.constant 0 : i32
        %dma_start3A_524 = tpu.memref_slice %arg7[%dma_start3A_516, %dma_start3A_523] : memref<4x125xf32, #tpu.memory_space<vmem>> -> memref<1x125xf32, #tpu.memory_space<vmem>>
        %dma_start3A_525 = tpu.memref_squeeze %dma_start3A_524 : memref<1x125xf32, #tpu.memory_space<vmem>> -> memref<125xf32, #tpu.memory_space<vmem>>
        %dma_start3A_526 = arith.constant 0 : i32
        %dma_start3A_527 = tpu.memref_slice %arg3[%add3A, %add3A_485, %dma_start3A_526] : memref<32x80x125xf32, #tpu.memory_space<hbm>> -> memref<1x1x125xf32, #tpu.memory_space<hbm>>
        %dma_start3A_528 = tpu.memref_squeeze %dma_start3A_527 : memref<1x1x125xf32, #tpu.memory_space<hbm>> -> memref<125xf32, #tpu.memory_space<hbm>>
        tpu.enqueue_dma source(%dma_start3A_528 : memref<125xf32, #tpu.memory_space<hbm>>) target(%dma_start3A_525 : memref<125xf32, #tpu.memory_space<vmem>>) target_semaphore(%arg11 : memref<!tpu.dma_semaphore, #tpu.memory_space<semaphore_mem>>)
      } else {
      }
      %scan3A_465 = arith.constant 0 : i32
      %scan3A_466 = arith.constant 0 : i32
      %scan3A_467 = arith.constant 125 : i32
      %scan3A_468 = arith.addi %scan3A_466, %scan3A_467 : i32
      %scan3A_469 = arith.constant 1 : i32
      scf.for %scan3A_484 = %scan3A_466 to %scan3A_468 step %scan3A_469  : i32 {
        %broadcast_in_dim3A = arith.constant 3 : i32
        %broadcast_in_dim3A_485 = vector.broadcast %broadcast_in_dim3A : i32 to vector<16xi32>
        %broadcast_in_dim3A_486 = vector.broadcast %scan3A_484 : i32 to vector<16xi32>
        %gather3A = tpu.vector_load_idx %arg7[%broadcast_in_dim3A_485, %broadcast_in_dim3A_486] : memref<4x125xf32, #tpu.memory_space<vmem>>[vector<16xi32>, vector<16xi32>], vector<16xf32>,
        %get3A = arith.constant 1 : i32
        %get3A_487 = arith.index_cast %get3A : i32 to index
        %get3A_488 = arith.index_cast %scan3A_484 : i32 to index
        %get3A_489 = arith.constant 0 : index
        %get3A_490 = tpu.vector_load %arg8[%get3A_487, %get3A_488, %get3A_489] {strides = array<i32>} : memref<2x125x128xf32, #tpu.memory_space<vmem>>, vector<16xf32>,
        %mul3A_491 = arith.mulf %get3A_490, %gather3A : vector<16xf32>
        %swap3A = arith.constant 1 : i32
        %swap3A_492 = arith.index_cast %swap3A : i32 to index
        %swap3A_493 = arith.index_cast %scan3A_484 : i32 to index
        %swap3A_494 = arith.constant 0 : index
        %swap3A_495 = tpu.vector_load %arg8[%swap3A_492, %swap3A_493, %swap3A_494] {strides = array<i32>} : memref<2x125x128xf32, #tpu.memory_space<vmem>>, vector<16xf32>,
        tpu.vector_store %arg8[%swap3A_492, %swap3A_493, %swap3A_494], %mul3A_491 {strides = array<i32>} : memref<2x125x128xf32, #tpu.memory_space<vmem>>, vector<16xf32>,
        %get3A_496 = arith.constant 1 : i32
        %get3A_497 = arith.index_cast %get3A_496 : i32 to index
        %get3A_498 = arith.index_cast %scan3A_484 : i32 to index
        %get3A_499 = arith.constant 16 : index
        %get3A_500 = tpu.vector_load %arg8[%get3A_497, %get3A_498, %get3A_499] {strides = array<i32>} : memref<2x125x128xf32, #tpu.memory_space<vmem>>, vector<16xf32>,
        %mul3A_501 = arith.mulf %get3A_500, %gather3A : vector<16xf32>
        %swap3A_502 = arith.constant 1 : i32
        %swap3A_503 = arith.index_cast %swap3A_502 : i32 to index
        %swap3A_504 = arith.index_cast %scan3A_484 : i32 to index
        %swap3A_505 = arith.constant 16 : index
        %swap3A_506 = tpu.vector_load %arg8[%swap3A_503, %swap3A_504, %swap3A_505] {strides = array<i32>} : memref<2x125x128xf32, #tpu.memory_space<vmem>>, vector<16xf32>,
        tpu.vector_store %arg8[%swap3A_503, %swap3A_504, %swap3A_505], %mul3A_501 {strides = array<i32>} : memref<2x125x128xf32, #tpu.memory_space<vmem>>, vector<16xf32>,
        %get3A_507 = arith.constant 1 : i32
        %get3A_508 = arith.index_cast %get3A_507 : i32 to index
        %get3A_509 = arith.index_cast %scan3A_484 : i32 to index
        %get3A_510 = arith.constant 32 : index
        %get3A_511 = tpu.vector_load %arg8[%get3A_508, %get3A_509, %get3A_510] {strides = array<i32>} : memref<2x125x128xf32, #tpu.memory_space<vmem>>, vector<16xf32>,
        %mul3A_512 = arith.mulf %get3A_511, %gather3A : vector<16xf32>
        %swap3A_513 = arith.constant 1 : i32
        %swap3A_514 = arith.index_cast %swap3A_513 : i32 to index
        %swap3A_515 = arith.index_cast %scan3A_484 : i32 to index
        %swap3A_516 = arith.constant 32 : index
        %swap3A_517 = tpu.vector_load %arg8[%swap3A_514, %swap3A_515, %swap3A_516] {strides = array<i32>} : memref<2x125x128xf32, #tpu.memory_space<vmem>>, vector<16xf32>,
        tpu.vector_store %arg8[%swap3A_514, %swap3A_515, %swap3A_516], %mul3A_512 {strides = array<i32>} : memref<2x125x128xf32, #tpu.memory_space<vmem>>, vector<16xf32>,
        %get3A_518 = arith.constant 1 : i32
        %get3A_519 = arith.index_cast %get3A_518 : i32 to index
        %get3A_520 = arith.index_cast %scan3A_484 : i32 to index
        %get3A_521 = arith.constant 48 : index
        %get3A_522 = tpu.vector_load %arg8[%get3A_519, %get3A_520, %get3A_521] {strides = array<i32>} : memref<2x125x128xf32, #tpu.memory_space<vmem>>, vector<16xf32>,
        %mul3A_523 = arith.mulf %get3A_522, %gather3A : vector<16xf32>
        %swap3A_524 = arith.constant 1 : i32
        %swap3A_525 = arith.index_cast %swap3A_524 : i32 to index
        %swap3A_526 = arith.index_cast %scan3A_484 : i32 to index
        %swap3A_527 = arith.constant 48 : index
        %swap3A_528 = tpu.vector_load %arg8[%swap3A_525, %swap3A_526, %swap3A_527] {strides = array<i32>} : memref<2x125x128xf32, #tpu.memory_space<vmem>>, vector<16xf32>,
        tpu.vector_store %arg8[%swap3A_525, %swap3A_526, %swap3A_527], %mul3A_523 {strides = array<i32>} : memref<2x125x128xf32, #tpu.memory_space<vmem>>, vector<16xf32>,
        %get3A_529 = arith.constant 1 : i32
        %get3A_530 = arith.index_cast %get3A_529 : i32 to index
        %get3A_531 = arith.index_cast %scan3A_484 : i32 to index
        %get3A_532 = arith.constant 64 : index
        %get3A_533 = tpu.vector_load %arg8[%get3A_530, %get3A_531, %get3A_532] {strides = array<i32>} : memref<2x125x128xf32, #tpu.memory_space<vmem>>, vector<16xf32>,
        %mul3A_534 = arith.mulf %get3A_533, %gather3A : vector<16xf32>
        %swap3A_535 = arith.constant 1 : i32
        %swap3A_536 = arith.index_cast %swap3A_535 : i32 to index
        %swap3A_537 = arith.index_cast %scan3A_484 : i32 to index
        %swap3A_538 = arith.constant 64 : index
        %swap3A_539 = tpu.vector_load %arg8[%swap3A_536, %swap3A_537, %swap3A_538] {strides = array<i32>} : memref<2x125x128xf32, #tpu.memory_space<vmem>>, vector<16xf32>,
        tpu.vector_store %arg8[%swap3A_536, %swap3A_537, %swap3A_538], %mul3A_534 {strides = array<i32>} : memref<2x125x128xf32, #tpu.memory_space<vmem>>, vector<16xf32>,
        %get3A_540 = arith.constant 1 : i32
        %get3A_541 = arith.index_cast %get3A_540 : i32 to index
        %get3A_542 = arith.index_cast %scan3A_484 : i32 to index
        %get3A_543 = arith.constant 80 : index
        %get3A_544 = tpu.vector_load %arg8[%get3A_541, %get3A_542, %get3A_543] {strides = array<i32>} : memref<2x125x128xf32, #tpu.memory_space<vmem>>, vector<16xf32>,
        %mul3A_545 = arith.mulf %get3A_544, %gather3A : vector<16xf32>
        %swap3A_546 = arith.constant 1 : i32
        %swap3A_547 = arith.index_cast %swap3A_546 : i32 to index
        %swap3A_548 = arith.index_cast %scan3A_484 : i32 to index
        %swap3A_549 = arith.constant 80 : index
        %swap3A_550 = tpu.vector_load %arg8[%swap3A_547, %swap3A_548, %swap3A_549] {strides = array<i32>} : memref<2x125x128xf32, #tpu.memory_space<vmem>>, vector<16xf32>,
        tpu.vector_store %arg8[%swap3A_547, %swap3A_548, %swap3A_549], %mul3A_545 {strides = array<i32>} : memref<2x125x128xf32, #tpu.memory_space<vmem>>, vector<16xf32>,
        %get3A_551 = arith.constant 1 : i32
        %get3A_552 = arith.index_cast %get3A_551 : i32 to index
        %get3A_553 = arith.index_cast %scan3A_484 : i32 to index
        %get3A_554 = arith.constant 96 : index
        %get3A_555 = tpu.vector_load %arg8[%get3A_552, %get3A_553, %get3A_554] {strides = array<i32>} : memref<2x125x128xf32, #tpu.memory_space<vmem>>, vector<16xf32>,
        %mul3A_556 = arith.mulf %get3A_555, %gather3A : vector<16xf32>
        %swap3A_557 = arith.constant 1 : i32
        %swap3A_558 = arith.index_cast %swap3A_557 : i32 to index
        %swap3A_559 = arith.index_cast %scan3A_484 : i32 to index
        %swap3A_560 = arith.constant 96 : index
        %swap3A_561 = tpu.vector_load %arg8[%swap3A_558, %swap3A_559, %swap3A_560] {strides = array<i32>} : memref<2x125x128xf32, #tpu.memory_space<vmem>>, vector<16xf32>,
        tpu.vector_store %arg8[%swap3A_558, %swap3A_559, %swap3A_560], %mul3A_556 {strides = array<i32>} : memref<2x125x128xf32, #tpu.memory_space<vmem>>, vector<16xf32>,
        %get3A_562 = arith.constant 1 : i32
        %get3A_563 = arith.index_cast %get3A_562 : i32 to index
        %get3A_564 = arith.index_cast %scan3A_484 : i32 to index
        %get3A_565 = arith.constant 112 : index
        %get3A_566 = tpu.vector_load %arg8[%get3A_563, %get3A_564, %get3A_565] {strides = array<i32>} : memref<2x125x128xf32, #tpu.memory_space<vmem>>, vector<16xf32>,
        %mul3A_567 = arith.mulf %get3A_566, %gather3A : vector<16xf32>
        %swap3A_568 = arith.constant 1 : i32
        %swap3A_569 = arith.index_cast %swap3A_568 : i32 to index
        %swap3A_570 = arith.index_cast %scan3A_484 : i32 to index
        %swap3A_571 = arith.constant 112 : index
        %swap3A_572 = tpu.vector_load %arg8[%swap3A_569, %swap3A_570, %swap3A_571] {strides = array<i32>} : memref<2x125x128xf32, #tpu.memory_space<vmem>>, vector<16xf32>,
        tpu.vector_store %arg8[%swap3A_569, %swap3A_570, %swap3A_571], %mul3A_567 {strides = array<i32>} : memref<2x125x128xf32, #tpu.memory_space<vmem>>, vector<16xf32>,
      }
      %scan3A_470 = arith.constant 125 : i32
      %dma_start3A_471 = arith.constant 1 : i32
      %dma_start3A_472 = arith.constant 3 : i32
      %dma_start3A_473 = arith.constant 1 : i32
      %dma_start3A_474 = arith.constant 0 : i32
      %dma_start3A_475 = arith.constant 0 : i32
      %dma_start3A_476 = tpu.memref_slice %arg8[%dma_start3A_471, %dma_start3A_474, %dma_start3A_475] : memref<2x125x128xf32, #tpu.memory_space<vmem>> -> memref<1x125x128xf32, #tpu.memory_space<vmem>>
      %dma_start3A_477 = tpu.memref_squeeze %dma_start3A_476 : memref<1x125x128xf32, #tpu.memory_space<vmem>> -> memref<125x128xf32, #tpu.memory_space<vmem>>
      %dma_start3A_478 = arith.constant 0 : i32
      %dma_start3A_479 = tpu.memref_slice %arg6[%dma_start3A_472, %dma_start3A_473, %dma_start3A_478] : memref<4x2x125xi32, #tpu.memory_space<vmem>> -> memref<1x1x125xi32, #tpu.memory_space<vmem>>
      %dma_start3A_480 = tpu.memref_squeeze %dma_start3A_479 : memref<1x1x125xi32, #tpu.memory_space<vmem>> -> memref<125xi32, #tpu.memory_space<vmem>>
      %dma_start3A_481 = arith.constant 0 : i32
      %dma_start3A_482 = arith.constant 0 : i32
      %dma_start3A_483 = tpu.memref_slice %arg9[%dma_start3A_481, %dma_start3A_482] : memref<10000x128xf32, #tpu.memory_space<vmem_shared>> -> memref<10000x128xf32, #tpu.memory_space<vmem_shared>>
      tpu.enqueue_indirect_dma source(%dma_start3A_477 : memref<125x128xf32, #tpu.memory_space<vmem>>) target(%dma_start3A_483 : memref<10000x128xf32, #tpu.memory_space<vmem_shared>>) offsets(%dma_start3A_480 : memref<125xi32, #tpu.memory_space<vmem>>) semaphore(%arg17 : memref<!tpu.dma_semaphore, #tpu.memory_space<semaphore_mem>>) {add = true}
    }
    %scan3A_184 = arith.constant 20 : i32
    %dma_wait3A_185 = arith.constant 1 : i32
    %dma_wait3A_186 = arith.constant 3 : i32
    %dma_wait3A_187 = arith.constant 1 : i32
    %dma_wait3A_188 = arith.constant 0 : i32
    %dma_wait3A_189 = arith.constant 0 : i32
    %dma_wait3A_190 = tpu.memref_slice %arg8[%dma_wait3A_185, %dma_wait3A_188, %dma_wait3A_189] : memref<2x125x128xf32, #tpu.memory_space<vmem>> -> memref<1x125x128xf32, #tpu.memory_space<vmem>>
    %dma_wait3A_191 = tpu.memref_squeeze %dma_wait3A_190 : memref<1x125x128xf32, #tpu.memory_space<vmem>> -> memref<125x128xf32, #tpu.memory_space<vmem>>
    %dma_wait3A_192 = arith.constant 0 : i32
    %dma_wait3A_193 = tpu.memref_slice %arg6[%dma_wait3A_186, %dma_wait3A_187, %dma_wait3A_192] : memref<4x2x125xi32, #tpu.memory_space<vmem>> -> memref<1x1x125xi32, #tpu.memory_space<vmem>>
    %dma_wait3A_194 = tpu.memref_squeeze %dma_wait3A_193 : memref<1x1x125xi32, #tpu.memory_space<vmem>> -> memref<125xi32, #tpu.memory_space<vmem>>
    %dma_wait3A_195 = arith.constant 0 : i32
    %dma_wait3A_196 = arith.constant 0 : i32
    %dma_wait3A_197 = tpu.memref_slice %arg9[%dma_wait3A_195, %dma_wait3A_196] : memref<10000x128xf32, #tpu.memory_space<vmem_shared>> -> memref<10000x128xf32, #tpu.memory_space<vmem_shared>>
    tpu.wait_indirect_dma semaphore(%arg17 : memref<!tpu.dma_semaphore, #tpu.memory_space<semaphore_mem>>) src(%dma_wait3A_191 : memref<125x128xf32, #tpu.memory_space<vmem>>) dst(%dma_wait3A_197 : memref<10000x128xf32, #tpu.memory_space<vmem_shared>>)
    %barrier3A_198 = arith.constant 0 : index
    tpu.barrier barrier_id(%barrier3A_198)
    %mul3A_199 = arith.constant 625 : i32
    %mul3A_200 = arith.muli %arg1, %mul3A_199 : i32
    %add3A_201 = arith.constant 0 : i32
    %add3A_202 = arith.addi %mul3A_200, %add3A_201 : i32
    %mul3A_203 = arith.constant 625 : i32
    %mul3A_204 = arith.muli %arg1, %mul3A_203 : i32
    %add3A_205 = arith.constant 0 : i32
    %add3A_206 = arith.addi %mul3A_204, %add3A_205 : i32
    "tpu.region"() ({
      %run_scoped3A_239 = tpu.sem_alloc : memref<!tpu.dma_semaphore, #tpu.memory_space<semaphore_mem>>
      %dma_start3A_240 = arith.constant 0 : i32
      %dma_start3A_241 = tpu.memref_slice %arg5[%arg0, %add3A_206, %dma_start3A_240] : memref<2x10000x128xf32, #tpu.memory_space<hbm>> -> memref<1x125x128xf32, #tpu.memory_space<hbm>>
      %dma_start3A_242 = tpu.memref_squeeze %dma_start3A_241 : memref<1x125x128xf32, #tpu.memory_space<hbm>> -> memref<125x128xf32, #tpu.memory_space<hbm>>
      %dma_start3A_243 = arith.constant 0 : i32
      %dma_start3A_244 = tpu.memref_slice %arg9[%add3A_202, %dma_start3A_243] : memref<10000x128xf32, #tpu.memory_space<vmem_shared>> -> memref<125x128xf32, #tpu.memory_space<vmem_shared>>
      tpu.enqueue_dma source(%dma_start3A_244 : memref<125x128xf32, #tpu.memory_space<vmem_shared>>) target(%dma_start3A_242 : memref<125x128xf32, #tpu.memory_space<hbm>>) target_semaphore(%run_scoped3A_239 : memref<!tpu.dma_semaphore, #tpu.memory_space<semaphore_mem>>)
      %dma_wait3A_245 = arith.constant 0 : i32
      %dma_wait3A_246 = tpu.memref_slice %arg5[%arg0, %add3A_206, %dma_wait3A_245] : memref<2x10000x128xf32, #tpu.memory_space<hbm>> -> memref<1x125x128xf32, #tpu.memory_space<hbm>>
      %dma_wait3A_247 = tpu.memref_squeeze %dma_wait3A_246 : memref<1x125x128xf32, #tpu.memory_space<hbm>> -> memref<125x128xf32, #tpu.memory_space<hbm>>
      %dma_wait3A_248 = arith.constant 0 : i32
      %dma_wait3A_249 = tpu.memref_slice %arg9[%add3A_202, %dma_wait3A_248] : memref<10000x128xf32, #tpu.memory_space<vmem_shared>> -> memref<125x128xf32, #tpu.memory_space<vmem_shared>>
      tpu.wait_dma2 semaphore(%run_scoped3A_239 : memref<!tpu.dma_semaphore, #tpu.memory_space<semaphore_mem>>) src(%dma_wait3A_249 : memref<125x128xf32, #tpu.memory_space<vmem_shared>>) dst(%dma_wait3A_247 : memref<125x128xf32, #tpu.memory_space<hbm>>)
      tpu.yield
    }) : () -> ()
    %mul3A_207 = arith.constant 625 : i32
    %mul3A_208 = arith.muli %arg1, %mul3A_207 : i32
    %add3A_209 = arith.constant 125 : i32
    %add3A_210 = arith.addi %mul3A_208, %add3A_209 : i32
    %mul3A_211 = arith.constant 625 : i32
    %mul3A_212 = arith.muli %arg1, %mul3A_211 : i32
    %add3A_213 = arith.constant 125 : i32
    %add3A_214 = arith.addi %mul3A_212, %add3A_213 : i32
    "tpu.region"() ({
      %run_scoped3A_239 = tpu.sem_alloc : memref<!tpu.dma_semaphore, #tpu.memory_space<semaphore_mem>>
      %dma_start3A_240 = arith.constant 0 : i32
      %dma_start3A_241 = tpu.memref_slice %arg5[%arg0, %add3A_214, %dma_start3A_240] : memref<2x10000x128xf32, #tpu.memory_space<hbm>> -> memref<1x125x128xf32, #tpu.memory_space<hbm>>
      %dma_start3A_242 = tpu.memref_squeeze %dma_start3A_241 : memref<1x125x128xf32, #tpu.memory_space<hbm>> -> memref<125x128xf32, #tpu.memory_space<hbm>>
      %dma_start3A_243 = arith.constant 0 : i32
      %dma_start3A_244 = tpu.memref_slice %arg9[%add3A_210, %dma_start3A_243] : memref<10000x128xf32, #tpu.memory_space<vmem_shared>> -> memref<125x128xf32, #tpu.memory_space<vmem_shared>>
      tpu.enqueue_dma source(%dma_start3A_244 : memref<125x128xf32, #tpu.memory_space<vmem_shared>>) target(%dma_start3A_242 : memref<125x128xf32, #tpu.memory_space<hbm>>) target_semaphore(%run_scoped3A_239 : memref<!tpu.dma_semaphore, #tpu.memory_space<semaphore_mem>>)
      %dma_wait3A_245 = arith.constant 0 : i32
      %dma_wait3A_246 = tpu.memref_slice %arg5[%arg0, %add3A_214, %dma_wait3A_245] : memref<2x10000x128xf32, #tpu.memory_space<hbm>> -> memref<1x125x128xf32, #tpu.memory_space<hbm>>
      %dma_wait3A_247 = tpu.memref_squeeze %dma_wait3A_246 : memref<1x125x128xf32, #tpu.memory_space<hbm>> -> memref<125x128xf32, #tpu.memory_space<hbm>>
      %dma_wait3A_248 = arith.constant 0 : i32
      %dma_wait3A_249 = tpu.memref_slice %arg9[%add3A_210, %dma_wait3A_248] : memref<10000x128xf32, #tpu.memory_space<vmem_shared>> -> memref<125x128xf32, #tpu.memory_space<vmem_shared>>
      tpu.wait_dma2 semaphore(%run_scoped3A_239 : memref<!tpu.dma_semaphore, #tpu.memory_space<semaphore_mem>>) src(%dma_wait3A_249 : memref<125x128xf32, #tpu.memory_space<vmem_shared>>) dst(%dma_wait3A_247 : memref<125x128xf32, #tpu.memory_space<hbm>>)
      tpu.yield
    }) : () -> ()
    %mul3A_215 = arith.constant 625 : i32
    %mul3A_216 = arith.muli %arg1, %mul3A_215 : i32
    %add3A_217 = arith.constant 250 : i32
    %add3A_218 = arith.addi %mul3A_216, %add3A_217 : i32
    %mul3A_219 = arith.constant 625 : i32
    %mul3A_220 = arith.muli %arg1, %mul3A_219 : i32
    %add3A_221 = arith.constant 250 : i32
    %add3A_222 = arith.addi %mul3A_220, %add3A_221 : i32
    "tpu.region"() ({
      %run_scoped3A_239 = tpu.sem_alloc : memref<!tpu.dma_semaphore, #tpu.memory_space<semaphore_mem>>
      %dma_start3A_240 = arith.constant 0 : i32
      %dma_start3A_241 = tpu.memref_slice %arg5[%arg0, %add3A_222, %dma_start3A_240] : memref<2x10000x128xf32, #tpu.memory_space<hbm>> -> memref<1x125x128xf32, #tpu.memory_space<hbm>>
      %dma_start3A_242 = tpu.memref_squeeze %dma_start3A_241 : memref<1x125x128xf32, #tpu.memory_space<hbm>> -> memref<125x128xf32, #tpu.memory_space<hbm>>
      %dma_start3A_243 = arith.constant 0 : i32
      %dma_start3A_244 = tpu.memref_slice %arg9[%add3A_218, %dma_start3A_243] : memref<10000x128xf32, #tpu.memory_space<vmem_shared>> -> memref<125x128xf32, #tpu.memory_space<vmem_shared>>
      tpu.enqueue_dma source(%dma_start3A_244 : memref<125x128xf32, #tpu.memory_space<vmem_shared>>) target(%dma_start3A_242 : memref<125x128xf32, #tpu.memory_space<hbm>>) target_semaphore(%run_scoped3A_239 : memref<!tpu.dma_semaphore, #tpu.memory_space<semaphore_mem>>)
      %dma_wait3A_245 = arith.constant 0 : i32
      %dma_wait3A_246 = tpu.memref_slice %arg5[%arg0, %add3A_222, %dma_wait3A_245] : memref<2x10000x128xf32, #tpu.memory_space<hbm>> -> memref<1x125x128xf32, #tpu.memory_space<hbm>>
      %dma_wait3A_247 = tpu.memref_squeeze %dma_wait3A_246 : memref<1x125x128xf32, #tpu.memory_space<hbm>> -> memref<125x128xf32, #tpu.memory_space<hbm>>
      %dma_wait3A_248 = arith.constant 0 : i32
      %dma_wait3A_249 = tpu.memref_slice %arg9[%add3A_218, %dma_wait3A_248] : memref<10000x128xf32, #tpu.memory_space<vmem_shared>> -> memref<125x128xf32, #tpu.memory_space<vmem_shared>>
      tpu.wait_dma2 semaphore(%run_scoped3A_239 : memref<!tpu.dma_semaphore, #tpu.memory_space<semaphore_mem>>) src(%dma_wait3A_249 : memref<125x128xf32, #tpu.memory_space<vmem_shared>>) dst(%dma_wait3A_247 : memref<125x128xf32, #tpu.memory_space<hbm>>)
      tpu.yield
    }) : () -> ()
    %mul3A_223 = arith.constant 625 : i32
    %mul3A_224 = arith.muli %arg1, %mul3A_223 : i32
    %add3A_225 = arith.constant 375 : i32
    %add3A_226 = arith.addi %mul3A_224, %add3A_225 : i32
    %mul3A_227 = arith.constant 625 : i32
    %mul3A_228 = arith.muli %arg1, %mul3A_227 : i32
    %add3A_229 = arith.constant 375 : i32
    %add3A_230 = arith.addi %mul3A_228, %add3A_229 : i32
    "tpu.region"() ({
      %run_scoped3A_239 = tpu.sem_alloc : memref<!tpu.dma_semaphore, #tpu.memory_space<semaphore_mem>>
      %dma_start3A_240 = arith.constant 0 : i32
      %dma_start3A_241 = tpu.memref_slice %arg5[%arg0, %add3A_230, %dma_start3A_240] : memref<2x10000x128xf32, #tpu.memory_space<hbm>> -> memref<1x125x128xf32, #tpu.memory_space<hbm>>
      %dma_start3A_242 = tpu.memref_squeeze %dma_start3A_241 : memref<1x125x128xf32, #tpu.memory_space<hbm>> -> memref<125x128xf32, #tpu.memory_space<hbm>>
      %dma_start3A_243 = arith.constant 0 : i32
      %dma_start3A_244 = tpu.memref_slice %arg9[%add3A_226, %dma_start3A_243] : memref<10000x128xf32, #tpu.memory_space<vmem_shared>> -> memref<125x128xf32, #tpu.memory_space<vmem_shared>>
      tpu.enqueue_dma source(%dma_start3A_244 : memref<125x128xf32, #tpu.memory_space<vmem_shared>>) target(%dma_start3A_242 : memref<125x128xf32, #tpu.memory_space<hbm>>) target_semaphore(%run_scoped3A_239 : memref<!tpu.dma_semaphore, #tpu.memory_space<semaphore_mem>>)
      %dma_wait3A_245 = arith.constant 0 : i32
      %dma_wait3A_246 = tpu.memref_slice %arg5[%arg0, %add3A_230, %dma_wait3A_245] : memref<2x10000x128xf32, #tpu.memory_space<hbm>> -> memref<1x125x128xf32, #tpu.memory_space<hbm>>
      %dma_wait3A_247 = tpu.memref_squeeze %dma_wait3A_246 : memref<1x125x128xf32, #tpu.memory_space<hbm>> -> memref<125x128xf32, #tpu.memory_space<hbm>>
      %dma_wait3A_248 = arith.constant 0 : i32
      %dma_wait3A_249 = tpu.memref_slice %arg9[%add3A_226, %dma_wait3A_248] : memref<10000x128xf32, #tpu.memory_space<vmem_shared>> -> memref<125x128xf32, #tpu.memory_space<vmem_shared>>
      tpu.wait_dma2 semaphore(%run_scoped3A_239 : memref<!tpu.dma_semaphore, #tpu.memory_space<semaphore_mem>>) src(%dma_wait3A_249 : memref<125x128xf32, #tpu.memory_space<vmem_shared>>) dst(%dma_wait3A_247 : memref<125x128xf32, #tpu.memory_space<hbm>>)
      tpu.yield
    }) : () -> ()
    %mul3A_231 = arith.constant 625 : i32
    %mul3A_232 = arith.muli %arg1, %mul3A_231 : i32
    %add3A_233 = arith.constant 500 : i32
    %add3A_234 = arith.addi %mul3A_232, %add3A_233 : i32
    %mul3A_235 = arith.constant 625 : i32
    %mul3A_236 = arith.muli %arg1, %mul3A_235 : i32
    %add3A_237 = arith.constant 500 : i32
    %add3A_238 = arith.addi %mul3A_236, %add3A_237 : i32
    "tpu.region"() ({
      %run_scoped3A_239 = tpu.sem_alloc : memref<!tpu.dma_semaphore, #tpu.memory_space<semaphore_mem>>
      %dma_start3A_240 = arith.constant 0 : i32
      %dma_start3A_241 = tpu.memref_slice %arg5[%arg0, %add3A_238, %dma_start3A_240] : memref<2x10000x128xf32, #tpu.memory_space<hbm>> -> memref<1x125x128xf32, #tpu.memory_space<hbm>>
      %dma_start3A_242 = tpu.memref_squeeze %dma_start3A_241 : memref<1x125x128xf32, #tpu.memory_space<hbm>> -> memref<125x128xf32, #tpu.memory_space<hbm>>
      %dma_start3A_243 = arith.constant 0 : i32
      %dma_start3A_244 = tpu.memref_slice %arg9[%add3A_234, %dma_start3A_243] : memref<10000x128xf32, #tpu.memory_space<vmem_shared>> -> memref<125x128xf32, #tpu.memory_space<vmem_shared>>
      tpu.enqueue_dma source(%dma_start3A_244 : memref<125x128xf32, #tpu.memory_space<vmem_shared>>) target(%dma_start3A_242 : memref<125x128xf32, #tpu.memory_space<hbm>>) target_semaphore(%run_scoped3A_239 : memref<!tpu.dma_semaphore, #tpu.memory_space<semaphore_mem>>)
      %dma_wait3A_245 = arith.constant 0 : i32
      %dma_wait3A_246 = tpu.memref_slice %arg5[%arg0, %add3A_238, %dma_wait3A_245] : memref<2x10000x128xf32, #tpu.memory_space<hbm>> -> memref<1x125x128xf32, #tpu.memory_space<hbm>>
      %dma_wait3A_247 = tpu.memref_squeeze %dma_wait3A_246 : memref<1x125x128xf32, #tpu.memory_space<hbm>> -> memref<125x128xf32, #tpu.memory_space<hbm>>
      %dma_wait3A_248 = arith.constant 0 : i32
      %dma_wait3A_249 = tpu.memref_slice %arg9[%add3A_234, %dma_wait3A_248] : memref<10000x128xf32, #tpu.memory_space<vmem_shared>> -> memref<125x128xf32, #tpu.memory_space<vmem_shared>>
      tpu.wait_dma2 semaphore(%run_scoped3A_239 : memref<!tpu.dma_semaphore, #tpu.memory_space<semaphore_mem>>) src(%dma_wait3A_249 : memref<125x128xf32, #tpu.memory_space<vmem_shared>>) dst(%dma_wait3A_247 : memref<125x128xf32, #tpu.memory_space<hbm>>)
      tpu.yield
    }) : () -> ()
    return
  }
}

module attributes {stable_mosaic.version = 14 : i64} {
  func.func @_scal_body(%arg0: memref<10000x128xf32, #tpu.memory_space<vmem>>, %arg1: memref<10000x128xf32, #tpu.memory_space<vmem>>, %arg2: memref<128x128xf32, #tpu.memory_space<vmem>>, %arg3: memref<128xf32, #tpu.memory_space<vmem>>, %arg4: memref<128x128xf32, #tpu.memory_space<vmem>>, %arg5: memref<128xf32, #tpu.memory_space<vmem>>, %arg6: memref<256x1xf32, #tpu.memory_space<vmem>>, %arg7: memref<1xf32, #tpu.memory_space<vmem>>, %arg8: memref<10000x1xf32, #tpu.memory_space<vmem>>, %arg9: memref<10000x1xf32, #tpu.memory_space<vmem>>) attributes {dimension_semantics = [], scalar_prefetch = 0 : i64, scratch_operands = 0 : i64, tpu.core_type = #tpu.core_type<tc>} {
    %get3A = arith.constant 0 : index
    %get3A_0 = arith.constant 0 : index
    %get3A_1 = vector.load %arg6[%get3A, %get3A_0] : memref<256x1xf32, #tpu.memory_space<vmem>>, vector<128x1xf32>
    %get3A_2 = arith.constant 128 : index
    %get3A_3 = arith.constant 0 : index
    %get3A_4 = vector.load %arg6[%get3A_2, %get3A_3] : memref<256x1xf32, #tpu.memory_space<vmem>>, vector<128x1xf32>
    %get3A_5 = arith.constant 0 : index
    %get3A_6 = arith.constant 0 : index
    %get3A_7 = vector.load %arg2[%get3A_5, %get3A_6] : memref<128x128xf32, #tpu.memory_space<vmem>>, vector<128x128xf32>
    %dot_general3A = arith.constant dense<0.000000e+00> : vector<128x1xf32>
    %dot_general3A_8 = tpu.matmul %get3A_7, %get3A_4, %dot_general3A {dimension_numbers = #tpu.dot_dimension_numbers<[1], [0], [0], [1], [0, 0, 1, 1], [], []>, transpose_lhs_hint = false} : vector<128x128xf32>, vector<128x1xf32>, vector<128x1xf32> -> vector<128x1xf32>
    %get3A_9 = arith.constant 0 : index
    %get3A_10 = arith.constant 0 : index
    %get3A_11 = vector.load %arg4[%get3A_9, %get3A_10] : memref<128x128xf32, #tpu.memory_space<vmem>>, vector<128x128xf32>
    %dot_general3A_12 = arith.constant dense<0.000000e+00> : vector<128x1xf32>
    %dot_general3A_13 = tpu.matmul %get3A_11, %get3A_1, %dot_general3A_12 {dimension_numbers = #tpu.dot_dimension_numbers<[1], [0], [0], [1], [0, 0, 1, 1], [], []>, transpose_lhs_hint = false} : vector<128x128xf32>, vector<128x1xf32>, vector<128x1xf32> -> vector<128x1xf32>
    %get3A_14 = arith.constant 0 : index
    %get3A_15 = vector.load %arg3[%get3A_14] : memref<128xf32, #tpu.memory_space<vmem>>, vector<128xf32>
    %reshape3A = vector.shape_cast %get3A_15 : vector<128xf32> to vector<1x128xf32>
    %dot_general3A_16 = arith.constant dense<0.000000e+00> : vector<1x1xf32>
    %dot_general3A_17 = tpu.matmul %reshape3A, %get3A_4, %dot_general3A_16 {dimension_numbers = #tpu.dot_dimension_numbers<[1], [0], [0], [1], [0, 0, 1, 1], [], []>, transpose_lhs_hint = false} : vector<1x128xf32>, vector<128x1xf32>, vector<1x1xf32> -> vector<1x1xf32>
    %get3A_18 = arith.constant 0 : index
    %get3A_19 = vector.load %arg5[%get3A_18] : memref<128xf32, #tpu.memory_space<vmem>>, vector<128xf32>
    %reshape3A_20 = vector.shape_cast %get3A_19 : vector<128xf32> to vector<1x128xf32>
    %dot_general3A_21 = arith.constant dense<0.000000e+00> : vector<1x1xf32>
    %dot_general3A_22 = tpu.matmul %reshape3A_20, %get3A_1, %dot_general3A_21 {dimension_numbers = #tpu.dot_dimension_numbers<[1], [0], [0], [1], [0, 0, 1, 1], [], []>, transpose_lhs_hint = false} : vector<1x128xf32>, vector<128x1xf32>, vector<1x1xf32> -> vector<1x1xf32>
    %add3A = arith.addf %dot_general3A_17, %dot_general3A_22 : vector<1x1xf32>
    %get3A_23 = arith.constant 0 : index
    %get3A_24 = vector.load %arg7[%get3A_23] : memref<1xf32, #tpu.memory_space<vmem>>, vector<1xf32>
    %reshape3A_25 = vector.shape_cast %get3A_24 : vector<1xf32> to vector<1x1xf32>
    %add3A_26 = arith.addf %add3A, %reshape3A_25 : vector<1x1xf32>
    %get3A_27 = arith.constant 0 : index
    %get3A_28 = arith.constant 0 : index
    %get3A_29 = vector.load %arg0[%get3A_27, %get3A_28] : memref<10000x128xf32, #tpu.memory_space<vmem>>, vector<10000x128xf32>
    %dot_general3A_30 = arith.constant dense<0.000000e+00> : vector<10000x1xf32>
    %dot_general3A_31 = tpu.matmul %get3A_29, %dot_general3A_8, %dot_general3A_30 {dimension_numbers = #tpu.dot_dimension_numbers<[1], [0], [0], [1], [0, 0, 1, 1], [], []>, transpose_lhs_hint = false} : vector<10000x128xf32>, vector<128x1xf32>, vector<10000x1xf32> -> vector<10000x1xf32>
    %swap3A = arith.constant 0 : index
    %swap3A_32 = arith.constant 0 : index
    %swap3A_33 = vector.load %arg8[%swap3A, %swap3A_32] : memref<10000x1xf32, #tpu.memory_space<vmem>>, vector<10000x1xf32>
    tpu.vector_store %arg8[%swap3A, %swap3A_32], %dot_general3A_31 {strides = array<i32>} : memref<10000x1xf32, #tpu.memory_space<vmem>>, vector<10000x1xf32>,
    %get3A_34 = arith.constant 0 : index
    %get3A_35 = arith.constant 0 : index
    %get3A_36 = vector.load %arg1[%get3A_34, %get3A_35] : memref<10000x128xf32, #tpu.memory_space<vmem>>, vector<10000x128xf32>
    %dot_general3A_37 = arith.constant dense<0.000000e+00> : vector<10000x1xf32>
    %dot_general3A_38 = tpu.matmul %get3A_36, %dot_general3A_13, %dot_general3A_37 {dimension_numbers = #tpu.dot_dimension_numbers<[1], [0], [0], [1], [0, 0, 1, 1], [], []>, transpose_lhs_hint = false} : vector<10000x128xf32>, vector<128x1xf32>, vector<10000x1xf32> -> vector<10000x1xf32>
    %add3A_39 = vector.broadcast %add3A_26 : vector<1x1xf32> to vector<10000x1xf32>
    %add3A_40 = arith.addf %dot_general3A_38, %add3A_39 : vector<10000x1xf32>
    %swap3A_41 = arith.constant 0 : index
    %swap3A_42 = arith.constant 0 : index
    %swap3A_43 = vector.load %arg9[%swap3A_41, %swap3A_42] : memref<10000x1xf32, #tpu.memory_space<vmem>>, vector<10000x1xf32>
    tpu.vector_store %arg9[%swap3A_41, %swap3A_42], %add3A_40 {strides = array<i32>} : memref<10000x1xf32, #tpu.memory_space<vmem>>, vector<10000x1xf32>,
    return
  }
}

module attributes {stable_mosaic.version = 14 : i64} {
  func.func @_hid_body(%arg0: memref<10000x128xf32, #tpu.memory_space<vmem>>, %arg1: memref<10000x128xf32, #tpu.memory_space<vmem>>, %arg2: memref<128x128xf32, #tpu.memory_space<vmem>>, %arg3: memref<128xf32, #tpu.memory_space<vmem>>, %arg4: memref<128x128xf32, #tpu.memory_space<vmem>>, %arg5: memref<128xf32, #tpu.memory_space<vmem>>, %arg6: memref<10000x128xf32, #tpu.memory_space<vmem>>, %arg7: memref<10000x128xf32, #tpu.memory_space<vmem>>) attributes {dimension_semantics = [], scalar_prefetch = 0 : i64, scratch_operands = 0 : i64, tpu.core_type = #tpu.core_type<tc>} {
    %get3A = arith.constant 0 : index
    %get3A_0 = arith.constant 0 : index
    %get3A_1 = vector.load %arg0[%get3A, %get3A_0] : memref<10000x128xf32, #tpu.memory_space<vmem>>, vector<10000x128xf32>
    %get3A_2 = arith.constant 0 : index
    %get3A_3 = arith.constant 0 : index
    %get3A_4 = vector.load %arg2[%get3A_2, %get3A_3] : memref<128x128xf32, #tpu.memory_space<vmem>>, vector<128x128xf32>
    %dot_general3A = arith.constant dense<0.000000e+00> : vector<10000x128xf32>
    %dot_general3A_5 = tpu.matmul %get3A_1, %get3A_4, %dot_general3A {dimension_numbers = #tpu.dot_dimension_numbers<[1], [0], [0], [1], [0, 0, 1, 1], [], []>, transpose_lhs_hint = false} : vector<10000x128xf32>, vector<128x128xf32>, vector<10000x128xf32> -> vector<10000x128xf32>
    %get3A_6 = arith.constant 0 : index
    %get3A_7 = vector.load %arg3[%get3A_6] : memref<128xf32, #tpu.memory_space<vmem>>, vector<128xf32>
    %broadcast_in_dim3A = vector.shape_cast %get3A_7 : vector<128xf32> to vector<1x128xf32>
    %add3A = vector.broadcast %broadcast_in_dim3A : vector<1x128xf32> to vector<10000x128xf32>
    %add3A_8 = arith.addf %dot_general3A_5, %add3A : vector<10000x128xf32>
    %reduce_sum3A = arith.constant dense<0.000000e+00> : vector<128xf32>
    %reduce_sum3A_9 = vector.multi_reduction <add>, %add3A_8, %reduce_sum3A [0] : vector<10000x128xf32> to vector<128xf32>
    %broadcast_in_dim3A_10 = vector.shape_cast %reduce_sum3A_9 : vector<128xf32> to vector<1x128xf32>
    %div3A = arith.constant 1.000000e+04 : f32
    %div3A_11 = vector.broadcast %div3A : f32 to vector<1x128xf32>
    %div3A_12 = arith.divf %broadcast_in_dim3A_10, %div3A_11 : vector<1x128xf32>
    %sub3A = vector.broadcast %div3A_12 : vector<1x128xf32> to vector<10000x128xf32>
    %sub3A_13 = arith.subf %add3A_8, %sub3A : vector<10000x128xf32>
    %mul3A = arith.mulf %sub3A_13, %sub3A_13 : vector<10000x128xf32>
    %reduce_sum3A_14 = arith.constant dense<0.000000e+00> : vector<128xf32>
    %reduce_sum3A_15 = vector.multi_reduction <add>, %mul3A, %reduce_sum3A_14 [0] : vector<10000x128xf32> to vector<128xf32>
    %broadcast_in_dim3A_16 = vector.shape_cast %reduce_sum3A_15 : vector<128xf32> to vector<1x128xf32>
    %div3A_17 = arith.constant 1.000000e+04 : f32
    %div3A_18 = vector.broadcast %div3A_17 : f32 to vector<1x128xf32>
    %div3A_19 = arith.divf %broadcast_in_dim3A_16, %div3A_18 : vector<1x128xf32>
    %add3A_20 = arith.constant 9.99999974E-6 : f32
    %add3A_21 = vector.broadcast %add3A_20 : f32 to vector<1x128xf32>
    %add3A_22 = arith.addf %div3A_19, %add3A_21 : vector<1x128xf32>
    %sqrt3A = math.sqrt %add3A_22 : vector<1x128xf32>
    %div3A_23 = vector.broadcast %sqrt3A : vector<1x128xf32> to vector<10000x128xf32>
    %div3A_24 = arith.divf %sub3A_13, %div3A_23 : vector<10000x128xf32>
    %swap3A = arith.constant 0 : index
    %swap3A_25 = arith.constant 0 : index
    %swap3A_26 = vector.load %arg6[%swap3A, %swap3A_25] : memref<10000x128xf32, #tpu.memory_space<vmem>>, vector<10000x128xf32>
    tpu.vector_store %arg6[%swap3A, %swap3A_25], %div3A_24 {strides = array<i32>} : memref<10000x128xf32, #tpu.memory_space<vmem>>, vector<10000x128xf32>,
    %get3A_27 = arith.constant 0 : index
    %get3A_28 = arith.constant 0 : index
    %get3A_29 = vector.load %arg1[%get3A_27, %get3A_28] : memref<10000x128xf32, #tpu.memory_space<vmem>>, vector<10000x128xf32>
    %get3A_30 = arith.constant 0 : index
    %get3A_31 = arith.constant 0 : index
    %get3A_32 = vector.load %arg4[%get3A_30, %get3A_31] : memref<128x128xf32, #tpu.memory_space<vmem>>, vector<128x128xf32>
    %dot_general3A_33 = arith.constant dense<0.000000e+00> : vector<10000x128xf32>
    %dot_general3A_34 = tpu.matmul %get3A_29, %get3A_32, %dot_general3A_33 {dimension_numbers = #tpu.dot_dimension_numbers<[1], [0], [0], [1], [0, 0, 1, 1], [], []>, transpose_lhs_hint = false} : vector<10000x128xf32>, vector<128x128xf32>, vector<10000x128xf32> -> vector<10000x128xf32>
    %get3A_35 = arith.constant 0 : index
    %get3A_36 = vector.load %arg5[%get3A_35] : memref<128xf32, #tpu.memory_space<vmem>>, vector<128xf32>
    %broadcast_in_dim3A_37 = vector.shape_cast %get3A_36 : vector<128xf32> to vector<1x128xf32>
    %add3A_38 = vector.broadcast %broadcast_in_dim3A_37 : vector<1x128xf32> to vector<10000x128xf32>
    %add3A_39 = arith.addf %dot_general3A_34, %add3A_38 : vector<10000x128xf32>
    %reduce_sum3A_40 = arith.constant dense<0.000000e+00> : vector<128xf32>
    %reduce_sum3A_41 = vector.multi_reduction <add>, %add3A_39, %reduce_sum3A_40 [0] : vector<10000x128xf32> to vector<128xf32>
    %broadcast_in_dim3A_42 = vector.shape_cast %reduce_sum3A_41 : vector<128xf32> to vector<1x128xf32>
    %div3A_43 = arith.constant 1.000000e+04 : f32
    %div3A_44 = vector.broadcast %div3A_43 : f32 to vector<1x128xf32>
    %div3A_45 = arith.divf %broadcast_in_dim3A_42, %div3A_44 : vector<1x128xf32>
    %sub3A_46 = vector.broadcast %div3A_45 : vector<1x128xf32> to vector<10000x128xf32>
    %sub3A_47 = arith.subf %add3A_39, %sub3A_46 : vector<10000x128xf32>
    %mul3A_48 = arith.mulf %sub3A_47, %sub3A_47 : vector<10000x128xf32>
    %reduce_sum3A_49 = arith.constant dense<0.000000e+00> : vector<128xf32>
    %reduce_sum3A_50 = vector.multi_reduction <add>, %mul3A_48, %reduce_sum3A_49 [0] : vector<10000x128xf32> to vector<128xf32>
    %broadcast_in_dim3A_51 = vector.shape_cast %reduce_sum3A_50 : vector<128xf32> to vector<1x128xf32>
    %div3A_52 = arith.constant 1.000000e+04 : f32
    %div3A_53 = vector.broadcast %div3A_52 : f32 to vector<1x128xf32>
    %div3A_54 = arith.divf %broadcast_in_dim3A_51, %div3A_53 : vector<1x128xf32>
    %add3A_55 = arith.constant 9.99999974E-6 : f32
    %add3A_56 = vector.broadcast %add3A_55 : f32 to vector<1x128xf32>
    %add3A_57 = arith.addf %div3A_54, %add3A_56 : vector<1x128xf32>
    %sqrt3A_58 = math.sqrt %add3A_57 : vector<1x128xf32>
    %div3A_59 = vector.broadcast %sqrt3A_58 : vector<1x128xf32> to vector<10000x128xf32>
    %div3A_60 = arith.divf %sub3A_47, %div3A_59 : vector<10000x128xf32>
    %swap3A_61 = arith.constant 0 : index
    %swap3A_62 = arith.constant 0 : index
    %swap3A_63 = vector.load %arg7[%swap3A_61, %swap3A_62] : memref<10000x128xf32, #tpu.memory_space<vmem>>, vector<10000x128xf32>
    tpu.vector_store %arg7[%swap3A_61, %swap3A_62], %div3A_60 {strides = array<i32>} : memref<10000x128xf32, #tpu.memory_space<vmem>>, vector<10000x128xf32>,
    return
  }
}

module attributes {stable_mosaic.version = 14 : i64} {
  func.func @_post_body(%arg0: memref<2x10000x128xf32, #tpu.memory_space<vmem>>, %arg1: memref<32x10000xf32, #tpu.memory_space<vmem>>, %arg2: memref<10000x128xf32, #tpu.memory_space<vmem>>, %arg3: memref<128x128xf32, #tpu.memory_space<vmem>>, %arg4: memref<128xf32, #tpu.memory_space<vmem>>, %arg5: memref<1xf32, #tpu.memory_space<vmem>>, %arg6: memref<10000x128xf32, #tpu.memory_space<vmem>>) attributes {dimension_semantics = [], scalar_prefetch = 0 : i64, scratch_operands = 0 : i64, tpu.core_type = #tpu.core_type<tc>} {
    %get3A = arith.constant 0 : index
    %get3A_0 = arith.constant 0 : index
    %get3A_1 = arith.constant 0 : index
    %get3A_2 = vector.load %arg0[%get3A, %get3A_0, %get3A_1] : memref<2x10000x128xf32, #tpu.memory_space<vmem>>, vector<1x10000x128xf32>
    %get3A_3 = vector.shape_cast %get3A_2 : vector<1x10000x128xf32> to vector<10000x128xf32>
    %get3A_4 = arith.constant 1 : index
    %get3A_5 = arith.constant 0 : index
    %get3A_6 = arith.constant 0 : index
    %get3A_7 = vector.load %arg0[%get3A_4, %get3A_5, %get3A_6] : memref<2x10000x128xf32, #tpu.memory_space<vmem>>, vector<1x10000x128xf32>
    %get3A_8 = vector.shape_cast %get3A_7 : vector<1x10000x128xf32> to vector<10000x128xf32>
    %add3A = arith.addf %get3A_3, %get3A_8 : vector<10000x128xf32>
    %get3A_9 = arith.constant 0 : index
    %get3A_10 = arith.constant 0 : index
    %get3A_11 = vector.load %arg1[%get3A_9, %get3A_10] : memref<32x10000xf32, #tpu.memory_space<vmem>>, vector<32x10000xf32>
    %reduce_sum3A = arith.constant dense<0.000000e+00> : vector<10000xf32>
    %reduce_sum3A_12 = vector.multi_reduction <add>, %get3A_11, %reduce_sum3A [0] : vector<32x10000xf32> to vector<10000xf32>
    %broadcast_in_dim3A = vector.shape_cast %reduce_sum3A_12 : vector<10000xf32> to vector<10000x1xf32>
    %div3A = vector.broadcast %broadcast_in_dim3A : vector<10000x1xf32> to vector<10000x128xf32>
    %div3A_13 = arith.divf %add3A, %div3A : vector<10000x128xf32>
    %get3A_14 = arith.constant 0 : index
    %get3A_15 = vector.load %arg5[%get3A_14] : memref<1xf32, #tpu.memory_space<vmem>>, vector<1xf32>
    %reshape3A = vector.shape_cast %get3A_15 : vector<1xf32> to vector<1x1xf32>
    %neg3A = arith.constant 0.000000e+00 : f32
    %neg3A_16 = vector.broadcast %neg3A : f32 to vector<1x1xf32>
    %neg3A_17 = arith.subf %neg3A_16, %reshape3A : vector<1x1xf32>
    %exp3A = math.exp %neg3A_17 : vector<1x1xf32>
    %add3A_18 = arith.constant 1.000000e+00 : f32
    %add3A_19 = vector.broadcast %add3A_18 : f32 to vector<1x1xf32>
    %add3A_20 = arith.addf %add3A_19, %exp3A : vector<1x1xf32>
    %div3A_21 = arith.constant 1.000000e+00 : f32
    %div3A_22 = vector.broadcast %div3A_21 : f32 to vector<1x1xf32>
    %div3A_23 = arith.divf %div3A_22, %add3A_20 : vector<1x1xf32>
    %mul3A = vector.broadcast %div3A_23 : vector<1x1xf32> to vector<10000x128xf32>
    %mul3A_24 = arith.mulf %mul3A, %div3A_13 : vector<10000x128xf32>
    %sub3A = arith.constant 1.000000e+00 : f32
    %sub3A_25 = vector.broadcast %sub3A : f32 to vector<1x1xf32>
    %sub3A_26 = arith.subf %sub3A_25, %div3A_23 : vector<1x1xf32>
    %get3A_27 = arith.constant 0 : index
    %get3A_28 = arith.constant 0 : index
    %get3A_29 = vector.load %arg2[%get3A_27, %get3A_28] : memref<10000x128xf32, #tpu.memory_space<vmem>>, vector<10000x128xf32>
    %mul3A_30 = vector.broadcast %sub3A_26 : vector<1x1xf32> to vector<10000x128xf32>
    %mul3A_31 = arith.mulf %mul3A_30, %get3A_29 : vector<10000x128xf32>
    %add3A_32 = arith.addf %mul3A_24, %mul3A_31 : vector<10000x128xf32>
    %get3A_33 = arith.constant 0 : index
    %get3A_34 = arith.constant 0 : index
    %get3A_35 = vector.load %arg3[%get3A_33, %get3A_34] : memref<128x128xf32, #tpu.memory_space<vmem>>, vector<128x128xf32>
    %dot_general3A = arith.constant dense<0.000000e+00> : vector<10000x128xf32>
    %dot_general3A_36 = tpu.matmul %add3A_32, %get3A_35, %dot_general3A {dimension_numbers = #tpu.dot_dimension_numbers<[1], [0], [0], [1], [0, 0, 1, 1], [], []>, transpose_lhs_hint = false} : vector<10000x128xf32>, vector<128x128xf32>, vector<10000x128xf32> -> vector<10000x128xf32>
    %get3A_37 = arith.constant 0 : index
    %get3A_38 = vector.load %arg4[%get3A_37] : memref<128xf32, #tpu.memory_space<vmem>>, vector<128xf32>
    %broadcast_in_dim3A_39 = vector.shape_cast %get3A_38 : vector<128xf32> to vector<1x128xf32>
    %add3A_40 = vector.broadcast %broadcast_in_dim3A_39 : vector<1x128xf32> to vector<10000x128xf32>
    %add3A_41 = arith.addf %dot_general3A_36, %add3A_40 : vector<10000x128xf32>
    %swap3A = arith.constant 0 : index
    %swap3A_42 = arith.constant 0 : index
    %swap3A_43 = vector.load %arg6[%swap3A, %swap3A_42] : memref<10000x128xf32, #tpu.memory_space<vmem>>, vector<10000x128xf32>
    tpu.vector_store %arg6[%swap3A, %swap3A_42], %add3A_41 {strides = array<i32>} : memref<10000x128xf32, #tpu.memory_space<vmem>>, vector<10000x128xf32>,
    return
  }
}

</mosaic_0001>

<sc_bundles>
// kernel: kernel.10.cloned.1.call-start
scs
__scs_entry_jumppad:
0x0: {  	(pc) =	sbr.rel $0x88, $3  }
0x1: {  	(tag) =	ssettag $0x0;
	lr =	simm.s32 $0x1  }
0x2: {  	[smem:$0x3F91] =	sst lr;
	_ =	strace $0xD0000000  }
0x3: {  	_ = 	snop  }
0x4: {  	_ = 	snop  }
0x5: {  	_ = 	snop  }
0x6: {  	_ = 	snop  }
0x7: {  	_ = 	snop  }
__scs_overlays_trampoline_lowered:
0x8: {  	[smem:$0x3FA0] =	sst s0  }
0x9: {  	[smem:$0x3FA1] =	sst s1  }
0xa: {  	[smem:$0x3FA2] =	sst s2  }
0xb: {  	[smem:$0x3FA3] =	sst s3  }
0xc: {  	[smem:$0x3FA4] =	sst s4  }
0xd: {  	[smem:$0x3FA5] =	sst s5  }
0xe: {  	[smem:$0x3FA6] =	sst s6  }
0xf: {  	[smem:$0x3FA7] =	sst s7  }
0x10: {  	[smem:$0x3FA8] =	sst s8  }
0x11: {  	[smem:$0x3FA9] =	sst s9;
	s0 =	simm.s32 @!p0 $0x0  }
0x12: {  	s1 =	sld [smem:$0x3F8F];
	s0 =	simm.s32 @p0 $0x1  }
0x13: {  	[smem:$0x3FAA] =	sst s0;
	s0 =	simm.s32 @!p1 $0x0  }
0x14: {  	s2 =	sld [smem:$0x3F8E];
	s0 =	simm.s32 @p1 $0x1  }
0x15: {  	[smem:$0x3FAB] =	sst s0;
	s0 =	simm.s32 @!p2 $0x0  }
0x16: {  	s3 =	sld [smem:$0x3FDB];
	s0 =	simm.s32 @p2 $0x1  }
0x17: {  	s4 =	simm.s32 $0x1BF5;
	[smem:$0x3FAD] =	sst s0  }
0x18: {  	s0 =	sld [smem:$0x3F90];
	_ =	swait.ge [sflag:s4], $0x0  }
0x19: {  	s7 =	sld [smem:$0x3F91]  }
0x1a: {  	s8 =	sadd.s32 $0xFFFFE003, lr  }
0x1b: {  	s9 =	sadd.s32 $0xFFFFFEF7, lr;
	s5 =	simm.s32 $0xFFFFFFFF;
	p2 =	slt.u32 s8, $0xFFFFF086  }
0x1c: {  	p1 =	slt.u32 s9, $0xF7A;
	s5 =	simm.s32 @!p2 $0x0  }
0x1d: {  	s5 =	simm.s32 @p1 $0x1;
	p0 =	seq.s32 s7, s2  }
0x1e: {  	s7 =	smul.u32 @!p0 $0xF7A, s2;
	p2 =	seq.s32 @!p0 s5, $0x0  }
0x1f: {  	s9 =	smul.u32 $0xF7A, s1;
	s8 =	simm.s32 @!p0 $0x1BF5;
	p2 =	por !p2, p0  }
0x20: {  	[sflag:s8] =	ssyncset.s32 @!p0 $0xFFFFF086;
	s6 =	sadd.s32 @!p0 s3, s7;
	s7 =	simm.s32 @!p0 $0x108  }
0x21: {  	s3 =	sadd.s32 s3, s9;
	s6 =	sadd.s32 @!p0 $0x88, s6;
	s7 =	simm.s32 @p2 $0x1082  }
0x22: {  	[simem:s7], [sflag:s8] =	dma.local @!p0 [hbm:s6], $0xF7A  }
0x23: {  	s9 =	sor.u32 $0xD0000000, s2;
	s6 =	simm.s32 $0x108;
	_ =	swait.ge @!p0 [sflag:s8], $0x0  }
0x24: {  	s3 =	sadd.s32 $0x88, s3;
	s6 =	simm.s32 @!p1 $0x1082;
	[sflag:s4] =	ssyncset.s32 $0xFFFFF086  }
0x25: {  	[simem:s6], [sflag:s4] =	dma.local [hbm:s3], $0xF7A  }
0x26: {  	[smem:$0x3F91] =	sst s1;
	(tag) =	ssettag s2;
	_ =	strace s9  }
0x27: {  	s1 =	sld [smem:$0x3FA1]  }
0x28: {  	s2 =	sld [smem:$0x3FA2]  }
0x29: {  	s4 =	sld [smem:$0x3FA4]  }
0x2a: {  	p0 =	seq.s32 s5, $0x0;
	s5 =	sld [smem:$0x3FA5]  }
0x2b: {  	s6 =	sld [smem:$0x3FA6]  }
0x2c: {  	s7 =	sld [smem:$0x3FA7]  }
0x2d: {  	s3 =	simm.s32 $0x108;
	s8 =	sld [smem:$0x3FA8]  }
0x2e: {  	s3 =	simm.s32 @!p0 $0x1082;
	s9 =	sld [smem:$0x3FA9]  }
0x2f: {  	lr =	sadd.s32 s0, s3;
	s0 =	sld [smem:$0x3FA0]  }
0x30: {  	s3 =	sld [smem:$0x3FA3]  }
0x31: {  	[smem:$0x3FAC] =	sst s10  }
0x32: {  	s10 =	sld [smem:$0x3FAA];
	_ =	sdelay $0x3  }
0x33: {  	p0 =	seq.s32 s10, $0x1;
	s10 =	sld [smem:$0x3FAC];
	_ =	sdelay $0x3  }
0x34: {  	[smem:$0x3FAC] =	sst s10  }
0x35: {  	s10 =	sld [smem:$0x3FAB];
	_ =	sdelay $0x3  }
0x36: {  	p1 =	seq.s32 s10, $0x1;
	s10 =	sld [smem:$0x3FAC];
	_ =	sdelay $0x3  }
0x37: {  	[smem:$0x3FAC] =	sst s10  }
0x38: {  	s10 =	sld [smem:$0x3FAD]  }
0x39: {  	_ = 	snop;
	(pc) =	sbr.ind lr, $3  }
0x3a: {  	_ = 	snop  }
0x3b: {  	_ = 	snop  }
0x3c: {  	p2 =	seq.s32 s10, $0x1;
	s10 =	sld [smem:$0x3FAC]  }
0x3d: {  	_ =	shalt  }
0x3e: {  	_ =	shalt  }
0x3f: {  	_ =	shalt  }
0x40: {  	_ =	shalt  }
0x41: {  	_ =	shalt  }
0x42: {  	_ =	shalt  }
0x43: {  	_ =	shalt  }
0x44: {  	_ =	shalt  }
0x45: {  	_ =	shalt  }
0x46: {  	_ =	shalt  }
0x47: {  	_ =	shalt  }
0x48: {  	_ =	shalt  }
0x49: {  	_ =	shalt  }
0x4a: {  	_ =	shalt  }
0x4b: {  	_ =	shalt  }
0x4c: {  	_ =	shalt  }
0x4d: {  	_ =	shalt  }
0x4e: {  	_ =	shalt  }
0x4f: {  	_ =	shalt  }
0x50: {  	_ =	shalt  }
0x51: {  	_ =	shalt  }
0x52: {  	_ =	shalt  }
0x53: {  	_ =	shalt  }
0x54: {  	_ =	shalt  }
0x55: {  	_ =	shalt  }
0x56: {  	_ =	shalt  }
0x57: {  	_ =	shalt  }
0x58: {  	_ =	shalt  }
0x59: {  	_ =	shalt  }
0x5a: {  	_ =	shalt  }
0x5b: {  	_ =	shalt  }
0x5c: {  	_ =	shalt  }
0x5d: {  	_ =	shalt  }
0x5e: {  	_ =	shalt  }
0x5f: {  	_ =	shalt  }
0x60: {  	_ =	shalt  }
0x61: {  	_ =	shalt  }
0x62: {  	_ =	shalt  }
0x63: {  	_ =	shalt  }
0x64: {  	_ =	shalt  }
0x65: {  	_ =	shalt  }
0x66: {  	_ =	shalt  }
0x67: {  	_ =	shalt  }
0x68: {  	_ =	shalt  }
0x69: {  	_ =	shalt  }
0x6a: {  	_ =	shalt  }
0x6b: {  	_ =	shalt  }
0x6c: {  	_ =	shalt  }
0x6d: {  	_ =	shalt  }
0x6e: {  	_ =	shalt  }
0x6f: {  	_ =	shalt  }
0x70: {  	_ =	shalt  }
0x71: {  	_ =	shalt  }
0x72: {  	_ =	shalt  }
0x73: {  	_ =	shalt  }
0x74: {  	_ =	shalt  }
0x75: {  	_ =	shalt  }
0x76: {  	_ =	shalt  }
0x77: {  	_ =	shalt  }
0x78: {  	_ =	shalt  }
0x79: {  	_ =	shalt  }
0x7a: {  	_ =	shalt  }
0x7b: {  	_ =	shalt  }
0x7c: {  	_ =	shalt  }
0x7d: {  	_ =	shalt  }
0x7e: {  	_ =	shalt  }
0x7f: {  	_ =	shalt  }
0x80: {  	_ =	shalt  }
0x81: {  	_ =	shalt  }
0x82: {  	_ =	shalt  }
0x83: {  	_ =	shalt  }
0x84: {  	_ =	shalt  }
0x85: {  	_ =	shalt  }
0x86: {  	_ =	shalt  }
0x87: {  	_ =	shalt  }
.Lfunc_end0:
.L_simem_size_0:
called_computation.1_lowered:
.L_overlay_start_0:
0x88: {  	s2 =	sld [smem:$0x3FD9]  }
0x89: {  	s3 =	sld [smem:$0x3FFE];
	_ =	sdelay $0x1  }
0x8a: {  	s1 =	srdreg.scid  }
0x8b: {  	s0 =	sand.u32 $0x1, s1  }
0x8c: {  	s17 =	sshll.u32 s0, $0xA;
	s2 =	sadd.s32 s3, s2  }
0x8d: {  	s2 =	sadd.s32 s2, s17  }
0x8e: {  	[smem:$0x3FB8] =	sst s2  }
0x8f: {  	_ = 	snop  }
0x90: {  	s2 =	sld [smem:$0x3FD0];
	(tm) =	ssettm $0x1  }
0x91: {  	s18 =	sld [smem:$0x3FFB];
	_ =	sdelay $0x3  }
0x92: {  	_ =	strace s18  }
0x93: {  	s3 =	sld [smem:$0x3FFC];
	_ =	sdelay $0x3  }
0x94: {  	_ =	strace s3  }
0x95: {  	s3 =	sld [smem:$0x3FFD];
	_ =	sdelay $0x3  }
0x96: {  	_ =	strace s3  }
0x97: {  	_ =	strace $0x8FFFFFFF  }
0x98: {  	s19 =	sld [smem:$0x3FDB];
	_ =	sdelay $0x1  }
0x99: {  	s4 =	simm.s32 $_scs_section_size  }
0x9a: {  	s5 =	simm.s32 $_size__tile_overlayer_lowered;
	s6 =	simm.s32 $_tile_overlayer_lowered  }
0x9b: {  	s22 =	simm.s32 $0x1BFF;
	s21 =	sshll.u32 s6, $0x1;
	s3 =	sadd.s32 s4, s19  }
0x9c: {  	s7 =	simm.s32 $0x0;
	s20 =	sshll.u32 s5, $0x1;
	s5 =	sadd.s32 s21, s3  }
0x9d: {  	[timem:s7], [sflag:s22] =	dma.local [hbm:s5], s20  }
0x9e: {  	_ =	swait.ge [sflag:s22], s20  }
0x9f: {  	s4 =	ssub.s32 $0x0, s20;
	[sflag:s22] =	ssyncset.done $0x0  }
0xa0: {  	[sflag:s22] =	ssyncadd.s32 s4;
	_ =	sdelay $0x1  }
0xa1: {  	s23 =	simm.s32 $0x1B8B  }
0xa2: {  	_ =	swait.ge [sflag:s23], $0x1  }
0xa3: {  	[sflag:s23] =	ssyncset.done $0x0  }
0xa4: {  	s25 =	simm.s32 $0x1B8E;
	s24 =	sld [smem:$0x3FFE];
	[sflag:s23] =	ssyncadd.s32 $0xFFFFFFFF  }
0xa5: {  	s26 =	simm.s32 $execute0_lowered;
	[smem:$0x3FD2] =	sst s25  }
0xa6: {  	s5 =	sshll.u32 s26, $0x1;
	_ =	strace $0x80000049;
	[dreg:$0x1] =	wrdreg $0xFFFFFFFF  }
0xa7: {  	s28 =	simm.s32 $_size_execute0_lowered;
	s3 =	sadd.s32 s3, s5;
	[dreg:$0x0] =	wrdreg $0x0  }
0xa8: {  	s5 =	sshll.u32 s28, $0x1;
	[dreg:$0x2] =	wrdreg s3  }
0xa9: {  	[dreg:$0x3] =	wrdreg s5  }
0xaa: {  	[dreg:$0x4] =	wrdreg $0xC0  }
0xab: {  	_ =	task [dreg:s7], $0x5FFFF  }
0xac: {  	[dreg:$0x1] =	wrdreg $0xFFFFFFFF  }
0xad: {  	[dreg:$0x0] =	wrdreg $0x60  }
0xae: {  	[dreg:$0x2] =	wrdreg s24  }
0xaf: {  	[dreg:$0x3] =	wrdreg s2  }
0xb0: {  	[dreg:$0x4] =	wrdreg $0x83000  }
0xb1: {  	[dreg:$0x5] =	wrdreg $0x9  }
0xb2: {  	_ =	task.clear_ibuf [dreg:s7], $0x6FFFF;
	_ =	strace $0x90000049  }
0xb3: {  	s29 =	simm.s32 $0x9;
	_ =	strace $0x8000004B  }
0xb4: {  	_ =	swait.ge [sflag:s29], $0x1  }
0xb5: {  	[sflag:s29] =	ssyncadd.s32 $0xFFFFFFFF  }
0xb6: {  	_ =	strace $0x9000004B  }
0xb7: {  	_ =	sfence  }
0xb8: {  	s30 =	sld [smem:$0x0];
	_ =	sdelay $0x2  }
0xb9: {  	s31 =	sshll.u32 s1, $0xD;
	s1 =	sshrl.u32 s1, $0x2  }
0xba: {  	s3 =	sand.u32 $0x4000, s31;
	s1 =	sadd.s32 s1, s30  }
0xbb: {  	s0 =	sor.u32 s3, s0;
	s1 =	sshll.u32 s1, $0x11  }
0xbc: {  	s0 =	sor.u32 s1, s0  }
0xbd: {  	s0 =	sadd.s32 $0x8F2B, s0  }
0xbe: {  	[sflag:s0] =	ssyncadd.remote.s32 $0x1  }
0xbf: {  	_ =	sfence.sel $0xFFFF  }
0xc0: {  	[dreg:$0x0] =	wrdreg $0xFFFFFFFF;
	(pc) =	sbr.abs _section_cstart, $3  }
0xc1: {  	[dreg:$0x1] =	wrdreg $0xFFFFFFFF  }
0xc2: {  	_ =	task.clear_ibuf [dreg:s7], $0x2FFFF;
	_ =	strace $0x9FFFFFFF  }
0xc3: {  	(tm) =	ssettm $0x7FFFFFFF  }
tec
execute0_lowered:
.L_overlay_start_1:
0x0: {  	(tag) =	ssettag $0x1  }
0x1: {  	s0 =	rddreg [dreg:$0x0]  }
0x2: {  	s1 =	rddreg [dreg:$0x1]  }
0x3: {  	s2 =	rddreg [dreg:$0x2];
	s21 =	simm.s32 $0x0;
	s3 =	srdreg.scid  }
0x4: {  	s9 =	stileid.u32;
	s28 =	simm.s32 $0x600;
	s31 =	simm.s32 $0x400  }
0x5: {  	[smem:$0x7FF] =	sst s21;
	s5 =	sadd.s32 $0x2B800, s0;
	s3 =	sand.u32 $0x1, s3  }
0x6: {  	s6 =	sadd.s32 $0x3600, s0;
	s8 =	sshll.u32 s9, $0x1;
	s9 =	smul.u32 $0x13880, s9  }
0x7: {  	s0 =	sadd.s32 $0x3F800, s0;
	_ =	strace $0x8000004A;
	s4 =	ssub.s32 $0x2, s3  }
0x8: {  	s25 =	sor.u32 s3, s8;
	s3 =	smul.u32 $0x138800, s3;
	s7 =	sshrl.u32 s4, $0x1  }
0x9: {  	s29 =	sadd.s32 s9, s2;
	s10 =	sadd.s32 $0x3E80, s9;
	s8 =	smul.u32 $0x2800, s25  }
0xa: {  	s30 =	sadd.s32 $0x7D00, s9;
	s11 =	sadd.s32 $0xBB80, s9;
	s13 =	sadd.s32 $0xFA00, s9  }
0xb: {  	s4 =	ssub.s32 s4, s7;
	s26 =	sadd.s32 s10, s2;
	s12 =	sadd.s32 s30, s2  }
0xc: {  	s16 =	sadd.s32 s11, s2;
	s14 =	sadd.s32 s13, s2;
	[dreg:$0x5] =	wrdreg s29  }
0xd: {  	s9 =	sadd.s32 s9, s3;
	s10 =	sadd.s32 s3, s10;
	[dreg:$0x6] =	wrdreg s26  }
0xe: {  	s7 =	sadd.s32 s3, s30;
	s11 =	sadd.s32 s3, s11;
	[dreg:$0x7] =	wrdreg s12  }
0xf: {  	s3 =	sadd.s32 s3, s13;
	s13 =	simm.s32 $0x9;
	[dreg:$0x8] =	wrdreg s16  }
0x10: {  	s17 =	sshrl.u32 s8, $0x3;
	[dreg:$0xa] =	wrdreg s14;
	s9 =	sshrl.u32 s9, $0x3  }
0x11: {  	s24 =	sshrl.u32 s10, $0x3;
	s7 =	sshrl.u32 s7, $0x3;
	s25 =	sshrl.u32 s11, $0x3  }
0x12: {  	s3 =	sshrl.u32 s3, $0x3;
	s30 =	smax.u32 s4, $0x1;
	s4 =	simm.s32 $0x180  }
0x13: {  	s16 =	simm.s32 $0x5;
	s12 =	sadd.s32 s6, s17;
	[dreg:$0x15] =	wrdreg s30  }
0x14: {  	s10 =	simm.s32 $0x4;
	s15 =	sadd.s32 s5, s17;
	[dreg:$0xc] =	wrdreg s12  }
0x15: {  	s11 =	simm.s32 $0x8;
	s9 =	sadd.s32 s0, s9;
	[dreg:$0x9] =	wrdreg s15  }
0x16: {  	s19 =	sor.u32 $0x10, s17;
	s7 =	sadd.s32 s0, s7;
	[dreg:$0x10] =	wrdreg s9  }
0x17: {  	s26 =	sadd.s32 s0, s25;
	s17 =	simm.s32 $0x2;
	[dreg:$0x12] =	wrdreg s7  }
0x18: {  	s25 =	simm.s32 $0x7;
	s18 =	sadd.s32 $0xA000, s15;
	[dreg:$0x13] =	wrdreg s26  }
0x19: {  	s20 =	sadd.s32 s5, s19;
	s22 =	sadd.s32 $0xA010, s15;
	[dreg:$0xb] =	wrdreg s18  }
0x1a: {  	s23 =	sadd.s32 s6, s19;
	s9 =	sadd.s32 s0, s24;
	[dreg:$0xd] =	wrdreg s20  }
0x1b: {  	s0 =	sadd.s32 s0, s3;
	s24 =	sor.u32 $0x200, s8;
	[dreg:$0xe] =	wrdreg s22  }
0x1c: {  	s26 =	sor.u32 $0x280, s8;
	s15 =	simm.s32 $0x7D;
	[dreg:$0xf] =	wrdreg s23  }
0x1d: {  	s19 =	simm.s32 $0x200;
	s12 =	simm.s32 $0x300;
	[dreg:$0x11] =	wrdreg s9  }
0x1e: {  	s7 =	simm.s32 $0x380;
	[dreg:$0x14] =	wrdreg s0;
	s18 =	simm.s32 $0x4480  }
0x1f: {  	v0 =	vimm.f32 $0.0e+00;
	s20 =	simm.s32 $0x280;
	s22 =	simm.s32 $0x6;
	s23 =	simm.s32 $0x3  }
.LBB2_1:
0x20: {  	[dreg:$0x4] =	wrdreg s21;
	s3 =	simm.s32 $0x0;
	s9 =	simm.s32 $0x200  }
.LBB2_2:
0x21: {  	p0 =	sne.s32 s9, $0xF800;
	[tilespmem:s3+$0x670] =	vst v0  }
0x22: {  	[tilespmem:s3+$0x600] =	vst v0  }
0x23: {  	[tilespmem:s3+$0x610] =	vst v0  }
.Ltmp0:
0x24: {  	[tilespmem:s3+$0x620] =	vst v0;
	(pc) =	sbr.rel @p0 .LBB2_2-.Ltmp0, $4  }
0x25: {  	[tilespmem:s3+$0x630] =	vst v0  }
0x26: {  	[tilespmem:s3+$0x640] =	vst v0  }
0x27: {  	[tilespmem:s3+$0x650] =	vst v0  }
0x28: {  	[tilespmem:s3+$0x660] =	vst v0;
	s3 =	sshra.s32 s9, $0x2;
	s9 =	sadd.s32 $0x200, s9  }
0x29: {  	[tilespmem:s3+$0x670] =	vst v0  }
0x2a: {  	[tilespmem:s3+$0x600] =	vst v0  }
0x2b: {  	[tilespmem:s3+$0x610] =	vst v0  }
0x2c: {  	[tilespmem:s3+$0x620] =	vst v0  }
0x2d: {  	[tilespmem:s3+$0x630] =	vst v0  }
0x2e: {  	[tilespmem:s3+$0x640] =	vst v0  }
0x2f: {  	[tilespmem:s3+$0x650] =	vst v0  }
0x30: {  	[tilespmem:s3+$0x660] =	vst v0  }
0x31: {  	[spmem:s29] =	stream.linear.scatter [tilespmem:s28], [sflag:$0x9], $0x3E80, $0x38;
	[tilespmem:$0x1BB80] =	vst v63  }
0x32: {  	_ =	swait.ge [sflag:s13], $0x3E80  }
0x33: {  	[sflag:s13] =	ssyncset.done $0x0  }
0x34: {  	s0 =	rddreg [dreg:$0x6];
	[sflag:s13] =	ssyncadd.s32 $0xFFFFC180  }
0x35: {  	[spmem:s0] =	stream.linear.scatter [tilespmem:s28], [sflag:$0x9], $0x3E80, $0x38;
	[tilespmem:$0x1BB80] =	vst v63  }
0x36: {  	_ =	swait.ge [sflag:s13], $0x3E80  }
0x37: {  	[sflag:s13] =	ssyncset.done $0x0  }
0x38: {  	s30 =	rddreg [dreg:$0x7];
	[sflag:s13] =	ssyncadd.s32 $0xFFFFC180  }
0x39: {  	[spmem:s30] =	stream.linear.scatter [tilespmem:s28], [sflag:$0x9], $0x3E80, $0x38;
	[tilespmem:$0x1BB80] =	vst v63  }
0x3a: {  	_ =	swait.ge [sflag:s13], $0x3E80  }
0x3b: {  	[sflag:s13] =	ssyncset.done $0x0  }
0x3c: {  	s3 =	rddreg [dreg:$0x8];
	[sflag:s13] =	ssyncadd.s32 $0xFFFFC180  }
0x3d: {  	[spmem:s3] =	stream.linear.scatter [tilespmem:s28], [sflag:$0x9], $0x3E80, $0x38;
	[tilespmem:$0x1BB80] =	vst v63  }
0x3e: {  	_ =	swait.ge [sflag:s13], $0x3E80  }
0x3f: {  	[sflag:s13] =	ssyncset.done $0x0  }
0x40: {  	s9 =	rddreg [dreg:$0xa];
	[sflag:s13] =	ssyncadd.s32 $0xFFFFC180  }
0x41: {  	[spmem:s9] =	stream.linear.scatter [tilespmem:s28], [sflag:$0x9], $0x3E80, $0x38;
	[tilespmem:$0x1BB80] =	vst v63  }
0x42: {  	_ =	swait.ge [sflag:s13], $0x3E80  }
0x43: {  	[sflag:s13] =	ssyncset.done $0x0  }
0x44: {  	[sflag:s13] =	ssyncadd.s32 $0xFFFFC180  }
0x45: {  	[bflag:$0x0] =	sbarrier.arrive $0xFFFF  }
0x46: {  	s13 =	simm.s32 $0x0;
	s14 =	rddreg [dreg:$0x9]  }
0x47: {  	[tilespmem:s13], [sflag:$0x1] =	stream.linear.gather [hbm4b:s14+s13], $0x80, $0x38;
	[tilespmem:$0x1BB80] =	vst v63  }
0x48: {  	s29 =	simm.s32 $0x80;
	s21 =	rddreg [dreg:$0xb]  }
0x49: {  	[tilespmem:s29], [sflag:$0x1] =	stream.linear.gather [hbm4b:s21+s13], $0x80, $0x38;
	[tilespmem:$0x1BB80] =	vst v63  }
0x4a: {  	s30 =	rddreg [dreg:$0xc]  }
0x4b: {  	[tilespmem:s31], [sflag:$0x1] =	stream.linear.gather [hbm4b:s30+s13], $0x80, $0x38;
	[tilespmem:$0x1BB80] =	vst v63  }
0x4c: {  	s9 =	simm.s32 $0x100;
	s3 =	rddreg [dreg:$0xd]  }
0x4d: {  	[tilespmem:s9], [sflag:$0x2] =	stream.linear.gather [hbm4b:s3+s13], $0x80, $0x38;
	[tilespmem:$0x1BB80] =	vst v63  }
0x4e: {  	s14 =	rddreg [dreg:$0xe]  }
0x4f: {  	[tilespmem:s4], [sflag:$0x2] =	stream.linear.gather [hbm4b:s14+s13], $0x80, $0x38;
	[tilespmem:$0x1BB80] =	vst v63  }
0x50: {  	s21 =	rddreg [dreg:$0xf];
	s29 =	simm.s32 $0x480;
	s30 =	simm.s32 $0x1  }
0x51: {  	[tilespmem:s29], [sflag:$0x2] =	stream.linear.gather [hbm4b:s21+s13], $0x80, $0x38;
	[tilespmem:$0x1BB80] =	vst v63  }
0x52: {  	_ =	swait.ge [sflag:s30], $0x80  }
0x53: {  	[sflag:s30] =	ssyncset.done $0x0  }
0x54: {  	[sflag:s30] =	ssyncadd.s32 $0xFFFFFF80  }
0x55: {  	_ =	swait.ge [sflag:s30], $0x80  }
0x56: {  	[sflag:s30] =	ssyncset.done $0x0  }
0x57: {  	[sflag:s30] =	ssyncadd.s32 $0xFFFFFF80  }
0x58: {  	_ =	swait.ge [sflag:s30], $0x80  }
0x59: {  	[sflag:s30] =	ssyncset.done $0x0  }
0x5a: {  	s14 =	simm.s32 $0x0;
	[sflag:s30] =	ssyncadd.s32 $0xFFFFFF80  }
0x5b: {  	[tilespmem:s28], [sflag:$0x5] =	stream.indirect.gather [hbm4b:s1+s15], $0x80, s13, s15, $0xb8;
	[tilespmem:$0x1BB80] =	vst v63  }
.LBB2_4:
0x5c: {  	_ =	swait.ge [sflag:s16], $0x3E80  }
0x5d: {  	[sflag:s16] =	ssyncset.done $0x0  }
0x5e: {  	[sflag:s16] =	ssyncadd.s32 $0xFFFFC180  }
0x5f: {  	_ =	swait.ge [sflag:s17], $0x80  }
0x60: {  	[sflag:s17] =	ssyncset.done $0x0  }
0x61: {  	[sflag:s17] =	ssyncadd.s32 $0xFFFFFF80  }
0x62: {  	_ =	swait.ge [sflag:s17], $0x80  }
0x63: {  	[sflag:s17] =	ssyncset.done $0x0  }
0x64: {  	[sflag:s17] =	ssyncadd.s32 $0xFFFFFF80  }
0x65: {  	_ =	swait.ge [sflag:s17], $0x80  }
0x66: {  	p0 =	seq.s32 s14, $0x0;
	[sflag:s17] =	ssyncset.done $0x0  }
0x67: {  	s9 =	simm.s32 @!p0 $0x8;
	[sflag:s17] =	ssyncadd.s32 $0xFFFFFF80  }
0x68: {  	_ =	swait.ge @!p0 [sflag:s9], $0x3E80  }
0x69: {  	s3 =	sshll.u32 s14, $0x9;
	[sflag:s9] =	ssyncset.done @!p0 $0x0  }
0x6a: {  	s0 =	simm.s32 $0x100;
	s29 =	sadd.s32 s3, s8;
	[sflag:s9] =	ssyncadd.s32 @!p0 $0xFFFFC180  }
0x6b: {  	[tilespmem:s18], [sflag:$0x6] =	stream.indirect.gather [hbm4b:s1+s15], $0x80, s0, s15, $0xb8;
	[tilespmem:$0x1BB80] =	vst v63  }
0x6c: {  	s0 =	sadd.s32 $0x100, s29  }
0x6d: {  	s9 =	sshrl.u32 s0, $0x3  }
0x6e: {  	s21 =	sadd.s32 s5, s9  }
0x6f: {  	[tilespmem:s19], [sflag:$0x3] =	stream.linear.gather [hbm4b:s21+s13], $0x80, $0x38;
	[tilespmem:$0x1BB80] =	vst v63  }
0x70: {  	s21 =	sadd.s32 $0xA000, s21  }
0x71: {  	[tilespmem:s20], [sflag:$0x3] =	stream.linear.gather [hbm4b:s21+s13], $0x80, $0x38;
	[tilespmem:$0x1BB80] =	vst v63  }
0x72: {  	s9 =	sadd.s32 s6, s9;
	s21 =	simm.s32 $0x500  }
0x73: {  	v1 =	vmov s13;
	[tilespmem:s21], [sflag:$0x3] =	stream.linear.gather [hbm4b:s9+s13], $0x80, $0x38;
	[tilespmem:$0x1BB80] =	vst v63  }
0x74: {  	s21 =	simm.s32 $0x640  }
0x75: {  	v5 =	vld [tilespmem:s21+$0x30]  }
0x76: {  	v8 =	vld [tilespmem:s21+$0x10]  }
0x77: {  	v6 =	vld [tilespmem:s21+$0xFFFFFFC0]  }
0x78: {  	v2 =	vld.idx.msk [tilespmem:v1+s31+$0x0], $0xffff  }
0x79: {  	v10 =	vld [tilespmem:s21+$0xFFFFFFE0]  }
0x7a: {  	v1 =	vld [tilespmem:s21+$0xFFFFFFF0]  }
0x7b: {  	v3 =	vld [tilespmem:s21+$0x20]  }
0x7c: {  	v4 =	vld [tilespmem:s21+$0xFFFFFFD0]  }
0x7d: {  	v9 =	vmul.f32 v5, v2;
	v5 =	vld [tilespmem:s21+$0x0]  }
0x7e: {  	v7 =	vmul.f32 v6, v2  }
0x7f: {  	s30 =	simm.s32 $0x640;
	s9 =	simm.s32 $0x1;
	v6 =	vmul.f32 v10, v2;
	v8 =	vmul.f32 v8, v2  }
.LBB2_5:
0x80: {  	p0 =	sne.s32 s9, $0x7C  }
0x81: {  	v4 =	vmul.f32 v4, v2;
	v3 =	vmul.f32 v3, v2;
	[tilespmem:s21+$0x30] =	vst v9;
	s30 =	sadd.s32 $0x80, s30;
	s0 =	smov.u32 s9;
	s9 =	sadd.s32 $0x1, s9  }
0x82: {  	[tilespmem:s21+$0xFFFFFFC0] =	vst v7;
	v7 =	vmul.f32 v1, v2;
	v2 =	vmul.f32 v5, v2  }
0x83: {  	[tilespmem:s21+$0x10] =	vst v8  }
0x84: {  	v5 =	vmov s0;
	[tilespmem:s21+$0xFFFFFFE0] =	vst v6  }
0x85: {  	v1 =	vld [tilespmem:s30+$0xFFFFFFF0];
	[tilespmem:s21+$0xFFFFFFF0] =	vst v7  }
0x86: {  	v6 =	vld [tilespmem:s30+$0x30];
	[tilespmem:s21+$0x0] =	vst v2  }
0x87: {  	v8 =	vld [tilespmem:s30+$0x10];
	[tilespmem:s21+$0x20] =	vst v3  }
0x88: {  	v7 =	vld [tilespmem:s30+$0xFFFFFFC0];
	[tilespmem:s21+$0xFFFFFFD0] =	vst v4;
	s21 =	smov.u32 s30  }
0x89: {  	v2 =	vld.idx.msk [tilespmem:v5+s31+$0x0], $0xffff  }
0x8a: {  	v10 =	vld [tilespmem:s30+$0xFFFFFFE0]  }
0x8b: {  	v3 =	vld [tilespmem:s30+$0x20]  }
.Ltmp1:
0x8c: {  	v4 =	vld [tilespmem:s30+$0xFFFFFFD0];
	(pc) =	sbr.rel @p0 .LBB2_5-.Ltmp1, $3  }
0x8d: {  	v5 =	vld [tilespmem:s30+$0x0];
	_ =	sdelay $0x1  }
0x8e: {  	v7 =	vmul.f32 v7, v2;
	v9 =	vmul.f32 v6, v2  }
0x8f: {  	v8 =	vmul.f32 v8, v2;
	v6 =	vmul.f32 v10, v2  }
0x90: {  	[tilespmem:s21+$0x30] =	vst v9  }
0x91: {  	[tilespmem:s21+$0xFFFFFFC0] =	vst v7  }
0x92: {  	v1 =	vmul.f32 v1, v2;
	[tilespmem:s21+$0x10] =	vst v8  }
0x93: {  	v3 =	vmul.f32 v3, v2;
	[tilespmem:s21+$0xFFFFFFE0] =	vst v6  }
0x94: {  	v5 =	vmul.f32 v5, v2;
	[tilespmem:s21+$0xFFFFFFF0] =	vst v1  }
0x95: {  	v1 =	vmul.f32 v4, v2;
	[tilespmem:s21+$0x20] =	vst v3  }
0x96: {  	[tilespmem:s21+$0x0] =	vst v5  }
0x97: {  	s0 =	simm.s32 $0x80;
	[tilespmem:s21+$0xFFFFFFD0] =	vst v1  }
0x98: {  	[spmem:s2] =	stream.indirect.scatter.add.f32 [tilespmem:s28], [sflag:$0x7], $0x80, s0, s15, $0xb8;
	[tilespmem:$0x1BB80] =	vst v63  }
0x99: {  	_ =	swait.ge [sflag:s22], $0x3E80  }
0x9a: {  	[sflag:s22] =	ssyncset.done $0x0  }
0x9b: {  	[sflag:s22] =	ssyncadd.s32 $0xFFFFC180  }
0x9c: {  	_ =	swait.ge [sflag:s23], $0x80  }
0x9d: {  	[sflag:s23] =	ssyncset.done $0x0  }
0x9e: {  	[sflag:s23] =	ssyncadd.s32 $0xFFFFFF80  }
0x9f: {  	_ =	swait.ge [sflag:s23], $0x80  }
0xa0: {  	[sflag:s23] =	ssyncset.done $0x0  }
0xa1: {  	[sflag:s23] =	ssyncadd.s32 $0xFFFFFF80  }
0xa2: {  	_ =	swait.ge [sflag:s23], $0x80  }
0xa3: {  	[sflag:s23] =	ssyncset.done $0x0  }
0xa4: {  	[sflag:s23] =	ssyncadd.s32 $0xFFFFFF80  }
0xa5: {  	_ =	swait.ge [sflag:s25], $0x3E80  }
0xa6: {  	s21 =	sadd.s32 $0x180, s29;
	[sflag:s25] =	ssyncset.done $0x0  }
0xa7: {  	s9 =	simm.s32 $0x0;
	s0 =	sshrl.u32 s21, $0x3;
	[sflag:s25] =	ssyncadd.s32 $0xFFFFC180  }
0xa8: {  	v1 =	vmov s9;
	[tilespmem:s28], [sflag:$0x5] =	stream.indirect.gather [hbm4b:s1+s15], $0x80, s19, s15, $0xb8;
	[tilespmem:$0x1BB80] =	vst v63  }
0xa9: {  	v1 =	vand.u32 $0x7F, v1;
	s30 =	sadd.s32 s5, s0  }
0xaa: {  	v1 =	vor.u32 $0x80, v1;
	[tilespmem:s12], [sflag:$0x4] =	stream.linear.gather [hbm4b:s30+s9], $0x80, $0x38;
	[tilespmem:$0x1BB80] =	vst v63  }
0xab: {  	s21 =	sadd.s32 $0xA000, s30;
	v1 =	vbroadcast v1, $0x0  }
0xac: {  	[tilespmem:s7], [sflag:$0x4] =	stream.linear.gather [hbm4b:s21+s9], $0x80, $0x38;
	[tilespmem:$0x1BB80] =	vst v63  }
0xad: {  	s29 =	simm.s32 $0x44F0;
	s0 =	sadd.s32 s6, s0;
	s30 =	simm.s32 $0x580  }
0xae: {  	[tilespmem:s30], [sflag:$0x4] =	stream.linear.gather [hbm4b:s0+s9], $0x80, $0x38;
	[tilespmem:$0x1BB80] =	vst v63  }
0xaf: {  	v5 =	vld [tilespmem:s29+$0x0]  }
0xb0: {  	v8 =	vld [tilespmem:s29+$0xFFFFFFE0]  }
0xb1: {  	v1 =	vld.idx.msk [tilespmem:v1+s31+$0x0], $0xffff  }
0xb2: {  	v6 =	vld [tilespmem:s29+$0xFFFFFF90]  }
0xb3: {  	v11 =	vld [tilespmem:s29+$0xFFFFFFB0]  }
0xb4: {  	v2 =	vld [tilespmem:s29+$0xFFFFFFF0]  }
0xb5: {  	v3 =	vld [tilespmem:s29+$0xFFFFFFC0]  }
0xb6: {  	v4 =	vld [tilespmem:s29+$0xFFFFFFA0]  }
0xb7: {  	v9 =	vmul.f32 v5, v1;
	v5 =	vld [tilespmem:s29+$0xFFFFFFD0]  }
0xb8: {  	s30 =	simm.s32 $0x1;
	v7 =	vmul.f32 v6, v1  }
0xb9: {  	s21 =	simm.s32 $0x2;
	s9 =	simm.s32 $0x44F0;
	v10 =	vmov s30;
	v6 =	vmul.f32 v11, v1;
	v8 =	vmul.f32 v8, v1  }
.LBB2_7:
0xba: {  	p0 =	sne.s32 s21, $0x7C  }
0xbb: {  	v10 =	vand.u32 $0x7F, v10;
	v4 =	vmul.f32 v4, v1;
	v11 =	vmul.f32 v2, v1;
	[tilespmem:s29+$0x0] =	vst v9;
	s9 =	sadd.s32 $0x80, s9;
	s0 =	smov.u32 s21;
	s21 =	sadd.s32 $0x1, s21  }
0xbc: {  	v3 =	vmul.f32 v3, v1;
	v2 =	vor.u32 $0x80, v10;
	[tilespmem:s29+$0xFFFFFF90] =	vst v7;
	v1 =	vmul.f32 v5, v1  }
0xbd: {  	v5 =	vbroadcast v2, $0x0;
	[tilespmem:s29+$0xFFFFFFE0] =	vst v8  }
0xbe: {  	[tilespmem:s29+$0xFFFFFFB0] =	vst v6  }
0xbf: {  	v2 =	vld [tilespmem:s9+$0xFFFFFFF0];
	[tilespmem:s29+$0xFFFFFFC0] =	vst v3  }
0xc0: {  	v6 =	vld [tilespmem:s9+$0x0];
	[tilespmem:s29+$0xFFFFFFD0] =	vst v1  }
0xc1: {  	v3 =	vld [tilespmem:s9+$0xFFFFFFC0];
	[tilespmem:s29+$0xFFFFFFF0] =	vst v11  }
0xc2: {  	v8 =	vld [tilespmem:s9+$0xFFFFFFE0];
	[tilespmem:s29+$0xFFFFFFA0] =	vst v4;
	s29 =	smov.u32 s9  }
0xc3: {  	v1 =	vld.idx.msk [tilespmem:v5+s31+$0x0], $0xffff  }
0xc4: {  	v7 =	vld [tilespmem:s9+$0xFFFFFF90]  }
0xc5: {  	v11 =	vld [tilespmem:s9+$0xFFFFFFB0]  }
.Ltmp2:
0xc6: {  	v4 =	vld [tilespmem:s9+$0xFFFFFFA0];
	(pc) =	sbr.rel @p0 .LBB2_7-.Ltmp2, $3  }
0xc7: {  	v5 =	vld [tilespmem:s9+$0xFFFFFFD0];
	_ =	sdelay $0x1  }
0xc8: {  	v9 =	vmul.f32 v6, v1;
	v7 =	vmul.f32 v7, v1  }
0xc9: {  	v10 =	vmov s0;
	v8 =	vmul.f32 v8, v1;
	v6 =	vmul.f32 v11, v1  }
0xca: {  	[tilespmem:s29+$0x0] =	vst v9;
	v9 =	vand.u32 $0x7F, v10  }
0xcb: {  	[tilespmem:s29+$0xFFFFFF90] =	vst v7;
	v7 =	vor.u32 $0x80, v9  }
0xcc: {  	v3 =	vmul.f32 v3, v1;
	[tilespmem:s29+$0xFFFFFFE0] =	vst v8;
	v7 =	vbroadcast v7, $0x0  }
0xcd: {  	s0 =	sadd.s32 $0x80, s9;
	v5 =	vmul.f32 v5, v1;
	[tilespmem:s29+$0xFFFFFFB0] =	vst v6  }
0xce: {  	v2 =	vmul.f32 v2, v1;
	v6 =	vld [tilespmem:s0+$0xFFFFFFF0];
	[tilespmem:s29+$0xFFFFFFC0] =	vst v3  }
0xcf: {  	v1 =	vmul.f32 v4, v1;
	v3 =	vld [tilespmem:s0+$0x0];
	[tilespmem:s29+$0xFFFFFFD0] =	vst v5  }
0xd0: {  	v4 =	vld [tilespmem:s0+$0xFFFFFFC0];
	[tilespmem:s29+$0xFFFFFFF0] =	vst v2  }
0xd1: {  	[tilespmem:s29+$0xFFFFFFA0] =	vst v1  }
0xd2: {  	v1 =	vld.idx.msk [tilespmem:v7+s31+$0x0], $0xffff  }
0xd3: {  	v2 =	vld [tilespmem:s0+$0xFFFFFF90]  }
0xd4: {  	v5 =	vld [tilespmem:s0+$0xFFFFFFE0]  }
0xd5: {  	v7 =	vld [tilespmem:s0+$0xFFFFFFB0];
	_ =	sdelay $0x1  }
0xd6: {  	v8 =	vld [tilespmem:s0+$0xFFFFFFD0];
	v3 =	vmul.f32 v3, v1  }
0xd7: {  	v2 =	vmul.f32 v2, v1  }
0xd8: {  	v9 =	vld [tilespmem:s0+$0xFFFFFFA0];
	v5 =	vmul.f32 v5, v1;
	[tilespmem:s0+$0x0] =	vst v3  }
0xd9: {  	v3 =	vmul.f32 v7, v1;
	[tilespmem:s0+$0xFFFFFF90] =	vst v2  }
0xda: {  	v2 =	vmul.f32 v4, v1;
	[tilespmem:s0+$0xFFFFFFE0] =	vst v5  }
0xdb: {  	v4 =	vmul.f32 v8, v1;
	[tilespmem:s0+$0xFFFFFFB0] =	vst v3  }
0xdc: {  	v3 =	vmul.f32 v6, v1;
	[tilespmem:s0+$0xFFFFFFC0] =	vst v2  }
0xdd: {  	v1 =	vmul.f32 v9, v1;
	[tilespmem:s0+$0xFFFFFFD0] =	vst v4  }
0xde: {  	[tilespmem:s0+$0xFFFFFFF0] =	vst v3  }
0xdf: {  	[tilespmem:s0+$0xFFFFFFA0] =	vst v1  }
0xe0: {  	[spmem:s2] =	stream.indirect.scatter.add.f32 [tilespmem:s18], [sflag:$0x8], $0x80, s4, s15, $0xb8;
	[tilespmem:$0x1BB80] =	vst v63  }
0xe1: {  	_ =	swait.ge [sflag:s16], $0x3E80  }
0xe2: {  	[sflag:s16] =	ssyncset.done $0x0  }
0xe3: {  	[sflag:s16] =	ssyncadd.s32 $0xFFFFC180  }
0xe4: {  	_ =	swait.ge [sflag:s10], $0x80  }
0xe5: {  	[sflag:s10] =	ssyncset.done $0x0  }
0xe6: {  	[sflag:s10] =	ssyncadd.s32 $0xFFFFFF80  }
0xe7: {  	_ =	swait.ge [sflag:s10], $0x80  }
0xe8: {  	[sflag:s10] =	ssyncset.done $0x0  }
0xe9: {  	[sflag:s10] =	ssyncadd.s32 $0xFFFFFF80  }
0xea: {  	_ =	swait.ge [sflag:s10], $0x80  }
0xeb: {  	[sflag:s10] =	ssyncset.done $0x0  }
0xec: {  	[sflag:s10] =	ssyncadd.s32 $0xFFFFFF80  }
0xed: {  	p0 =	seq.s32 s14, $0x13;
	_ =	swait.ge [sflag:s11], $0x3E80  }
0xee: {  	s0 =	sadd.s32 @!p0 s3, s24;
	[sflag:s11] =	ssyncset.done $0x0  }
0xef: {  	s29 =	simm.s32 $0x0;
	s0 =	sshrl.u32 @!p0 s0, $0x3;
	[sflag:s11] =	ssyncadd.s32 $0xFFFFC180  }
0xf0: {  	[tilespmem:s18], [sflag:$0x6] =	stream.indirect.gather [hbm4b:s1+s15], $0x80, s12, s15, $0xb8;
	[tilespmem:$0x1BB80] =	vst v63  }
0xf1: {  	s21 =	simm.s32 @!p0 $0x0;
	v1 =	vmov s29;
	s9 =	sadd.s32 @!p0 s5, s0  }
0xf2: {  	v1 =	vand.u32 $0x7F, v1;
	[tilespmem:s21], [sflag:$0x1] =	stream.linear.gather @!p0 [hbm4b:s9+s21], $0x80, $0x38;
	[tilespmem:$0x1BB80] =	vst v63  }
0xf3: {  	s29 =	simm.s32 @!p0 $0x80;
	v1 =	vor.u32 $0x100, v1;
	s9 =	sadd.s32 @!p0 $0xA000, s9  }
0xf4: {  	v1 =	vbroadcast v1, $0x0;
	[tilespmem:s29], [sflag:$0x1] =	stream.linear.gather @!p0 [hbm4b:s9+s21], $0x80, $0x38;
	[tilespmem:$0x1BB80] =	vst v63  }
0xf5: {  	s0 =	sadd.s32 @!p0 s6, s0;
	s9 =	simm.s32 @!p0 $0x400;
	s29 =	simm.s32 $0x640  }
0xf6: {  	[tilespmem:s9], [sflag:$0x1] =	stream.linear.gather @!p0 [hbm4b:s0+s21], $0x80, $0x38;
	[tilespmem:$0x1BB80] =	vst v63  }
0xf7: {  	v5 =	vld [tilespmem:s29+$0x30]  }
0xf8: {  	v8 =	vld [tilespmem:s29+$0x10]  }
0xf9: {  	v6 =	vld [tilespmem:s29+$0xFFFFFFC0]  }
0xfa: {  	v2 =	vld.idx.msk [tilespmem:v1+s31+$0x0], $0xffff  }
0xfb: {  	v11 =	vld [tilespmem:s29+$0xFFFFFFE0]  }
0xfc: {  	v1 =	vld [tilespmem:s29+$0xFFFFFFF0]  }
0xfd: {  	v3 =	vld [tilespmem:s29+$0x20]  }
0xfe: {  	v4 =	vld [tilespmem:s29+$0xFFFFFFD0]  }
0xff: {  	v9 =	vmul.f32 v5, v2;
	v5 =	vld [tilespmem:s29+$0x0]  }
0x100: {  	s30 =	simm.s32 $0x1;
	v7 =	vmul.f32 v6, v2  }
0x101: {  	v10 =	vmov s30;
	s9 =	simm.s32 $0x2;
	s21 =	simm.s32 $0x640;
	v6 =	vmul.f32 v11, v2;
	v8 =	vmul.f32 v8, v2  }
.LBB2_9:
0x102: {  	p0 =	sne.s32 s9, $0x7C  }
0x103: {  	v10 =	vand.u32 $0x7F, v10;
	v4 =	vmul.f32 v4, v2;
	v3 =	vmul.f32 v3, v2;
	[tilespmem:s29+$0x30] =	vst v9;
	s21 =	sadd.s32 $0x80, s21;
	s0 =	smov.u32 s9;
	s9 =	sadd.s32 $0x1, s9  }
0x104: {  	v9 =	vor.u32 $0x100, v10;
	[tilespmem:s29+$0xFFFFFFC0] =	vst v7;
	v7 =	vmul.f32 v1, v2;
	v2 =	vmul.f32 v5, v2  }
0x105: {  	v5 =	vbroadcast v9, $0x0;
	[tilespmem:s29+$0x10] =	vst v8  }
0x106: {  	[tilespmem:s29+$0xFFFFFFE0] =	vst v6  }
0x107: {  	v1 =	vld [tilespmem:s21+$0xFFFFFFF0];
	[tilespmem:s29+$0xFFFFFFF0] =	vst v7  }
0x108: {  	v6 =	vld [tilespmem:s21+$0x30];
	[tilespmem:s29+$0x0] =	vst v2  }
0x109: {  	v8 =	vld [tilespmem:s21+$0x10];
	[tilespmem:s29+$0x20] =	vst v3  }
0x10a: {  	v7 =	vld [tilespmem:s21+$0xFFFFFFC0];
	[tilespmem:s29+$0xFFFFFFD0] =	vst v4;
	s29 =	smov.u32 s21  }
0x10b: {  	v2 =	vld.idx.msk [tilespmem:v5+s31+$0x0], $0xffff  }
0x10c: {  	v11 =	vld [tilespmem:s21+$0xFFFFFFE0]  }
0x10d: {  	v3 =	vld [tilespmem:s21+$0x20]  }
.Ltmp3:
0x10e: {  	v4 =	vld [tilespmem:s21+$0xFFFFFFD0];
	(pc) =	sbr.rel @p0 .LBB2_9-.Ltmp3, $3  }
0x10f: {  	v5 =	vld [tilespmem:s21+$0x0];
	_ =	sdelay $0x1  }
0x110: {  	v7 =	vmul.f32 v7, v2;
	v9 =	vmul.f32 v6, v2  }
0x111: {  	v10 =	vmov s0;
	v8 =	vmul.f32 v8, v2;
	v6 =	vmul.f32 v11, v2  }
0x112: {  	[tilespmem:s29+$0xFFFFFFC0] =	vst v7;
	v7 =	vand.u32 $0x7F, v10  }
0x113: {  	[tilespmem:s29+$0x30] =	vst v9;
	v7 =	vor.u32 $0x100, v7  }
0x114: {  	v1 =	vmul.f32 v1, v2;
	[tilespmem:s29+$0xFFFFFFE0] =	vst v6;
	v6 =	vbroadcast v7, $0x0  }
0x115: {  	s0 =	sadd.s32 $0x80, s21;
	[tilespmem:s29+$0x10] =	vst v8;
	v5 =	vmul.f32 v5, v2  }
0x116: {  	v3 =	vmul.f32 v3, v2;
	v7 =	vld [tilespmem:s0+$0xFFFFFFF0];
	[tilespmem:s29+$0xFFFFFFF0] =	vst v1  }
0x117: {  	v2 =	vmul.f32 v4, v2;
	v1 =	vld [tilespmem:s0+$0x30];
	[tilespmem:s29+$0x0] =	vst v5  }
0x118: {  	v4 =	vld [tilespmem:s0+$0x10];
	[tilespmem:s29+$0x20] =	vst v3  }
0x119: {  	v3 =	vld [tilespmem:s0+$0xFFFFFFC0];
	[tilespmem:s29+$0xFFFFFFD0] =	vst v2  }
0x11a: {  	v2 =	vld.idx.msk [tilespmem:v6+s31+$0x0], $0xffff;
	_ =	sdelay $0x2  }
0x11b: {  	v5 =	vld [tilespmem:s0+$0xFFFFFFE0];
	_ =	sdelay $0x1  }
0x11c: {  	v6 =	vld [tilespmem:s0+$0x0];
	v1 =	vmul.f32 v1, v2  }
0x11d: {  	v8 =	vld [tilespmem:s0+$0x20];
	v3 =	vmul.f32 v3, v2  }
0x11e: {  	v9 =	vld [tilespmem:s0+$0xFFFFFFD0];
	v4 =	vmul.f32 v4, v2;
	[tilespmem:s0+$0x30] =	vst v1  }
0x11f: {  	v1 =	vmul.f32 v5, v2;
	[tilespmem:s0+$0xFFFFFFC0] =	vst v3  }
0x120: {  	v3 =	vmul.f32 v7, v2;
	[tilespmem:s0+$0x10] =	vst v4  }
0x121: {  	v4 =	vmul.f32 v6, v2;
	[tilespmem:s0+$0xFFFFFFE0] =	vst v1  }
0x122: {  	v1 =	vmul.f32 v8, v2;
	[tilespmem:s0+$0xFFFFFFF0] =	vst v3  }
0x123: {  	v2 =	vmul.f32 v9, v2;
	[tilespmem:s0+$0x0] =	vst v4  }
0x124: {  	[tilespmem:s0+$0x20] =	vst v1  }
0x125: {  	[tilespmem:s0+$0xFFFFFFD0] =	vst v2  }
0x126: {  	[spmem:s2] =	stream.indirect.scatter.add.f32 [tilespmem:s28], [sflag:$0x7], $0x80, s20, s15, $0xb8;
	[tilespmem:$0x1BB80] =	vst v63  }
0x127: {  	_ =	swait.ge [sflag:s22], $0x3E80  }
0x128: {  	p0 =	sne.s32 s14, $0x13;
	[sflag:s22] =	ssyncset.done $0x0  }
0x129: {  	s0 =	simm.s32 @p0 $0x1;
	[sflag:s22] =	ssyncadd.s32 $0xFFFFC180  }
0x12a: {  	_ =	swait.ge @p0 [sflag:s0], $0x80  }
0x12b: {  	[sflag:s0] =	ssyncset.done @p0 $0x0  }
0x12c: {  	[sflag:s0] =	ssyncadd.s32 @p0 $0xFFFFFF80  }
0x12d: {  	_ =	swait.ge @p0 [sflag:s0], $0x80  }
0x12e: {  	[sflag:s0] =	ssyncset.done @p0 $0x0  }
0x12f: {  	[sflag:s0] =	ssyncadd.s32 @p0 $0xFFFFFF80  }
0x130: {  	_ =	swait.ge @p0 [sflag:s0], $0x80  }
0x131: {  	[sflag:s0] =	ssyncset.done @p0 $0x0  }
0x132: {  	[sflag:s0] =	ssyncadd.s32 @p0 $0xFFFFFF80;
	s0 =	simm.s32 @p0 $0x7  }
0x133: {  	_ =	swait.ge @p0 [sflag:s0], $0x3E80  }
0x134: {  	s9 =	simm.s32 @p0 $0x0;
	[sflag:s0] =	ssyncset.done @p0 $0x0  }
0x135: {  	s21 =	simm.s32 @p0 $0x600;
	[sflag:s0] =	ssyncadd.s32 @p0 $0xFFFFC180;
	s0 =	simm.s32 @p0 $0x7D  }
0x136: {  	[tilespmem:s21], [sflag:$0x5] =	stream.indirect.gather @p0 [hbm4b:s1+s0], $0x80, s9, s0, $0xb8;
	[tilespmem:$0x1BB80] =	vst v63  }
0x137: {  	s0 =	sadd.s32 @p0 s3, s26  }
0x138: {  	s0 =	sshrl.u32 @p0 s0, $0x3  }
0x139: {  	s21 =	simm.s32 @p0 $0x100;
	s3 =	sadd.s32 @p0 s5, s0  }
0x13a: {  	[tilespmem:s21], [sflag:$0x2] =	stream.linear.gather @p0 [hbm4b:s3+s9], $0x80, $0x38;
	[tilespmem:$0x1BB80] =	vst v63  }
0x13b: {  	s30 =	simm.s32 $0x0;
	s3 =	sadd.s32 @p0 $0xA000, s3;
	s21 =	simm.s32 @p0 $0x180  }
0x13c: {  	v1 =	vmov s30;
	[tilespmem:s21], [sflag:$0x2] =	stream.linear.gather @p0 [hbm4b:s3+s9], $0x80, $0x38;
	[tilespmem:$0x1BB80] =	vst v63  }
0x13d: {  	v1 =	vand.u32 $0x7F, v1;
	s0 =	sadd.s32 @p0 s6, s0;
	s3 =	simm.s32 @p0 $0x480  }
0x13e: {  	v1 =	vor.u32 $0x180, v1;
	[tilespmem:s3], [sflag:$0x2] =	stream.linear.gather @p0 [hbm4b:s0+s9], $0x80, $0x38;
	[tilespmem:$0x1BB80] =	vst v63  }
0x13f: {  	v1 =	vbroadcast v1, $0x0;
	s0 =	simm.s32 @!p0 $0x7  }
0x140: {  	_ =	swait.ge @!p0 [sflag:s0], $0x3E80  }
0x141: {  	[sflag:s0] =	ssyncset.done @!p0 $0x0  }
0x142: {  	s3 =	simm.s32 $0x44F0;
	[sflag:s0] =	ssyncadd.s32 @!p0 $0xFFFFC180  }
0x143: {  	v5 =	vld [tilespmem:s3+$0x0]  }
0x144: {  	v8 =	vld [tilespmem:s3+$0xFFFFFFE0]  }
0x145: {  	v1 =	vld.idx.msk [tilespmem:v1+s31+$0x0], $0xffff  }
0x146: {  	v6 =	vld [tilespmem:s3+$0xFFFFFF90]  }
0x147: {  	v11 =	vld [tilespmem:s3+$0xFFFFFFB0]  }
0x148: {  	v2 =	vld [tilespmem:s3+$0xFFFFFFF0]  }
0x149: {  	v3 =	vld [tilespmem:s3+$0xFFFFFFC0]  }
0x14a: {  	v4 =	vld [tilespmem:s3+$0xFFFFFFA0]  }
0x14b: {  	v9 =	vmul.f32 v5, v1;
	v5 =	vld [tilespmem:s3+$0xFFFFFFD0]  }
0x14c: {  	s30 =	simm.s32 $0x1;
	v7 =	vmul.f32 v6, v1  }
0x14d: {  	v10 =	vmov s30;
	s21 =	simm.s32 $0x44F0;
	s9 =	simm.s32 $0x2;
	v6 =	vmul.f32 v11, v1;
	v8 =	vmul.f32 v8, v1  }
.LBB2_11:
0x14e: {  	p0 =	sne.s32 s9, $0x7C  }
0x14f: {  	v10 =	vand.u32 $0x7F, v10;
	v4 =	vmul.f32 v4, v1;
	v11 =	vmul.f32 v2, v1;
	[tilespmem:s3+$0x0] =	vst v9;
	s21 =	sadd.s32 $0x80, s21;
	s0 =	smov.u32 s9;
	s9 =	sadd.s32 $0x1, s9  }
0x150: {  	v3 =	vmul.f32 v3, v1;
	v2 =	vor.u32 $0x180, v10;
	[tilespmem:s3+$0xFFFFFF90] =	vst v7;
	v1 =	vmul.f32 v5, v1  }
0x151: {  	v5 =	vbroadcast v2, $0x0;
	[tilespmem:s3+$0xFFFFFFE0] =	vst v8  }
0x152: {  	[tilespmem:s3+$0xFFFFFFB0] =	vst v6  }
0x153: {  	v2 =	vld [tilespmem:s21+$0xFFFFFFF0];
	[tilespmem:s3+$0xFFFFFFC0] =	vst v3  }
0x154: {  	v6 =	vld [tilespmem:s21+$0x0];
	[tilespmem:s3+$0xFFFFFFD0] =	vst v1  }
0x155: {  	v3 =	vld [tilespmem:s21+$0xFFFFFFC0];
	[tilespmem:s3+$0xFFFFFFF0] =	vst v11  }
0x156: {  	v8 =	vld [tilespmem:s21+$0xFFFFFFE0];
	[tilespmem:s3+$0xFFFFFFA0] =	vst v4;
	s3 =	smov.u32 s21  }
0x157: {  	v1 =	vld.idx.msk [tilespmem:v5+s31+$0x0], $0xffff  }
0x158: {  	v7 =	vld [tilespmem:s21+$0xFFFFFF90]  }
0x159: {  	v11 =	vld [tilespmem:s21+$0xFFFFFFB0]  }
.Ltmp4:
0x15a: {  	v4 =	vld [tilespmem:s21+$0xFFFFFFA0];
	(pc) =	sbr.rel @p0 .LBB2_11-.Ltmp4, $3  }
0x15b: {  	v5 =	vld [tilespmem:s21+$0xFFFFFFD0];
	_ =	sdelay $0x1  }
0x15c: {  	v9 =	vmul.f32 v6, v1;
	v7 =	vmul.f32 v7, v1  }
0x15d: {  	v10 =	vmov s0;
	v8 =	vmul.f32 v8, v1;
	v6 =	vmul.f32 v11, v1  }
0x15e: {  	[tilespmem:s3+$0x0] =	vst v9;
	v57 =	vand.u32 $0x7F, v10  }
0x15f: {  	[tilespmem:s3+$0xFFFFFF90] =	vst v7;
	v58 =	vor.u32 $0x180, v57  }
0x160: {  	v3 =	vmul.f32 v3, v1;
	[tilespmem:s3+$0xFFFFFFE0] =	vst v8;
	v7 =	vbroadcast v58, $0x0  }
0x161: {  	s0 =	sadd.s32 $0x80, s21;
	v5 =	vmul.f32 v5, v1;
	[tilespmem:s3+$0xFFFFFFB0] =	vst v6  }
0x162: {  	v2 =	vmul.f32 v2, v1;
	v59 =	vld [tilespmem:s0+$0xFFFFFFF0];
	[tilespmem:s3+$0xFFFFFFC0] =	vst v3  }
0x163: {  	v1 =	vmul.f32 v4, v1;
	v3 =	vld [tilespmem:s0+$0x0];
	[tilespmem:s3+$0xFFFFFFD0] =	vst v5  }
0x164: {  	v60 =	vld [tilespmem:s0+$0xFFFFFFC0];
	[tilespmem:s3+$0xFFFFFFF0] =	vst v2  }
0x165: {  	[tilespmem:s3+$0xFFFFFFA0] =	vst v1  }
0x166: {  	v1 =	vld.idx.msk [tilespmem:v7+s31+$0x0], $0xffff  }
0x167: {  	v2 =	vld [tilespmem:s0+$0xFFFFFF90]  }
0x168: {  	v5 =	vld [tilespmem:s0+$0xFFFFFFE0]  }
0x169: {  	v8 =	vld [tilespmem:s0+$0xFFFFFFD0]  }
0x16a: {  	v61 =	vld [tilespmem:s0+$0xFFFFFFB0]  }
0x16b: {  	v3 =	vmul.f32 v3, v1  }
0x16c: {  	v2 =	vmul.f32 v2, v1  }
0x16d: {  	v62 =	vld [tilespmem:s0+$0xFFFFFFA0];
	v5 =	vmul.f32 v5, v1;
	[tilespmem:s0+$0x0] =	vst v3  }
0x16e: {  	v63 =	vmul.f32 v8, v1;
	[tilespmem:s0+$0xFFFFFF90] =	vst v2  }
0x16f: {  	s14 =	sadd.s32 $0x1, s14;
	v3 =	vmul.f32 v61, v1;
	[tilespmem:s0+$0xFFFFFFE0] =	vst v5  }
0x170: {  	p0 =	sne.s32 s14, $0x14;
	v2 =	vmul.f32 v60, v1;
	[tilespmem:s0+$0xFFFFFFD0] =	vst v63  }
.Ltmp5:
0x171: {  	[tilespmem:s0+$0xFFFFFFB0] =	vst v3;
	v3 =	vmul.f32 v59, v1;
	(pc) =	sbr.rel @p0 .LBB2_4-.Ltmp5, $4  }
0x172: {  	[tilespmem:s0+$0xFFFFFFC0] =	vst v2;
	v1 =	vmul.f32 v62, v1  }
0x173: {  	[tilespmem:s0+$0xFFFFFFF0] =	vst v3  }
0x174: {  	[tilespmem:s0+$0xFFFFFFA0] =	vst v1  }
0x175: {  	[spmem:s2] =	stream.indirect.scatter.add.f32 [tilespmem:s18], [sflag:$0x8], $0x80, s7, s15, $0xb8;
	[tilespmem:$0x1BB80] =	vst v63  }
0x176: {  	_ =	swait.ge [sflag:s11], $0x3E80  }
0x177: {  	[sflag:s11] =	ssyncset.done $0x0  }
0x178: {  	[sflag:s11] =	ssyncadd.s32 $0xFFFFC180  }
0x179: {  	s0 =	stileid.u32;
	[bflag:$0x0] =	sbarrier.arrive $0xFFFF  }
0x17a: {  	s13 =	simm.s32 $0x9;
	s0 =	sshll.u32 s0, $0x6;
	s29 =	rddreg [dreg:$0x5]  }
0x17b: {  	s0 =	sor.u32 $0x1C09, s0;
	s9 =	rddreg [dreg:$0x10];
	s3 =	sshrl.u32 s29, $0x3  }
0x17c: {  	[hbm:s9], [sflag:s0] =	dma.local [spmem:s3], $0x7D0  }
0x17d: {  	_ =	swait.ge [sflag:s13], $0x7D0  }
0x17e: {  	[sflag:s13] =	ssyncset.done $0x0;
	s21 =	rddreg [dreg:$0x6]  }
0x17f: {  	s30 =	rddreg [dreg:$0x11];
	[sflag:s13] =	ssyncadd.s32 $0xFFFFF830;
	s3 =	sshrl.u32 s21, $0x3  }
0x180: {  	[hbm:s30], [sflag:s0] =	dma.local [spmem:s3], $0x7D0  }
0x181: {  	_ =	swait.ge [sflag:s13], $0x7D0  }
0x182: {  	[sflag:s13] =	ssyncset.done $0x0;
	s9 =	rddreg [dreg:$0x7]  }
0x183: {  	s14 =	rddreg [dreg:$0x12];
	[sflag:s13] =	ssyncadd.s32 $0xFFFFF830;
	s3 =	sshrl.u32 s9, $0x3  }
0x184: {  	[hbm:s14], [sflag:s0] =	dma.local [spmem:s3], $0x7D0  }
0x185: {  	_ =	swait.ge [sflag:s13], $0x7D0  }
0x186: {  	[sflag:s13] =	ssyncset.done $0x0;
	s21 =	rddreg [dreg:$0x8]  }
0x187: {  	s30 =	rddreg [dreg:$0x13];
	[sflag:s13] =	ssyncadd.s32 $0xFFFFF830;
	s3 =	sshrl.u32 s21, $0x3  }
0x188: {  	[hbm:s30], [sflag:s0] =	dma.local [spmem:s3], $0x7D0  }
0x189: {  	_ =	swait.ge [sflag:s13], $0x7D0  }
0x18a: {  	[sflag:s13] =	ssyncset.done $0x0;
	s14 =	rddreg [dreg:$0xa]  }
0x18b: {  	s21 =	rddreg [dreg:$0x14];
	[sflag:s13] =	ssyncadd.s32 $0xFFFFF830;
	s3 =	sshrl.u32 s14, $0x3  }
0x18c: {  	[hbm:s21], [sflag:s0] =	dma.local [spmem:s3], $0x7D0  }
0x18d: {  	_ =	swait.ge [sflag:s13], $0x7D0  }
0x18e: {  	s21 =	rddreg [dreg:$0x4]  }
0x18f: {  	s30 =	rddreg [dreg:$0x15];
	s21 =	sadd.s32 $0x1, s21  }
0x190: {  	p0 =	sne.s32 s21, s30  }
.Ltmp6:
0x191: {  	_ = 	snop;
	(pc) =	sbr.rel @p0 .LBB2_1-.Ltmp6, $3  }
0x192: {  	_ =	sdelay $0x1  }
0x193: {  	[sflag:s13] =	ssyncset.done $0x0  }
0x194: {  	[sflag:s13] =	ssyncadd.s32 $0xFFFFF830  }
0x195: {  	_ =	sfence.sel $0x180000  }
0x196: {  	[bflag:$0x0] =	sbarrier.arrive $0xFFFF  }
0x197: {  	_ =	strace $0x9000004A  }
0x198: {  	s0 =	stileid.u32;
	[bflag:$0x2] =	sbarrier.arrive $0xFFFF  }
0x199: {  	p0 =	sne.s32 s0, $0x0;
	s0 =	rddreg [dreg:$0x3]  }
0x19a: {  	s0 =	sadd.s32 @!p0 $0x100000, s0  }
0x19b: {  	[sflag:s0] =	ssyncadd.tile.s32 @!p0 $0x1;
	_ =	shalt  }
.Lfunc_end2:
_tile_overlayer_lowered:
.L_overlay_start_2:
0x19c: {  	(tag) =	ssettag $0x2  }
0x19d: {  	s0 =	rddreg [dreg:$0x0];
	s2 =	stileid.u32  }
0x19e: {  	s1 =	rddreg [dreg:$0x1];
	p0 =	sne.s32 s2, $0x0  }
0x19f: {  	s3 =	rddreg [dreg:$0x2];
	[bflag:$0x3] =	sbarrier.arrive $0xFFFF;
	s2 =	simm.s32 @!p0 $0x1C09  }
0x1a0: {  	[timem:s3], [sflag:s2] =	dma.local @!p0 [hbm:s0], s1  }
0x1a1: {  	s0 =	simm.s32 @!p0 $0x9  }
0x1a2: {  	_ =	swait.ge @!p0 [sflag:s0], s1  }
0x1a3: {  	s1 =	ssub.s32 @!p0 $0x0, s1;
	[sflag:s0] =	ssyncset.done @!p0 $0x0  }
0x1a4: {  	[sflag:s0] =	ssyncadd.s32 @!p0 s1  }
0x1a5: {  	[bflag:$0x3] =	sbarrier.arrive $0xFFFF  }
0x1a6: {  	_ =	shalt  }

// kernel: kernel.7.cloned.1.call-start
scs
__scs_entry_jumppad:
0x0: {  	(pc) =	sbr.rel $0x88, $3  }
0x1: {  	(tag) =	ssettag $0x0;
	lr =	simm.s32 $0x1  }
0x2: {  	[smem:$0x3F91] =	sst lr;
	_ =	strace $0xD0000000  }
0x3: {  	_ = 	snop  }
0x4: {  	_ = 	snop  }
0x5: {  	_ = 	snop  }
0x6: {  	_ = 	snop  }
0x7: {  	_ = 	snop  }
__scs_overlays_trampoline_lowered:
0x8: {  	[smem:$0x3FA0] =	sst s0  }
0x9: {  	[smem:$0x3FA1] =	sst s1  }
0xa: {  	[smem:$0x3FA2] =	sst s2  }
0xb: {  	[smem:$0x3FA3] =	sst s3  }
0xc: {  	[smem:$0x3FA4] =	sst s4  }
0xd: {  	[smem:$0x3FA5] =	sst s5  }
0xe: {  	[smem:$0x3FA6] =	sst s6  }
0xf: {  	[smem:$0x3FA7] =	sst s7  }
0x10: {  	[smem:$0x3FA8] =	sst s8  }
0x11: {  	[smem:$0x3FA9] =	sst s9;
	s0 =	simm.s32 @!p0 $0x0  }
0x12: {  	s1 =	sld [smem:$0x3F8F];
	s0 =	simm.s32 @p0 $0x1  }
0x13: {  	[smem:$0x3FAA] =	sst s0;
	s0 =	simm.s32 @!p1 $0x0  }
0x14: {  	s2 =	sld [smem:$0x3F8E];
	s0 =	simm.s32 @p1 $0x1  }
0x15: {  	[smem:$0x3FAB] =	sst s0;
	s0 =	simm.s32 @!p2 $0x0  }
0x16: {  	s3 =	sld [smem:$0x3FDB];
	s0 =	simm.s32 @p2 $0x1  }
0x17: {  	s4 =	simm.s32 $0x1BF5;
	[smem:$0x3FAD] =	sst s0  }
0x18: {  	s0 =	sld [smem:$0x3F90];
	_ =	swait.ge [sflag:s4], $0x0  }
0x19: {  	s7 =	sld [smem:$0x3F91]  }
0x1a: {  	s8 =	sadd.s32 $0xFFFFE003, lr  }
0x1b: {  	s9 =	sadd.s32 $0xFFFFFEF7, lr;
	s5 =	simm.s32 $0xFFFFFFFF;
	p2 =	slt.u32 s8, $0xFFFFF086  }
0x1c: {  	p1 =	slt.u32 s9, $0xF7A;
	s5 =	simm.s32 @!p2 $0x0  }
0x1d: {  	s5 =	simm.s32 @p1 $0x1;
	p0 =	seq.s32 s7, s2  }
0x1e: {  	s7 =	smul.u32 @!p0 $0xF7A, s2;
	p2 =	seq.s32 @!p0 s5, $0x0  }
0x1f: {  	s9 =	smul.u32 $0xF7A, s1;
	s8 =	simm.s32 @!p0 $0x1BF5;
	p2 =	por !p2, p0  }
0x20: {  	[sflag:s8] =	ssyncset.s32 @!p0 $0xFFFFF086;
	s6 =	sadd.s32 @!p0 s3, s7;
	s7 =	simm.s32 @!p0 $0x108  }
0x21: {  	s3 =	sadd.s32 s3, s9;
	s6 =	sadd.s32 @!p0 $0x88, s6;
	s7 =	simm.s32 @p2 $0x1082  }
0x22: {  	[simem:s7], [sflag:s8] =	dma.local @!p0 [hbm:s6], $0xF7A  }
0x23: {  	s9 =	sor.u32 $0xD0000000, s2;
	s6 =	simm.s32 $0x108;
	_ =	swait.ge @!p0 [sflag:s8], $0x0  }
0x24: {  	s3 =	sadd.s32 $0x88, s3;
	s6 =	simm.s32 @!p1 $0x1082;
	[sflag:s4] =	ssyncset.s32 $0xFFFFF086  }
0x25: {  	[simem:s6], [sflag:s4] =	dma.local [hbm:s3], $0xF7A  }
0x26: {  	[smem:$0x3F91] =	sst s1;
	(tag) =	ssettag s2;
	_ =	strace s9  }
0x27: {  	s1 =	sld [smem:$0x3FA1]  }
0x28: {  	s2 =	sld [smem:$0x3FA2]  }
0x29: {  	s4 =	sld [smem:$0x3FA4]  }
0x2a: {  	p0 =	seq.s32 s5, $0x0;
	s5 =	sld [smem:$0x3FA5]  }
0x2b: {  	s6 =	sld [smem:$0x3FA6]  }
0x2c: {  	s7 =	sld [smem:$0x3FA7]  }
0x2d: {  	s3 =	simm.s32 $0x108;
	s8 =	sld [smem:$0x3FA8]  }
0x2e: {  	s3 =	simm.s32 @!p0 $0x1082;
	s9 =	sld [smem:$0x3FA9]  }
0x2f: {  	lr =	sadd.s32 s0, s3;
	s0 =	sld [smem:$0x3FA0]  }
0x30: {  	s3 =	sld [smem:$0x3FA3]  }
0x31: {  	[smem:$0x3FAC] =	sst s10  }
0x32: {  	s10 =	sld [smem:$0x3FAA];
	_ =	sdelay $0x3  }
0x33: {  	p0 =	seq.s32 s10, $0x1;
	s10 =	sld [smem:$0x3FAC];
	_ =	sdelay $0x3  }
0x34: {  	[smem:$0x3FAC] =	sst s10  }
0x35: {  	s10 =	sld [smem:$0x3FAB];
	_ =	sdelay $0x3  }
0x36: {  	p1 =	seq.s32 s10, $0x1;
	s10 =	sld [smem:$0x3FAC];
	_ =	sdelay $0x3  }
0x37: {  	[smem:$0x3FAC] =	sst s10  }
0x38: {  	s10 =	sld [smem:$0x3FAD]  }
0x39: {  	_ = 	snop;
	(pc) =	sbr.ind lr, $3  }
0x3a: {  	_ = 	snop  }
0x3b: {  	_ = 	snop  }
0x3c: {  	p2 =	seq.s32 s10, $0x1;
	s10 =	sld [smem:$0x3FAC]  }
0x3d: {  	_ =	shalt  }
0x3e: {  	_ =	shalt  }
0x3f: {  	_ =	shalt  }
0x40: {  	_ =	shalt  }
0x41: {  	_ =	shalt  }
0x42: {  	_ =	shalt  }
0x43: {  	_ =	shalt  }
0x44: {  	_ =	shalt  }
0x45: {  	_ =	shalt  }
0x46: {  	_ =	shalt  }
0x47: {  	_ =	shalt  }
0x48: {  	_ =	shalt  }
0x49: {  	_ =	shalt  }
0x4a: {  	_ =	shalt  }
0x4b: {  	_ =	shalt  }
0x4c: {  	_ =	shalt  }
0x4d: {  	_ =	shalt  }
0x4e: {  	_ =	shalt  }
0x4f: {  	_ =	shalt  }
0x50: {  	_ =	shalt  }
0x51: {  	_ =	shalt  }
0x52: {  	_ =	shalt  }
0x53: {  	_ =	shalt  }
0x54: {  	_ =	shalt  }
0x55: {  	_ =	shalt  }
0x56: {  	_ =	shalt  }
0x57: {  	_ =	shalt  }
0x58: {  	_ =	shalt  }
0x59: {  	_ =	shalt  }
0x5a: {  	_ =	shalt  }
0x5b: {  	_ =	shalt  }
0x5c: {  	_ =	shalt  }
0x5d: {  	_ =	shalt  }
0x5e: {  	_ =	shalt  }
0x5f: {  	_ =	shalt  }
0x60: {  	_ =	shalt  }
0x61: {  	_ =	shalt  }
0x62: {  	_ =	shalt  }
0x63: {  	_ =	shalt  }
0x64: {  	_ =	shalt  }
0x65: {  	_ =	shalt  }
0x66: {  	_ =	shalt  }
0x67: {  	_ =	shalt  }
0x68: {  	_ =	shalt  }
0x69: {  	_ =	shalt  }
0x6a: {  	_ =	shalt  }
0x6b: {  	_ =	shalt  }
0x6c: {  	_ =	shalt  }
0x6d: {  	_ =	shalt  }
0x6e: {  	_ =	shalt  }
0x6f: {  	_ =	shalt  }
0x70: {  	_ =	shalt  }
0x71: {  	_ =	shalt  }
0x72: {  	_ =	shalt  }
0x73: {  	_ =	shalt  }
0x74: {  	_ =	shalt  }
0x75: {  	_ =	shalt  }
0x76: {  	_ =	shalt  }
0x77: {  	_ =	shalt  }
0x78: {  	_ =	shalt  }
0x79: {  	_ =	shalt  }
0x7a: {  	_ =	shalt  }
0x7b: {  	_ =	shalt  }
0x7c: {  	_ =	shalt  }
0x7d: {  	_ =	shalt  }
0x7e: {  	_ =	shalt  }
0x7f: {  	_ =	shalt  }
0x80: {  	_ =	shalt  }
0x81: {  	_ =	shalt  }
0x82: {  	_ =	shalt  }
0x83: {  	_ =	shalt  }
0x84: {  	_ =	shalt  }
0x85: {  	_ =	shalt  }
0x86: {  	_ =	shalt  }
0x87: {  	_ =	shalt  }
.Lfunc_end0:
.L_simem_size_0:
called_computation_lowered:
.L_overlay_start_0:
0x88: {  	s2 =	sld [smem:$0x3FD9]  }
0x89: {  	s3 =	sld [smem:$0x3FFE];
	_ =	sdelay $0x1  }
0x8a: {  	s1 =	srdreg.scid  }
0x8b: {  	s0 =	sand.u32 $0x1, s1  }
0x8c: {  	s16 =	sshll.u32 s0, $0xA;
	s2 =	sadd.s32 s3, s2  }
0x8d: {  	s2 =	sadd.s32 s2, s16  }
0x8e: {  	[smem:$0x3FB8] =	sst s2  }
0x8f: {  	_ = 	snop  }
0x90: {  	(tm) =	ssettm $0x1  }
0x91: {  	s17 =	sld [smem:$0x3FFB];
	_ =	sdelay $0x3  }
0x92: {  	_ =	strace s17  }
0x93: {  	s2 =	sld [smem:$0x3FFC];
	_ =	sdelay $0x3  }
0x94: {  	_ =	strace s2  }
0x95: {  	s2 =	sld [smem:$0x3FFD];
	_ =	sdelay $0x3  }
0x96: {  	_ =	strace s2  }
0x97: {  	_ =	strace $0x8FFFFFFF  }
0x98: {  	s18 =	sld [smem:$0x3FDB];
	_ =	sdelay $0x1  }
0x99: {  	s19 =	simm.s32 $_scs_section_size  }
0x9a: {  	s4 =	simm.s32 $_size__tile_overlayer_lowered;
	s5 =	simm.s32 $_tile_overlayer_lowered  }
0x9b: {  	s22 =	simm.s32 $0x1BFF;
	s21 =	sshll.u32 s5, $0x1;
	s2 =	sadd.s32 s19, s18  }
0x9c: {  	s6 =	simm.s32 $0x0;
	s20 =	sshll.u32 s4, $0x1;
	s4 =	sadd.s32 s21, s2  }
0x9d: {  	[timem:s6], [sflag:s22] =	dma.local [hbm:s4], s20  }
0x9e: {  	_ =	swait.ge [sflag:s22], s20  }
0x9f: {  	s3 =	ssub.s32 $0x0, s20;
	[sflag:s22] =	ssyncset.done $0x0  }
0xa0: {  	[sflag:s22] =	ssyncadd.s32 s3;
	_ =	sdelay $0x1  }
0xa1: {  	s23 =	simm.s32 $0x1B8B  }
0xa2: {  	_ =	swait.ge [sflag:s23], $0x1  }
0xa3: {  	[sflag:s23] =	ssyncset.done $0x0  }
0xa4: {  	s25 =	simm.s32 $0x1B8E;
	s24 =	sld [smem:$0x3FFE];
	[sflag:s23] =	ssyncadd.s32 $0xFFFFFFFF  }
0xa5: {  	s26 =	simm.s32 $execute0_lowered;
	[smem:$0x3FD2] =	sst s25  }
0xa6: {  	s4 =	sshll.u32 s26, $0x1;
	_ =	strace $0x80000046;
	[dreg:$0x1] =	wrdreg $0xFFFFFFFF  }
0xa7: {  	s28 =	simm.s32 $_size_execute0_lowered;
	s2 =	sadd.s32 s2, s4;
	[dreg:$0x0] =	wrdreg $0x0  }
0xa8: {  	s4 =	sshll.u32 s28, $0x1;
	[dreg:$0x2] =	wrdreg s2  }
0xa9: {  	[dreg:$0x3] =	wrdreg s4  }
0xaa: {  	[dreg:$0x4] =	wrdreg $0xC0  }
0xab: {  	_ =	task [dreg:s6], $0x5FFFF  }
0xac: {  	[dreg:$0x1] =	wrdreg $0xFFFFFFFF  }
0xad: {  	[dreg:$0x0] =	wrdreg $0x60  }
0xae: {  	[dreg:$0x2] =	wrdreg s24  }
0xaf: {  	[dreg:$0x3] =	wrdreg $0x9  }
0xb0: {  	_ =	task.clear_ibuf [dreg:s6], $0x4FFFF;
	_ =	strace $0x90000046  }
0xb1: {  	s29 =	simm.s32 $0x9;
	_ =	strace $0x80000048  }
0xb2: {  	_ =	swait.ge [sflag:s29], $0x1  }
0xb3: {  	[sflag:s29] =	ssyncadd.s32 $0xFFFFFFFF  }
0xb4: {  	_ =	strace $0x90000048  }
0xb5: {  	_ =	sfence  }
0xb6: {  	s30 =	sld [smem:$0x0];
	_ =	sdelay $0x2  }
0xb7: {  	s31 =	sshll.u32 s1, $0xD;
	s1 =	sshrl.u32 s1, $0x2  }
0xb8: {  	s3 =	sand.u32 $0x4000, s31;
	s1 =	sadd.s32 s1, s30  }
0xb9: {  	s0 =	sor.u32 s3, s0;
	s1 =	sshll.u32 s1, $0x11  }
0xba: {  	s0 =	sor.u32 s1, s0  }
0xbb: {  	s0 =	sadd.s32 $0x8F2B, s0  }
0xbc: {  	[sflag:s0] =	ssyncadd.remote.s32 $0x1  }
0xbd: {  	_ =	sfence.sel $0xFFFF  }
0xbe: {  	[dreg:$0x0] =	wrdreg $0xFFFFFFFF;
	(pc) =	sbr.abs _section_cstart, $3  }
0xbf: {  	[dreg:$0x1] =	wrdreg $0xFFFFFFFF  }
0xc0: {  	_ =	task.clear_ibuf [dreg:s6], $0x2FFFF;
	_ =	strace $0x9FFFFFFF  }
0xc1: {  	(tm) =	ssettm $0x7FFFFFFF  }
tec
execute0_lowered:
.L_overlay_start_1:
0x0: {  	(tag) =	ssettag $0x1  }
0x1: {  	s1 =	srdreg.scid  }
0x2: {  	s0 =	stileid.u32;
	s4 =	rddreg [dreg:$0x0];
	s2 =	simm.s32 $0x0  }
0x3: {  	s10 =	simm.s32 $0x2710;
	s11 =	simm.s32 $0x4E20;
	s12 =	simm.s32 $0x7530  }
0x4: {  	s13 =	simm.s32 $0x1;
	s3 =	sand.u32 $0x1, s1;
	s30 =	sshll.u32 s0, $0x1  }
0x5: {  	s14 =	simm.s32 $0xC350;
	s15 =	simm.s32 $0x9C40;
	s5 =	sor.u32 s3, s30  }
0x6: {  	s16 =	simm.s32 $0x2;
	s1 =	rddreg [dreg:$0x1];
	s5 =	smul.u32 $0x2710, s5  }
0x7: {  	s17 =	simm.s32 $0x0;
	[smem:$0x7FF] =	sst s2;
	s6 =	ssub.s32 $0x2, s3  }
0x8: {  	_ =	strace $0x80000047;
	s31 =	sshrl.u32 s6, $0x1;
	s5 =	sshrl.u32 s5, $0x3  }
0x9: {  	s3 =	sadd.s32 $0x3C00, s4;
	s9 =	ssub.s32 s6, s31;
	s8 =	sadd.s32 s5, s4  }
0xa: {  	s9 =	smax.u32 s9, $0x1;
	s4 =	sadd.s32 $0x3600, s4;
	s5 =	sadd.s32 $0x4200, s8  }
0xb: {  	v0 =	vimm.f32 $0.0e+00;
	s6 =	sadd.s32 $0xDE40, s8;
	s7 =	sadd.s32 $0x17C00, s8;
	s8 =	sadd.s32 $0x21A00, s8  }
.LBB2_1:
0xc: {  	[tilespmem:s2], [sflag:$0x1] =	stream.linear.gather [hbm4b:s3+s2], $0x2710, $0x38;
	[tilespmem:$0xEA60] =	vst v63  }
0xd: {  	_ = 	snop  }
0xe: {  	[tilespmem:s10], [sflag:$0x1] =	stream.linear.gather [hbm4b:s4+s2], $0x2710, $0x38;
	[tilespmem:$0xEA60] =	vst v63  }
0xf: {  	_ = 	snop  }
0x10: {  	[tilespmem:s11], [sflag:$0x1] =	stream.linear.gather [hbm4b:s5+s2], $0x2710, $0x38;
	[tilespmem:$0xEA60] =	vst v63  }
0x11: {  	s18 =	simm.s32 $0x40;
	s19 =	simm.s32 $0x0  }
0x12: {  	[tilespmem:s12], [sflag:$0x1] =	stream.linear.gather [hbm4b:s6+s2], $0x2710, $0x38;
	[tilespmem:$0xEA60] =	vst v63  }
.LBB2_2:
0x13: {  	p0 =	sne.s32 s18, $0x9C00;
	[tilespmem:s19+$0xC350] =	vst v0;
	s19 =	smov.u32 s18;
	s18 =	sadd.s32 $0x40, s18  }
.Ltmp0:
0x14: {  	(pc) =	sbr.rel @p0 .LBB2_2-.Ltmp0, $2  }
0x15: {  	_ =	sdelay $0x2  }
0x16: {  	s19 =	sshra.s32 s19, $0x2  }
0x17: {  	[tilespmem:s19+$0xC350] =	vst v0  }
0x18: {  	_ =	swait.ge [sflag:s13], $0x2710  }
0x19: {  	[sflag:s13] =	ssyncset.done $0x0  }
0x1a: {  	[sflag:s13] =	ssyncadd.s32 $0xFFFFD8F0  }
0x1b: {  	_ =	swait.ge [sflag:s13], $0x2710  }
0x1c: {  	[sflag:s13] =	ssyncset.done $0x0  }
0x1d: {  	[sflag:s13] =	ssyncadd.s32 $0xFFFFD8F0  }
0x1e: {  	_ =	swait.ge [sflag:s13], $0x2710  }
0x1f: {  	[sflag:s13] =	ssyncset.done $0x0  }
0x20: {  	[sflag:s13] =	ssyncadd.s32 $0xFFFFD8F0  }
0x21: {  	_ =	swait.ge [sflag:s13], $0x2710  }
0x22: {  	[sflag:s13] =	ssyncset.done $0x0  }
0x23: {  	s18 =	simm.s32 $0x0;
	[sflag:s13] =	ssyncadd.s32 $0xFFFFD8F0  }
0x24: {  	v2 =	vld [tilespmem:s18+$0x4E20]  }
0x25: {  	s19 =	simm.s32 $0x40;
	v1 =	vld [tilespmem:s18+$0x7530]  }
.LBB2_4:
0x26: {  	p0 =	sne.s32 s19, $0x9C00;
	_ =	sdelay $0x5  }
0x27: {  	v2 =	vld.idx.msk [tilespmem:v2+s2+$0x0], $0xffff  }
0x28: {  	v3 =	vld.idx.msk [tilespmem:v1+s10+$0x0], $0xffff;
	_ =	sdelay $0x5  }
0x29: {  	v2 =	vadd.f32 v3, v2;
	_ =	sdelay $0x1  }
0x2a: {  	v2 =	vadd.f32 v2, v2;
	_ =	sdelay $0x1  }
0x2b: {  	v2 =	vmul.f32 $1.442695020e+00, v2;
	_ =	sdelay $0x1  }
0x2c: {  	(erf) = vpow2.f32 v2;
	_ =	sdelay $0x8  }
0x2d: {  	v2 =	vpop (erf)  }
0x2e: {  	v2 =	vadd.f32 $1.000000000e+00, v2;
	_ =	sdelay $0x1  }
0x2f: {  	(erf) = vrcp.f32 v2;
	_ =	sdelay $0x8  }
0x30: {  	v2 =	vpop (erf)  }
0x31: {  	v2 =	vadd.f32 v2, v2;
	_ =	sdelay $0x1  }
0x32: {  	v2 =	vsub.f32 $1.000000000e+00, v2;
	_ =	sdelay $0x1  }
0x33: {  	v2 =	vmul.f32 $1.442695020e+00, v2;
	_ =	sdelay $0x1  }
0x34: {  	(erf) = vpow2.f32 v2;
	_ =	sdelay $0x8  }
.Ltmp1:
0x35: {  	v2 =	vpop (erf);
	(pc) =	sbr.rel @p0 .LBB2_4-.Ltmp1, $4  }
0x36: {  	[tilespmem:s18+$0x9C40] =	vst v2  }
0x37: {  	s18 =	sshra.s32 s19, $0x2;
	[tilespmem:v1+s14+$0x0] =	vst.idx.add.f32.msk $0xffff, v2  }
0x38: {  	v2 =	vld [tilespmem:s18+$0x4E20]  }
0x39: {  	s19 =	sadd.s32 $0x40, s19;
	v1 =	vld [tilespmem:s18+$0x7530]  }
0x3a: {  	_ =	sdelay $0x6  }
0x3b: {  	v2 =	vld.idx.msk [tilespmem:v2+s2+$0x0], $0xffff  }
0x3c: {  	v3 =	vld.idx.msk [tilespmem:v1+s10+$0x0], $0xffff;
	_ =	sdelay $0x4  }
0x3d: {  	v2 =	vadd.f32 v3, v2;
	_ =	sdelay $0x1  }
0x3e: {  	v2 =	vadd.f32 v2, v2;
	_ =	sdelay $0x1  }
0x3f: {  	v2 =	vmul.f32 $1.442695020e+00, v2;
	_ =	sdelay $0x1  }
0x40: {  	(erf) = vpow2.f32 v2;
	_ =	sdelay $0x8  }
0x41: {  	v2 =	vpop (erf)  }
0x42: {  	v2 =	vadd.f32 $1.000000000e+00, v2;
	_ =	sdelay $0x1  }
0x43: {  	(erf) = vrcp.f32 v2;
	_ =	sdelay $0x8  }
0x44: {  	v2 =	vpop (erf)  }
0x45: {  	v2 =	vadd.f32 v2, v2;
	_ =	sdelay $0x1  }
0x46: {  	v2 =	vsub.f32 $1.000000000e+00, v2;
	_ =	sdelay $0x1  }
0x47: {  	v2 =	vmul.f32 $1.442695020e+00, v2;
	_ =	sdelay $0x1  }
0x48: {  	(erf) = vpow2.f32 v2;
	_ =	sdelay $0x8  }
0x49: {  	v2 =	vpop (erf)  }
0x4a: {  	[tilespmem:s18+$0x9C40] =	vst v2  }
0x4b: {  	[tilespmem:v1+s14+$0x0] =	vst.idx.add.f32.msk $0xffff, v2  }
0x4c: {  	[hbm4b:s7+s2] =	stream.linear.scatter [tilespmem:s15], [sflag:$0x2], $0x2710, $0x38;
	[tilespmem:$0xEA60] =	vst v63  }
0x4d: {  	s17 =	sadd.s32 $0x1, s17;
	_ =	swait.ge [sflag:s16], $0x2710  }
0x4e: {  	p0 =	sne.s32 s17, s9;
	[sflag:s16] =	ssyncset.done $0x0  }
.Ltmp2:
0x4f: {  	[sflag:s16] =	ssyncadd.s32 $0xFFFFD8F0;
	(pc) =	sbr.rel @p0 .LBB2_1-.Ltmp2, $4  }
0x50: {  	[hbm4b:s8+s2] =	stream.linear.scatter [tilespmem:s14], [sflag:$0x2], $0x2710, $0x38;
	[tilespmem:$0xEA60] =	vst v63  }
0x51: {  	_ =	swait.ge [sflag:s16], $0x2710  }
0x52: {  	[sflag:s16] =	ssyncset.done $0x0  }
0x53: {  	[sflag:s16] =	ssyncadd.s32 $0xFFFFD8F0  }
0x54: {  	_ =	sfence.sel $0x180000  }
0x55: {  	[bflag:$0x0] =	sbarrier.arrive $0xFFFF  }
0x56: {  	p0 =	sne.s32 s0, $0x0;
	_ =	strace $0x90000047  }
0x57: {  	s0 =	sadd.s32 @!p0 $0x100000, s1;
	[bflag:$0x2] =	sbarrier.arrive $0xFFFF  }
0x58: {  	[sflag:s0] =	ssyncadd.tile.s32 @!p0 $0x1;
	_ =	shalt  }
.Lfunc_end2:
_tile_overlayer_lowered:
.L_overlay_start_2:
0x59: {  	(tag) =	ssettag $0x2  }
0x5a: {  	s0 =	rddreg [dreg:$0x0];
	s2 =	stileid.u32  }
0x5b: {  	s1 =	rddreg [dreg:$0x1];
	p0 =	sne.s32 s2, $0x0  }
0x5c: {  	s3 =	rddreg [dreg:$0x2];
	[bflag:$0x3] =	sbarrier.arrive $0xFFFF;
	s2 =	simm.s32 @!p0 $0x1C02  }
0x5d: {  	[timem:s3], [sflag:s2] =	dma.local @!p0 [hbm:s0], s1  }
0x5e: {  	s0 =	simm.s32 @!p0 $0x2  }
0x5f: {  	_ =	swait.ge @!p0 [sflag:s0], s1  }
0x60: {  	s1 =	ssub.s32 @!p0 $0x0, s1;
	[sflag:s0] =	ssyncset.done @!p0 $0x0  }
0x61: {  	[sflag:s0] =	ssyncadd.s32 @!p0 s1  }
0x62: {  	[bflag:$0x3] =	sbarrier.arrive $0xFFFF  }
0x63: {  	_ =	shalt  }

</sc_bundles>
